<compile_context>
chip_gen: v7x
topology: tpu7x:2x2x1
jax: 0.10.2.dev20260603
libtpu: 0.0.44.dev20260713+nightly
codegen_flags: <defaults>
</compile_context>

<pallas_src>
import functools

import numpy as np
import jax
import jax.numpy as jnp
from jax import lax
from jax.experimental import pallas as pl
from jax.experimental.pallas import tpu as pltpu
from jax.experimental.pallas import tpu_sc as plsc

_N = 10000
_N2 = _N // 2
_E = 320000
_DF = 128
_DS = 58
_H = 64
_ALPHA = 0.4
_THETA = 0.9

_NC = 2
_NS = 16
_NW = _NC * _NS
_K = 125
_NCHUNK = _E // _K
_CPT = _NCHUNK // _NS
_CHD = _NCHUNK // _NW
_RPS = 640
_TAIL = _N - 15 * _RPS
_ZR = 128

_RB = 1000



def _mesh():
    return plsc.VectorSubcoreMesh(core_axis_name="c", subcore_axis_name="s",
                                  num_cores=_NC, num_subcores=_NS)


def _zero_slab(s, sp_ref, zbuf):
    lo = s * _RPS
    for t in range(_RPS // _ZR):
        @pl.when(jnp.logical_or(s < 15, t < _TAIL // _ZR))
        def _():
            pltpu.sync_copy(zbuf, sp_ref.at[pl.ds(lo + t * _ZR, _ZR)])

    @pl.when(s == 15)
    def _():
        pltpu.sync_copy(zbuf.at[pl.ds(0, _TAIL % _ZR)],
                        sp_ref.at[pl.ds(15 * _RPS + (_TAIL // _ZR) * _ZR,
                                        _TAIL % _ZR)])


def _dump(c, s, sp_ref, out):
    @pl.when(s < 15)
    def _():
        pltpu.sync_copy(sp_ref.at[pl.ds(s * _RPS, _RPS)],
                        out.at[c, pl.ds(s * _RPS, _RPS)])

    @pl.when(s == 15)
    def _():
        pltpu.sync_copy(sp_ref.at[pl.ds(15 * _RPS, _TAIL)],
                        out.at[c, pl.ds(15 * _RPS, _TAIL)])


def _deg_body(col2d, degp, col_v, ones_v, zbuf, deg_sp, ssa):
    c = lax.axis_index("c")
    s = lax.axis_index("s")
    w = c * _NS + s

    def fill_ones(i, carry):
        ones_v[i, :] = jnp.ones((16,), jnp.float32)
        return carry

    lax.fori_loop(0, _K, fill_ones, 0)

    def fill_z(i, carry):
        zbuf[i, :] = jnp.zeros((16,), jnp.float32)
        return carry

    lax.fori_loop(0, _ZR, fill_z, 0)

    _zero_slab(s, deg_sp, zbuf)
    pltpu.sync_copy(col2d.at[pl.ds(w * _CHD, _CHD)], col_v)
    plsc.subcore_barrier()

    def chunk(j, carry):
        pltpu.async_copy(ones_v, deg_sp.at[col_v.at[j]], ssa, add=True)

        @pl.when(j >= 8)
        def _():
            pltpu.make_async_copy(ones_v, deg_sp.at[col_v.at[j - 8]], ssa).wait()

        return carry

    lax.fori_loop(0, _CHD, chunk, 0)

    def drain(j, carry):
        pltpu.make_async_copy(ones_v, deg_sp.at[col_v.at[j]], ssa).wait()
        return carry

    lax.fori_loop(_CHD - 8, _CHD, drain, 0)
    plsc.subcore_barrier()
    _dump(c, s, deg_sp, degp)


_sc_deg = pl.kernel(
    _deg_body,
    out_type=jax.ShapeDtypeStruct((_NC, _N, 16), jnp.float32),
    mesh=_mesh(),
    scratch_types=[
        pltpu.VMEM((_CHD, _K), jnp.int32),
        pltpu.VMEM((_K, 16), jnp.float32),
        pltpu.VMEM((_ZR, 16), jnp.float32),
        pltpu.VMEM_SHARED((_N, 16), jnp.float32),
        pltpu.SemaphoreType.DMA,
    ],
    compiler_params=pltpu.CompilerParams(use_tc_tiling_on_sc=False),
    name="sc_deg_hist",
)


def _mp_body(h2, row2d, col2d, out, row_v, col_v, rba, rbb, zbuf, agg_sp,
             gsa, gsb, ssa, ssb):
    c = lax.axis_index("c")
    s = lax.axis_index("s")

    def fill_z(i, carry):
        for t in range(_H // 16):
            zbuf[i, pl.ds(16 * t, 16)] = jnp.zeros((16,), jnp.float32)
        return carry

    lax.fori_loop(0, _ZR, fill_z, 0)
    _zero_slab(s, agg_sp, zbuf)
    pltpu.sync_copy(row2d.at[pl.ds(s * _CPT, _CPT)], row_v)
    pltpu.sync_copy(col2d.at[pl.ds(s * _CPT, _CPT)], col_v)
    plsc.subcore_barrier()

    hb = h2.at[c]

    pltpu.async_copy(hb.at[row_v.at[0]], rba, gsa)

    def chunk(i, carry):
        j0 = 2 * i
        pltpu.make_async_copy(hb.at[row_v.at[j0]], rba, gsa).wait()

        @pl.when(i > 0)
        def _():
            pltpu.make_async_copy(rbb, agg_sp.at[col_v.at[j0 - 1]], ssb).wait()

        pltpu.async_copy(hb.at[row_v.at[j0 + 1]], rbb, gsb)
        pltpu.async_copy(rba, agg_sp.at[col_v.at[j0]], ssa, add=True)
        pltpu.make_async_copy(hb.at[row_v.at[j0 + 1]], rbb, gsb).wait()
        pltpu.make_async_copy(rba, agg_sp.at[col_v.at[j0]], ssa).wait()

        @pl.when(i < _CPT // 2 - 1)
        def _():
            pltpu.async_copy(hb.at[row_v.at[j0 + 2]], rba, gsa)

        pltpu.async_copy(rbb, agg_sp.at[col_v.at[j0 + 1]], ssb, add=True)
        return carry

    lax.fori_loop(0, _CPT // 2, chunk, 0)
    pltpu.make_async_copy(rbb, agg_sp.at[col_v.at[_CPT - 1]], ssb).wait()
    plsc.subcore_barrier()
    _dump(c, s, agg_sp, out)


_sc_mp = pl.kernel(
    _mp_body,
    out_type=jax.ShapeDtypeStruct((_NC, _N, _H), jnp.float32),
    mesh=_mesh(),
    scratch_types=[
        pltpu.VMEM((_CPT, _K), jnp.int32),
        pltpu.VMEM((_CPT, _K), jnp.int32),
        pltpu.VMEM((_K, _H), jnp.float32),
        pltpu.VMEM((_K, _H), jnp.float32),
        pltpu.VMEM((_ZR, _H), jnp.float32),
        pltpu.VMEM_SHARED((_N, _H), jnp.float32),
        pltpu.SemaphoreType.DMA,
        pltpu.SemaphoreType.DMA,
        pltpu.SemaphoreType.DMA,
        pltpu.SemaphoreType.DMA,
    ],
    compiler_params=pltpu.CompilerParams(use_tc_tiling_on_sc=False),
    name="sc_mp_round",
)



def _pre_body(dgp, x2, ds2, w0b, b0b, w11b, b11b, h128, h1128, hsb, dis):
    deg8 = dgp[0] + dgp[1]
    l = lax.broadcasted_iota(jnp.int32, (128, 128), 0)
    j = lax.broadcasted_iota(jnp.int32, (128, 128), 1)
    ys = []
    for k in range(4):
        mk = jnp.where((l == 32 * k) & (j < 64), 1.0,
                       jnp.where((l == 32 * k + 16) & (j >= 64), 1.0, 0.0))
        ys.append(jnp.dot(deg8, mk, preferred_element_type=jnp.float32))
    deg = jnp.stack(ys, axis=1).reshape(_N2, 128)
    d = jnp.where(deg > 0, lax.rsqrt(jnp.maximum(deg, 1e-12)), 0.0)
    a = jnp.maximum(
        jnp.dot(x2[...], w0b[...], preferred_element_type=jnp.float32) + b0b[...], 0.0)
    b = jnp.maximum(
        jnp.dot(ds2[...], w11b[...], preferred_element_type=jnp.float32) + b11b[...], 0.0)
    h128[...] = a
    h1128[...] = b
    hsb[...] = d * jnp.stack([a, b], axis=0)
    dis[...] = d


_pre = pl.pallas_call(
    _pre_body,
    out_shape=[
        jax.ShapeDtypeStruct((_N2, 128), jnp.float32),
        jax.ShapeDtypeStruct((_N2, 128), jnp.float32),
        jax.ShapeDtypeStruct((_NC, _N2, 128), jnp.float32),
        jax.ShapeDtypeStruct((_N2, 128), jnp.float32),
    ],
    name="tc_pre",
)


def _mix(beta, p, dis, h0, h10, w1a, w2a, w1b, w2b):
    d = dis[...]
    oa = _mix_half(beta, (1.0 - _ALPHA) * (d * p[0]), _ALPHA * h0[...], w1a, w2a)
    ob = _mix_half(beta, (1.0 - _ALPHA) * (d * p[1]), _ALPHA * h10[...], w1b, w2b)
    return oa, ob, d


def _mix_half(beta, aggh, h0a, w1, w2):
    o = (1.0 - beta) * aggh + beta * jnp.dot(
        aggh, w1[...], preferred_element_type=jnp.float32)
    o = o + (1.0 - beta) * h0a + beta * jnp.dot(
        h0a, w2[...], preferred_element_type=jnp.float32)
    return jnp.maximum(o, 0.0)


def _comb_mid_body(beta, p, dis, h0, h10, w1a, w2a, w1b, w2b, hsb):
    oa, ob, d = _mix(beta, p, dis, h0, h10, w1a, w2a, w1b, w2b)
    hsb[...] = d * jnp.stack([oa, ob], axis=0)


def _comb_last_body(beta, p, dis, h0, h10, w1a, w2a, w1b, w2b,
                    lwa, lwb, lb2, z2):
    oa, ob, _ = _mix(beta, p, dis, h0, h10, w1a, w2a, w1b, w2b)
    za = jnp.dot(oa, lwa[...], preferred_element_type=jnp.float32)
    zb = jnp.dot(ob, lwb[...], preferred_element_type=jnp.float32)
    z2[...] = jnp.stack([za, zb], axis=0) + lb2[...]


_W_SPECS = [
    pl.BlockSpec((_NC, _RB, 128), lambda i: (0, i, 0)),
    pl.BlockSpec((_RB, 128), lambda i: (i, 0)),
    pl.BlockSpec((_RB, 128), lambda i: (i, 0)),
    pl.BlockSpec((_RB, 128), lambda i: (i, 0)),
    pl.BlockSpec((128, 128), lambda i: (0, 0)),
    pl.BlockSpec((128, 128), lambda i: (0, 0)),
    pl.BlockSpec((128, 128), lambda i: (0, 0)),
    pl.BlockSpec((128, 128), lambda i: (0, 0)),
]

_comb_mid0 = pl.pallas_call(
    functools.partial(_comb_mid_body, float(np.log(_THETA / 1.0 + 1.0))),
    grid=(_N2 // _RB,),
    in_specs=_W_SPECS,
    out_specs=[pl.BlockSpec((_NC, _RB, 128), lambda i: (0, i, 0))],
    out_shape=[jax.ShapeDtypeStruct((_NC, _N2, 128), jnp.float32)],
    name="tc_combine_mid",
)

_comb_last1 = pl.pallas_call(
    functools.partial(_comb_last_body, float(np.log(_THETA / 2.0 + 1.0))),
    grid=(_N2 // _RB,),
    in_specs=_W_SPECS + [
        pl.BlockSpec((128, 2), lambda i: (0, 0)),
        pl.BlockSpec((128, 2), lambda i: (0, 0)),
        pl.BlockSpec((_NC, 1, 2), lambda i: (0, 0, 0)),
    ],
    out_specs=[pl.BlockSpec((_NC, _RB, 2), lambda i: (0, i, 0))],
    out_shape=[jax.ShapeDtypeStruct((_NC, _N2, 2), jnp.float32)],
    name="tc_combine_last",
)


def _blkdiag(w):
    fi, fo = w.shape
    zz = jnp.zeros((fi, fo), jnp.float32)
    return jnp.concatenate([
        jnp.concatenate([w, zz], axis=1),
        jnp.concatenate([zz, w], axis=1),
    ], axis=0)


def kernel(x, data_str, edge_index, lins0_w, lins0_b, lins1_w, lins1_b,
           lin11_w, lin11_b, lin3_w, lin3_b,
           convs_w1, convs_w2, convs1_w1, convs1_w2):
    row2d = edge_index[0].reshape(_NCHUNK, _K)
    col2d = edge_index[1].reshape(_NCHUNK, _K)

    x2 = x.reshape(_N2, 2 * _DF)
    ds64 = jnp.pad(data_str, ((0, 0), (0, _H - _DS)))
    ds2 = ds64.reshape(_N2, 128)
    w11p = jnp.pad(lin11_w, ((0, _H - _DS), (0, 0)))
    b2 = jnp.concatenate([lins0_b, lins0_b]).reshape(1, 128)
    b112 = jnp.concatenate([lin11_b, lin11_b]).reshape(1, 128)

    degp = _sc_deg(col2d)
    h, h1, hsb, dis = _pre(degp.reshape(_NC, _N // 8, 128), x2, ds2,
                           _blkdiag(lins0_w), b2, _blkdiag(w11p), b112)

    p = _sc_mp(hsb.reshape(_NC, _N, _H), row2d, col2d)
    (hsb,) = _comb_mid0(p.reshape(_NC, _N2, 128), dis, h, h1,
                        _blkdiag(convs_w1[0]), _blkdiag(convs_w2[0]),
                        _blkdiag(convs1_w1[0]), _blkdiag(convs1_w2[0]))
    p = _sc_mp(hsb.reshape(_NC, _N, _H), row2d, col2d)
    lb2 = jnp.stack([jnp.broadcast_to(lins1_b, (2,)),
                     jnp.broadcast_to(lin3_b, (2,))]).reshape(_NC, 1, 2)
    (z2,) = _comb_last1(p.reshape(_NC, _N2, 128), dis, h, h1,
                        _blkdiag(convs_w1[1]), _blkdiag(convs_w2[1]),
                        _blkdiag(convs1_w1[1]), _blkdiag(convs1_w2[1]),
                        _blkdiag(lins1_w), _blkdiag(lin3_w), lb2)
    z = z2[0].reshape(_N, 1)
    z1 = z2[1].reshape(_N, 1)
    return (z, z1)

# --- scband reference (transcript-rebuilt; emitter-appended) ---
"""Pipeline reference for scband-net-16252156248255 (READ-ONLY COPY).

The authoritative reference and input builder live on the scoring server;
editing this copy changes nothing except your own understanding.
"""

import jax, jax.numpy as jnp
import numpy as np

N = 10000
E = 320000
D_FEAT = 128
D_STR = 58
H = 64
NUM_LAYERS = 2
ALPHA = 0.4
THETA = 0.9


def _lin_init(key, fan_in, fan_out):
    s = 1.0 / np.sqrt(fan_in)
    return jax.random.uniform(key, (fan_in, fan_out), minval=-s, maxval=s, dtype=jnp.float32)


def setup_inputs(seed: int = 0):
    key = jax.random.key(seed)
    ks = jax.random.split(key, 16)
    inp = {}
    inp['x'] = jax.random.normal(ks[0], (N, D_FEAT), dtype=jnp.float32)
    inp['data_str'] = jax.random.normal(ks[1], (N, D_STR), dtype=jnp.float32)
    inp['edge_index'] = jax.random.randint(ks[2], (2, E), 0, N, dtype=jnp.int32)
    inp['lins0_w'] = _lin_init(ks[3], D_FEAT, H)
    inp['lins0_b'] = jnp.zeros((H,), dtype=jnp.float32)
    inp['lins1_w'] = _lin_init(ks[4], H, 1)
    inp['lins1_b'] = jnp.zeros((1,), dtype=jnp.float32)
    inp['lin11_w'] = _lin_init(ks[5], D_STR, H)
    inp['lin11_b'] = jnp.zeros((H,), dtype=jnp.float32)
    inp['lin3_w'] = _lin_init(ks[6], H, 1)
    inp['lin3_b'] = jnp.zeros((1,), dtype=jnp.float32)
    # GCN2Conv weight1/weight2 per layer (shared_weights=False), glorot-ish init
    g = np.sqrt(6.0 / (H + H))
    inp['convs_w1'] = jax.random.uniform(ks[7], (NUM_LAYERS, H, H), minval=-g, maxval=g, dtype=jnp.float32)
    inp['convs_w2'] = jax.random.uniform(ks[8], (NUM_LAYERS, H, H), minval=-g, maxval=g, dtype=jnp.float32)
    inp['convs1_w1'] = jax.random.uniform(ks[9], (NUM_LAYERS, H, H), minval=-g, maxval=g, dtype=jnp.float32)
    inp['convs1_w2'] = jax.random.uniform(ks[10], (NUM_LAYERS, H, H), minval=-g, maxval=g, dtype=jnp.float32)
    return inp


def reference(x, data_str, edge_index, lins0_w, lins0_b, lins1_w, lins1_b,
              lin11_w, lin11_b, lin3_w, lin3_b,
              convs_w1, convs_w2, convs1_w1, convs1_w2):
    # eval mode: dropout is identity
    row = edge_index[0]
    col = edge_index[1]
    # symmetric gcn_norm, add_self_loops=False, edge_weight=1
    deg = jnp.zeros((N,), dtype=jnp.float32).at[col].add(1.0)
    dis = jnp.where(deg > 0, jax.lax.rsqrt(jnp.maximum(deg, 1e-12)), 0.0)
    norm = dis[row] * dis[col]

    def gcn2conv(h, h0, w1, w2, beta):
        msg = norm[:, None] * jnp.take(h, row, axis=0)
        agg = jnp.zeros_like(h).at[col].add(msg)
        agg = agg * (1.0 - ALPHA)
        h0a = ALPHA * h0
        out = (1.0 - beta) * agg + beta * (agg @ w1)
        out = out + (1.0 - beta) * h0a + beta * (h0a @ w2)
        return out

    h = jax.nn.relu(x @ lins0_w + lins0_b)
    h_init = h
    h1 = jax.nn.relu(data_str @ lin11_w + lin11_b)
    h1_init = h1
    for i in range(NUM_LAYERS):
        beta = float(np.log(THETA / (i + 1) + 1.0))
        h = jax.nn.relu(gcn2conv(h, h_init, convs_w1[i], convs_w2[i], beta))
    for i in range(NUM_LAYERS):
        beta = float(np.log(THETA / (i + 1) + 1.0))
        h1 = jax.nn.relu(gcn2conv(h1, h1_init, convs1_w1[i], convs1_w2[i], beta))
    z = h @ lins1_w + lins1_b
    z1 = h1 @ lin3_w + lin3_b
    return (z, z1)

if __name__ == "__main__":
    import jax
    _d = setup_inputs()
    print(jax.jit(kernel)(*tuple(_d.values())))

</pallas_src>

<mosaic_0001>
#map = affine_map<(d0, d1) -> (0, 0)>
#map1 = affine_map<(d0, d1) -> (0, 0, 0)>
module attributes {stable_mosaic.version = 14 : i64} {
  func.func @sc_deg_hist(%arg0: i32, %arg1: i32, %arg2: memref<2560x125xi32, #tpu.memory_space<hbm>>, %arg3: memref<2x10000x16xf32, #tpu.memory_space<hbm>>, %arg4: memref<80x125xi32, #tpu.memory_space<vmem>>, %arg5: memref<125x16xf32, #tpu.memory_space<vmem>>, %arg6: memref<128x16xf32, #tpu.memory_space<vmem>>, %arg7: memref<10000x16xf32, #tpu.memory_space<vmem_shared>>, %arg8: memref<!tpu.dma_semaphore, #tpu.memory_space<semaphore_mem>>) attributes {dimension_semantics = [#tpu.dimension_semantics<core_parallel>, #tpu.dimension_semantics<subcore_parallel>], iteration_bounds = array<i64: 2, 16>, scalar_prefetch = 0 : i64, scratch_operands = 5 : i64, tpu.core_type = #tpu.core_type<sc_vector_subcore>, window_params = [{transform_indices = #map}, {transform_indices = #map1}]} {
    %mul3A = arith.constant 16 : i32
    %mul3A_0 = arith.muli %arg0, %mul3A : i32
    %add3A = arith.addi %mul3A_0, %arg1 : i32
    %scan3A = arith.constant 0 : i32
    %scan3A_1 = arith.constant 0 : i32
    %scan3A_2 = arith.constant 125 : i32
    %scan3A_3 = arith.addi %scan3A_1, %scan3A_2 : i32
    %scan3A_4 = arith.constant 1 : i32
    scf.for %scan3A_74 = %scan3A_1 to %scan3A_3 step %scan3A_4  : i32 {
      %broadcast_in_dim3A = arith.constant 1.000000e+00 : f32
      %broadcast_in_dim3A_75 = vector.broadcast %broadcast_in_dim3A : f32 to vector<16xf32>
      %swap3A = arith.index_cast %scan3A_74 : i32 to index
      %swap3A_76 = arith.constant 0 : index
      %swap3A_77 = tpu.vector_load %arg5[%swap3A, %swap3A_76] {strides = array<i32>} : memref<125x16xf32, #tpu.memory_space<vmem>>, vector<1x16xf32>,
      %swap3A_78 = vector.shape_cast %swap3A_77 : vector<1x16xf32> to vector<16xf32>
      %swap3A_79 = vector.shape_cast %broadcast_in_dim3A_75 : vector<16xf32> to vector<1x16xf32>
      tpu.vector_store %arg5[%swap3A, %swap3A_76], %swap3A_79 {strides = array<i32>} : memref<125x16xf32, #tpu.memory_space<vmem>>, vector<1x16xf32>,
    }
    %scan3A_5 = arith.constant 125 : i32
    %scan3A_6 = arith.constant 0 : i32
    %scan3A_7 = arith.constant 0 : i32
    %scan3A_8 = arith.constant 128 : i32
    %scan3A_9 = arith.addi %scan3A_7, %scan3A_8 : i32
    %scan3A_10 = arith.constant 1 : i32
    scf.for %scan3A_74 = %scan3A_7 to %scan3A_9 step %scan3A_10  : i32 {
      %broadcast_in_dim3A = arith.constant 0.000000e+00 : f32
      %broadcast_in_dim3A_75 = vector.broadcast %broadcast_in_dim3A : f32 to vector<16xf32>
      %swap3A = arith.index_cast %scan3A_74 : i32 to index
      %swap3A_76 = arith.constant 0 : index
      %swap3A_77 = tpu.vector_load %arg6[%swap3A, %swap3A_76] {strides = array<i32>} : memref<128x16xf32, #tpu.memory_space<vmem>>, vector<1x16xf32>,
      %swap3A_78 = vector.shape_cast %swap3A_77 : vector<1x16xf32> to vector<16xf32>
      %swap3A_79 = vector.shape_cast %broadcast_in_dim3A_75 : vector<16xf32> to vector<1x16xf32>
      tpu.vector_store %arg6[%swap3A, %swap3A_76], %swap3A_79 {strides = array<i32>} : memref<128x16xf32, #tpu.memory_space<vmem>>, vector<1x16xf32>,
    }
    %scan3A_11 = arith.constant 128 : i32
    %mul3A_12 = arith.constant 640 : i32
    %mul3A_13 = arith.muli %arg1, %mul3A_12 : i32
    %lt3A = arith.constant 15 : i32
    %lt3A_14 = arith.cmpi slt, %arg1, %lt3A : i32
    %or3A = arith.constant true
    %or3A_15 = arith.ori %lt3A_14, %or3A : i1
    %convert_element_type3A = arith.extui %or3A_15 : i1 to i32
    %cond3A = arith.constant 0 : i32
    %cond3A_16 = arith.cmpi ne, %convert_element_type3A, %cond3A : i32
    scf.if %cond3A_16 {
      %add3A_74 = arith.constant 0 : i32
      %add3A_75 = arith.addi %mul3A_13, %add3A_74 : i32
      "tpu.region"() ({
        %run_scoped3A = tpu.sem_alloc : memref<!tpu.dma_semaphore, #tpu.memory_space<semaphore_mem>>
        %dma_start3A = arith.constant 0 : i32
        %dma_start3A_76 = tpu.memref_slice %arg7[%add3A_75, %dma_start3A] : memref<10000x16xf32, #tpu.memory_space<vmem_shared>> -> memref<128x16xf32, #tpu.memory_space<vmem_shared>>
        %dma_start3A_77 = arith.constant 0 : i32
        %dma_start3A_78 = tpu.memref_slice %arg7[%add3A_75, %dma_start3A_77] : memref<10000x16xf32, #tpu.memory_space<vmem_shared>> -> memref<128x16xf32, #tpu.memory_space<vmem_shared>>
        tpu.enqueue_dma source(%arg6 : memref<128x16xf32, #tpu.memory_space<vmem>>) target(%dma_start3A_78 : memref<128x16xf32, #tpu.memory_space<vmem_shared>>) target_semaphore(%run_scoped3A : memref<!tpu.dma_semaphore, #tpu.memory_space<semaphore_mem>>)
        %dma_wait3A = arith.constant 0 : i32
        %dma_wait3A_79 = tpu.memref_slice %arg7[%add3A_75, %dma_wait3A] : memref<10000x16xf32, #tpu.memory_space<vmem_shared>> -> memref<128x16xf32, #tpu.memory_space<vmem_shared>>
        %dma_wait3A_80 = arith.constant 0 : i32
        %dma_wait3A_81 = tpu.memref_slice %arg7[%add3A_75, %dma_wait3A_80] : memref<10000x16xf32, #tpu.memory_space<vmem_shared>> -> memref<128x16xf32, #tpu.memory_space<vmem_shared>>
        tpu.wait_dma2 semaphore(%run_scoped3A : memref<!tpu.dma_semaphore, #tpu.memory_space<semaphore_mem>>) src(%arg6 : memref<128x16xf32, #tpu.memory_space<vmem>>) dst(%dma_wait3A_81 : memref<128x16xf32, #tpu.memory_space<vmem_shared>>)
        tpu.yield
      }) : () -> ()
    } else {
    }
    %lt3A_17 = arith.constant 15 : i32
    %lt3A_18 = arith.cmpi slt, %arg1, %lt3A_17 : i32
    %or3A_19 = arith.constant true
    %or3A_20 = arith.ori %lt3A_18, %or3A_19 : i1
    %convert_element_type3A_21 = arith.extui %or3A_20 : i1 to i32
    %cond3A_22 = arith.constant 0 : i32
    %cond3A_23 = arith.cmpi ne, %convert_element_type3A_21, %cond3A_22 : i32
    scf.if %cond3A_23 {
      %add3A_74 = arith.constant 128 : i32
      %add3A_75 = arith.addi %mul3A_13, %add3A_74 : i32
      "tpu.region"() ({
        %run_scoped3A = tpu.sem_alloc : memref<!tpu.dma_semaphore, #tpu.memory_space<semaphore_mem>>
        %dma_start3A = arith.constant 0 : i32
        %dma_start3A_76 = tpu.memref_slice %arg7[%add3A_75, %dma_start3A] : memref<10000x16xf32, #tpu.memory_space<vmem_shared>> -> memref<128x16xf32, #tpu.memory_space<vmem_shared>>
        %dma_start3A_77 = arith.constant 0 : i32
        %dma_start3A_78 = tpu.memref_slice %arg7[%add3A_75, %dma_start3A_77] : memref<10000x16xf32, #tpu.memory_space<vmem_shared>> -> memref<128x16xf32, #tpu.memory_space<vmem_shared>>
        tpu.enqueue_dma source(%arg6 : memref<128x16xf32, #tpu.memory_space<vmem>>) target(%dma_start3A_78 : memref<128x16xf32, #tpu.memory_space<vmem_shared>>) target_semaphore(%run_scoped3A : memref<!tpu.dma_semaphore, #tpu.memory_space<semaphore_mem>>)
        %dma_wait3A = arith.constant 0 : i32
        %dma_wait3A_79 = tpu.memref_slice %arg7[%add3A_75, %dma_wait3A] : memref<10000x16xf32, #tpu.memory_space<vmem_shared>> -> memref<128x16xf32, #tpu.memory_space<vmem_shared>>
        %dma_wait3A_80 = arith.constant 0 : i32
        %dma_wait3A_81 = tpu.memref_slice %arg7[%add3A_75, %dma_wait3A_80] : memref<10000x16xf32, #tpu.memory_space<vmem_shared>> -> memref<128x16xf32, #tpu.memory_space<vmem_shared>>
        tpu.wait_dma2 semaphore(%run_scoped3A : memref<!tpu.dma_semaphore, #tpu.memory_space<semaphore_mem>>) src(%arg6 : memref<128x16xf32, #tpu.memory_space<vmem>>) dst(%dma_wait3A_81 : memref<128x16xf32, #tpu.memory_space<vmem_shared>>)
        tpu.yield
      }) : () -> ()
    } else {
    }
    %lt3A_24 = arith.constant 15 : i32
    %lt3A_25 = arith.cmpi slt, %arg1, %lt3A_24 : i32
    %or3A_26 = arith.constant true
    %or3A_27 = arith.ori %lt3A_25, %or3A_26 : i1
    %convert_element_type3A_28 = arith.extui %or3A_27 : i1 to i32
    %cond3A_29 = arith.constant 0 : i32
    %cond3A_30 = arith.cmpi ne, %convert_element_type3A_28, %cond3A_29 : i32
    scf.if %cond3A_30 {
      %add3A_74 = arith.constant 256 : i32
      %add3A_75 = arith.addi %mul3A_13, %add3A_74 : i32
      "tpu.region"() ({
        %run_scoped3A = tpu.sem_alloc : memref<!tpu.dma_semaphore, #tpu.memory_space<semaphore_mem>>
        %dma_start3A = arith.constant 0 : i32
        %dma_start3A_76 = tpu.memref_slice %arg7[%add3A_75, %dma_start3A] : memref<10000x16xf32, #tpu.memory_space<vmem_shared>> -> memref<128x16xf32, #tpu.memory_space<vmem_shared>>
        %dma_start3A_77 = arith.constant 0 : i32
        %dma_start3A_78 = tpu.memref_slice %arg7[%add3A_75, %dma_start3A_77] : memref<10000x16xf32, #tpu.memory_space<vmem_shared>> -> memref<128x16xf32, #tpu.memory_space<vmem_shared>>
        tpu.enqueue_dma source(%arg6 : memref<128x16xf32, #tpu.memory_space<vmem>>) target(%dma_start3A_78 : memref<128x16xf32, #tpu.memory_space<vmem_shared>>) target_semaphore(%run_scoped3A : memref<!tpu.dma_semaphore, #tpu.memory_space<semaphore_mem>>)
        %dma_wait3A = arith.constant 0 : i32
        %dma_wait3A_79 = tpu.memref_slice %arg7[%add3A_75, %dma_wait3A] : memref<10000x16xf32, #tpu.memory_space<vmem_shared>> -> memref<128x16xf32, #tpu.memory_space<vmem_shared>>
        %dma_wait3A_80 = arith.constant 0 : i32
        %dma_wait3A_81 = tpu.memref_slice %arg7[%add3A_75, %dma_wait3A_80] : memref<10000x16xf32, #tpu.memory_space<vmem_shared>> -> memref<128x16xf32, #tpu.memory_space<vmem_shared>>
        tpu.wait_dma2 semaphore(%run_scoped3A : memref<!tpu.dma_semaphore, #tpu.memory_space<semaphore_mem>>) src(%arg6 : memref<128x16xf32, #tpu.memory_space<vmem>>) dst(%dma_wait3A_81 : memref<128x16xf32, #tpu.memory_space<vmem_shared>>)
        tpu.yield
      }) : () -> ()
    } else {
    }
    %lt3A_31 = arith.constant 15 : i32
    %lt3A_32 = arith.cmpi slt, %arg1, %lt3A_31 : i32
    %or3A_33 = arith.constant false
    %or3A_34 = arith.ori %lt3A_32, %or3A_33 : i1
    %convert_element_type3A_35 = arith.extui %or3A_34 : i1 to i32
    %cond3A_36 = arith.constant 0 : i32
    %cond3A_37 = arith.cmpi ne, %convert_element_type3A_35, %cond3A_36 : i32
    scf.if %cond3A_37 {
      %add3A_74 = arith.constant 384 : i32
      %add3A_75 = arith.addi %mul3A_13, %add3A_74 : i32
      "tpu.region"() ({
        %run_scoped3A = tpu.sem_alloc : memref<!tpu.dma_semaphore, #tpu.memory_space<semaphore_mem>>
        %dma_start3A = arith.constant 0 : i32
        %dma_start3A_76 = tpu.memref_slice %arg7[%add3A_75, %dma_start3A] : memref<10000x16xf32, #tpu.memory_space<vmem_shared>> -> memref<128x16xf32, #tpu.memory_space<vmem_shared>>
        %dma_start3A_77 = arith.constant 0 : i32
        %dma_start3A_78 = tpu.memref_slice %arg7[%add3A_75, %dma_start3A_77] : memref<10000x16xf32, #tpu.memory_space<vmem_shared>> -> memref<128x16xf32, #tpu.memory_space<vmem_shared>>
        tpu.enqueue_dma source(%arg6 : memref<128x16xf32, #tpu.memory_space<vmem>>) target(%dma_start3A_78 : memref<128x16xf32, #tpu.memory_space<vmem_shared>>) target_semaphore(%run_scoped3A : memref<!tpu.dma_semaphore, #tpu.memory_space<semaphore_mem>>)
        %dma_wait3A = arith.constant 0 : i32
        %dma_wait3A_79 = tpu.memref_slice %arg7[%add3A_75, %dma_wait3A] : memref<10000x16xf32, #tpu.memory_space<vmem_shared>> -> memref<128x16xf32, #tpu.memory_space<vmem_shared>>
        %dma_wait3A_80 = arith.constant 0 : i32
        %dma_wait3A_81 = tpu.memref_slice %arg7[%add3A_75, %dma_wait3A_80] : memref<10000x16xf32, #tpu.memory_space<vmem_shared>> -> memref<128x16xf32, #tpu.memory_space<vmem_shared>>
        tpu.wait_dma2 semaphore(%run_scoped3A : memref<!tpu.dma_semaphore, #tpu.memory_space<semaphore_mem>>) src(%arg6 : memref<128x16xf32, #tpu.memory_space<vmem>>) dst(%dma_wait3A_81 : memref<128x16xf32, #tpu.memory_space<vmem_shared>>)
        tpu.yield
      }) : () -> ()
    } else {
    }
    %lt3A_38 = arith.constant 15 : i32
    %lt3A_39 = arith.cmpi slt, %arg1, %lt3A_38 : i32
    %or3A_40 = arith.constant false
    %or3A_41 = arith.ori %lt3A_39, %or3A_40 : i1
    %convert_element_type3A_42 = arith.extui %or3A_41 : i1 to i32
    %cond3A_43 = arith.constant 0 : i32
    %cond3A_44 = arith.cmpi ne, %convert_element_type3A_42, %cond3A_43 : i32
    scf.if %cond3A_44 {
      %add3A_74 = arith.constant 512 : i32
      %add3A_75 = arith.addi %mul3A_13, %add3A_74 : i32
      "tpu.region"() ({
        %run_scoped3A = tpu.sem_alloc : memref<!tpu.dma_semaphore, #tpu.memory_space<semaphore_mem>>
        %dma_start3A = arith.constant 0 : i32
        %dma_start3A_76 = tpu.memref_slice %arg7[%add3A_75, %dma_start3A] : memref<10000x16xf32, #tpu.memory_space<vmem_shared>> -> memref<128x16xf32, #tpu.memory_space<vmem_shared>>
        %dma_start3A_77 = arith.constant 0 : i32
        %dma_start3A_78 = tpu.memref_slice %arg7[%add3A_75, %dma_start3A_77] : memref<10000x16xf32, #tpu.memory_space<vmem_shared>> -> memref<128x16xf32, #tpu.memory_space<vmem_shared>>
        tpu.enqueue_dma source(%arg6 : memref<128x16xf32, #tpu.memory_space<vmem>>) target(%dma_start3A_78 : memref<128x16xf32, #tpu.memory_space<vmem_shared>>) target_semaphore(%run_scoped3A : memref<!tpu.dma_semaphore, #tpu.memory_space<semaphore_mem>>)
        %dma_wait3A = arith.constant 0 : i32
        %dma_wait3A_79 = tpu.memref_slice %arg7[%add3A_75, %dma_wait3A] : memref<10000x16xf32, #tpu.memory_space<vmem_shared>> -> memref<128x16xf32, #tpu.memory_space<vmem_shared>>
        %dma_wait3A_80 = arith.constant 0 : i32
        %dma_wait3A_81 = tpu.memref_slice %arg7[%add3A_75, %dma_wait3A_80] : memref<10000x16xf32, #tpu.memory_space<vmem_shared>> -> memref<128x16xf32, #tpu.memory_space<vmem_shared>>
        tpu.wait_dma2 semaphore(%run_scoped3A : memref<!tpu.dma_semaphore, #tpu.memory_space<semaphore_mem>>) src(%arg6 : memref<128x16xf32, #tpu.memory_space<vmem>>) dst(%dma_wait3A_81 : memref<128x16xf32, #tpu.memory_space<vmem_shared>>)
        tpu.yield
      }) : () -> ()
    } else {
    }
    %eq3A = arith.constant 15 : i32
    %eq3A_45 = arith.cmpi eq, %arg1, %eq3A : i32
    %convert_element_type3A_46 = arith.extui %eq3A_45 : i1 to i32
    %cond3A_47 = arith.constant 0 : i32
    %cond3A_48 = arith.cmpi ne, %convert_element_type3A_46, %cond3A_47 : i32
    scf.if %cond3A_48 {
      "tpu.region"() ({
        %run_scoped3A = tpu.sem_alloc : memref<!tpu.dma_semaphore, #tpu.memory_space<semaphore_mem>>
        %dma_start3A = arith.constant 0 : i32
        %dma_start3A_74 = arith.constant 0 : i32
        %dma_start3A_75 = tpu.memref_slice %arg6[%dma_start3A, %dma_start3A_74] : memref<128x16xf32, #tpu.memory_space<vmem>> -> memref<16x16xf32, #tpu.memory_space<vmem>>
        %dma_start3A_76 = arith.constant 9984 : i32
        %dma_start3A_77 = arith.constant 0 : i32
        %dma_start3A_78 = tpu.memref_slice %arg7[%dma_start3A_76, %dma_start3A_77] : memref<10000x16xf32, #tpu.memory_space<vmem_shared>> -> memref<16x16xf32, #tpu.memory_space<vmem_shared>>
        %dma_start3A_79 = arith.constant 9984 : i32
        %dma_start3A_80 = arith.constant 0 : i32
        %dma_start3A_81 = tpu.memref_slice %arg7[%dma_start3A_79, %dma_start3A_80] : memref<10000x16xf32, #tpu.memory_space<vmem_shared>> -> memref<16x16xf32, #tpu.memory_space<vmem_shared>>
        %dma_start3A_82 = arith.constant 0 : i32
        %dma_start3A_83 = arith.constant 0 : i32
        %dma_start3A_84 = tpu.memref_slice %arg6[%dma_start3A_82, %dma_start3A_83] : memref<128x16xf32, #tpu.memory_space<vmem>> -> memref<16x16xf32, #tpu.memory_space<vmem>>
        tpu.enqueue_dma source(%dma_start3A_84 : memref<16x16xf32, #tpu.memory_space<vmem>>) target(%dma_start3A_81 : memref<16x16xf32, #tpu.memory_space<vmem_shared>>) target_semaphore(%run_scoped3A : memref<!tpu.dma_semaphore, #tpu.memory_space<semaphore_mem>>)
        %dma_wait3A = arith.constant 0 : i32
        %dma_wait3A_85 = arith.constant 0 : i32
        %dma_wait3A_86 = tpu.memref_slice %arg6[%dma_wait3A, %dma_wait3A_85] : memref<128x16xf32, #tpu.memory_space<vmem>> -> memref<16x16xf32, #tpu.memory_space<vmem>>
        %dma_wait3A_87 = arith.constant 9984 : i32
        %dma_wait3A_88 = arith.constant 0 : i32
        %dma_wait3A_89 = tpu.memref_slice %arg7[%dma_wait3A_87, %dma_wait3A_88] : memref<10000x16xf32, #tpu.memory_space<vmem_shared>> -> memref<16x16xf32, #tpu.memory_space<vmem_shared>>
        %dma_wait3A_90 = arith.constant 9984 : i32
        %dma_wait3A_91 = arith.constant 0 : i32
        %dma_wait3A_92 = tpu.memref_slice %arg7[%dma_wait3A_90, %dma_wait3A_91] : memref<10000x16xf32, #tpu.memory_space<vmem_shared>> -> memref<16x16xf32, #tpu.memory_space<vmem_shared>>
        %dma_wait3A_93 = arith.constant 0 : i32
        %dma_wait3A_94 = arith.constant 0 : i32
        %dma_wait3A_95 = tpu.memref_slice %arg6[%dma_wait3A_93, %dma_wait3A_94] : memref<128x16xf32, #tpu.memory_space<vmem>> -> memref<16x16xf32, #tpu.memory_space<vmem>>
        tpu.wait_dma2 semaphore(%run_scoped3A : memref<!tpu.dma_semaphore, #tpu.memory_space<semaphore_mem>>) src(%dma_wait3A_95 : memref<16x16xf32, #tpu.memory_space<vmem>>) dst(%dma_wait3A_92 : memref<16x16xf32, #tpu.memory_space<vmem_shared>>)
        tpu.yield
      }) : () -> ()
    } else {
    }
    %mul3A_49 = arith.constant 80 : i32
    %mul3A_50 = arith.muli %add3A, %mul3A_49 : i32
    "tpu.region"() ({
      %run_scoped3A = tpu.sem_alloc : memref<!tpu.dma_semaphore, #tpu.memory_space<semaphore_mem>>
      %dma_start3A = arith.constant 0 : i32
      %dma_start3A_74 = tpu.memref_slice %arg2[%mul3A_50, %dma_start3A] : memref<2560x125xi32, #tpu.memory_space<hbm>> -> memref<80x125xi32, #tpu.memory_space<hbm>>
      %dma_start3A_75 = arith.constant 0 : i32
      %dma_start3A_76 = tpu.memref_slice %arg2[%mul3A_50, %dma_start3A_75] : memref<2560x125xi32, #tpu.memory_space<hbm>> -> memref<80x125xi32, #tpu.memory_space<hbm>>
      tpu.enqueue_dma source(%dma_start3A_76 : memref<80x125xi32, #tpu.memory_space<hbm>>) target(%arg4 : memref<80x125xi32, #tpu.memory_space<vmem>>) target_semaphore(%run_scoped3A : memref<!tpu.dma_semaphore, #tpu.memory_space<semaphore_mem>>)
      %dma_wait3A = arith.constant 0 : i32
      %dma_wait3A_77 = tpu.memref_slice %arg2[%mul3A_50, %dma_wait3A] : memref<2560x125xi32, #tpu.memory_space<hbm>> -> memref<80x125xi32, #tpu.memory_space<hbm>>
      %dma_wait3A_78 = arith.constant 0 : i32
      %dma_wait3A_79 = tpu.memref_slice %arg2[%mul3A_50, %dma_wait3A_78] : memref<2560x125xi32, #tpu.memory_space<hbm>> -> memref<80x125xi32, #tpu.memory_space<hbm>>
      tpu.wait_dma2 semaphore(%run_scoped3A : memref<!tpu.dma_semaphore, #tpu.memory_space<semaphore_mem>>) src(%dma_wait3A_79 : memref<80x125xi32, #tpu.memory_space<hbm>>) dst(%arg4 : memref<80x125xi32, #tpu.memory_space<vmem>>)
      tpu.yield
    }) : () -> ()
    %barrier3A = arith.constant 0 : index
    tpu.barrier barrier_id(%barrier3A)
    %scan3A_51 = arith.constant 0 : i32
    %scan3A_52 = arith.constant 0 : i32
    %scan3A_53 = arith.constant 80 : i32
    %scan3A_54 = arith.addi %scan3A_52, %scan3A_53 : i32
    %scan3A_55 = arith.constant 1 : i32
    scf.for %scan3A_74 = %scan3A_52 to %scan3A_54 step %scan3A_55  : i32 {
      %dma_start3A = arith.constant 0 : i32
      %dma_start3A_75 = tpu.memref_slice %arg4[%scan3A_74, %dma_start3A] : memref<80x125xi32, #tpu.memory_space<vmem>> -> memref<1x125xi32, #tpu.memory_space<vmem>>
      %dma_start3A_76 = tpu.memref_squeeze %dma_start3A_75 : memref<1x125xi32, #tpu.memory_space<vmem>> -> memref<125xi32, #tpu.memory_space<vmem>>
      %dma_start3A_77 = arith.constant 0 : i32
      %dma_start3A_78 = arith.constant 0 : i32
      %dma_start3A_79 = tpu.memref_slice %arg7[%dma_start3A_77, %dma_start3A_78] : memref<10000x16xf32, #tpu.memory_space<vmem_shared>> -> memref<10000x16xf32, #tpu.memory_space<vmem_shared>>
      tpu.enqueue_indirect_dma source(%arg5 : memref<125x16xf32, #tpu.memory_space<vmem>>) target(%dma_start3A_79 : memref<10000x16xf32, #tpu.memory_space<vmem_shared>>) offsets(%dma_start3A_76 : memref<125xi32, #tpu.memory_space<vmem>>) semaphore(%arg8 : memref<!tpu.dma_semaphore, #tpu.memory_space<semaphore_mem>>) {add = true}
      %ge3A = arith.constant 8 : i32
      %ge3A_80 = arith.cmpi sge, %scan3A_74, %ge3A : i32
      %convert_element_type3A_81 = arith.extui %ge3A_80 : i1 to i32
      %cond3A_82 = arith.constant 0 : i32
      %cond3A_83 = arith.cmpi ne, %convert_element_type3A_81, %cond3A_82 : i32
      scf.if %cond3A_83 {
        %sub3A = arith.constant 8 : i32
        %sub3A_84 = arith.subi %scan3A_74, %sub3A : i32
        %dma_wait3A = arith.constant 0 : i32
        %dma_wait3A_85 = tpu.memref_slice %arg4[%sub3A_84, %dma_wait3A] : memref<80x125xi32, #tpu.memory_space<vmem>> -> memref<1x125xi32, #tpu.memory_space<vmem>>
        %dma_wait3A_86 = tpu.memref_squeeze %dma_wait3A_85 : memref<1x125xi32, #tpu.memory_space<vmem>> -> memref<125xi32, #tpu.memory_space<vmem>>
        %dma_wait3A_87 = arith.constant 0 : i32
        %dma_wait3A_88 = arith.constant 0 : i32
        %dma_wait3A_89 = tpu.memref_slice %arg7[%dma_wait3A_87, %dma_wait3A_88] : memref<10000x16xf32, #tpu.memory_space<vmem_shared>> -> memref<10000x16xf32, #tpu.memory_space<vmem_shared>>
        tpu.wait_indirect_dma semaphore(%arg8 : memref<!tpu.dma_semaphore, #tpu.memory_space<semaphore_mem>>) src(%arg5 : memref<125x16xf32, #tpu.memory_space<vmem>>) dst(%dma_wait3A_89 : memref<10000x16xf32, #tpu.memory_space<vmem_shared>>)
      } else {
      }
    }
    %scan3A_56 = arith.constant 80 : i32
    %scan3A_57 = arith.constant 0 : i32
    %scan3A_58 = arith.constant 72 : i32
    %scan3A_59 = arith.constant 8 : i32
    %scan3A_60 = arith.addi %scan3A_58, %scan3A_59 : i32
    %scan3A_61 = arith.constant 1 : i32
    scf.for %scan3A_74 = %scan3A_58 to %scan3A_60 step %scan3A_61  : i32 {
      %dma_wait3A = arith.constant 0 : i32
      %dma_wait3A_75 = tpu.memref_slice %arg4[%scan3A_74, %dma_wait3A] : memref<80x125xi32, #tpu.memory_space<vmem>> -> memref<1x125xi32, #tpu.memory_space<vmem>>
      %dma_wait3A_76 = tpu.memref_squeeze %dma_wait3A_75 : memref<1x125xi32, #tpu.memory_space<vmem>> -> memref<125xi32, #tpu.memory_space<vmem>>
      %dma_wait3A_77 = arith.constant 0 : i32
      %dma_wait3A_78 = arith.constant 0 : i32
      %dma_wait3A_79 = tpu.memref_slice %arg7[%dma_wait3A_77, %dma_wait3A_78] : memref<10000x16xf32, #tpu.memory_space<vmem_shared>> -> memref<10000x16xf32, #tpu.memory_space<vmem_shared>>
      tpu.wait_indirect_dma semaphore(%arg8 : memref<!tpu.dma_semaphore, #tpu.memory_space<semaphore_mem>>) src(%arg5 : memref<125x16xf32, #tpu.memory_space<vmem>>) dst(%dma_wait3A_79 : memref<10000x16xf32, #tpu.memory_space<vmem_shared>>)
    }
    %scan3A_62 = arith.constant 8 : i32
    %barrier3A_63 = arith.constant 0 : index
    tpu.barrier barrier_id(%barrier3A_63)
    %lt3A_64 = arith.constant 15 : i32
    %lt3A_65 = arith.cmpi slt, %arg1, %lt3A_64 : i32
    %convert_element_type3A_66 = arith.extui %lt3A_65 : i1 to i32
    %cond3A_67 = arith.constant 0 : i32
    %cond3A_68 = arith.cmpi ne, %convert_element_type3A_66, %cond3A_67 : i32
    scf.if %cond3A_68 {
      %mul3A_74 = arith.constant 640 : i32
      %mul3A_75 = arith.muli %arg1, %mul3A_74 : i32
      %mul3A_76 = arith.constant 640 : i32
      %mul3A_77 = arith.muli %arg1, %mul3A_76 : i32
      "tpu.region"() ({
        %run_scoped3A = tpu.sem_alloc : memref<!tpu.dma_semaphore, #tpu.memory_space<semaphore_mem>>
        %dma_start3A = arith.constant 0 : i32
        %dma_start3A_78 = tpu.memref_slice %arg3[%arg0, %mul3A_77, %dma_start3A] : memref<2x10000x16xf32, #tpu.memory_space<hbm>> -> memref<1x640x16xf32, #tpu.memory_space<hbm>>
        %dma_start3A_79 = tpu.memref_squeeze %dma_start3A_78 : memref<1x640x16xf32, #tpu.memory_space<hbm>> -> memref<640x16xf32, #tpu.memory_space<hbm>>
        %dma_start3A_80 = arith.constant 0 : i32
        %dma_start3A_81 = tpu.memref_slice %arg7[%mul3A_75, %dma_start3A_80] : memref<10000x16xf32, #tpu.memory_space<vmem_shared>> -> memref<640x16xf32, #tpu.memory_space<vmem_shared>>
        tpu.enqueue_dma source(%dma_start3A_81 : memref<640x16xf32, #tpu.memory_space<vmem_shared>>) target(%dma_start3A_79 : memref<640x16xf32, #tpu.memory_space<hbm>>) target_semaphore(%run_scoped3A : memref<!tpu.dma_semaphore, #tpu.memory_space<semaphore_mem>>)
        %dma_wait3A = arith.constant 0 : i32
        %dma_wait3A_82 = tpu.memref_slice %arg3[%arg0, %mul3A_77, %dma_wait3A] : memref<2x10000x16xf32, #tpu.memory_space<hbm>> -> memref<1x640x16xf32, #tpu.memory_space<hbm>>
        %dma_wait3A_83 = tpu.memref_squeeze %dma_wait3A_82 : memref<1x640x16xf32, #tpu.memory_space<hbm>> -> memref<640x16xf32, #tpu.memory_space<hbm>>
        %dma_wait3A_84 = arith.constant 0 : i32
        %dma_wait3A_85 = tpu.memref_slice %arg7[%mul3A_75, %dma_wait3A_84] : memref<10000x16xf32, #tpu.memory_space<vmem_shared>> -> memref<640x16xf32, #tpu.memory_space<vmem_shared>>
        tpu.wait_dma2 semaphore(%run_scoped3A : memref<!tpu.dma_semaphore, #tpu.memory_space<semaphore_mem>>) src(%dma_wait3A_85 : memref<640x16xf32, #tpu.memory_space<vmem_shared>>) dst(%dma_wait3A_83 : memref<640x16xf32, #tpu.memory_space<hbm>>)
        tpu.yield
      }) : () -> ()
    } else {
    }
    %eq3A_69 = arith.constant 15 : i32
    %eq3A_70 = arith.cmpi eq, %arg1, %eq3A_69 : i32
    %convert_element_type3A_71 = arith.extui %eq3A_70 : i1 to i32
    %cond3A_72 = arith.constant 0 : i32
    %cond3A_73 = arith.cmpi ne, %convert_element_type3A_71, %cond3A_72 : i32
    scf.if %cond3A_73 {
      "tpu.region"() ({
        %run_scoped3A = tpu.sem_alloc : memref<!tpu.dma_semaphore, #tpu.memory_space<semaphore_mem>>
        %dma_start3A = arith.constant 9600 : i32
        %dma_start3A_74 = arith.constant 0 : i32
        %dma_start3A_75 = tpu.memref_slice %arg3[%arg0, %dma_start3A, %dma_start3A_74] : memref<2x10000x16xf32, #tpu.memory_space<hbm>> -> memref<1x400x16xf32, #tpu.memory_space<hbm>>
        %dma_start3A_76 = tpu.memref_squeeze %dma_start3A_75 : memref<1x400x16xf32, #tpu.memory_space<hbm>> -> memref<400x16xf32, #tpu.memory_space<hbm>>
        %dma_start3A_77 = arith.constant 9600 : i32
        %dma_start3A_78 = arith.constant 0 : i32
        %dma_start3A_79 = tpu.memref_slice %arg7[%dma_start3A_77, %dma_start3A_78] : memref<10000x16xf32, #tpu.memory_space<vmem_shared>> -> memref<400x16xf32, #tpu.memory_space<vmem_shared>>
        tpu.enqueue_dma source(%dma_start3A_79 : memref<400x16xf32, #tpu.memory_space<vmem_shared>>) target(%dma_start3A_76 : memref<400x16xf32, #tpu.memory_space<hbm>>) target_semaphore(%run_scoped3A : memref<!tpu.dma_semaphore, #tpu.memory_space<semaphore_mem>>)
        %dma_wait3A = arith.constant 9600 : i32
        %dma_wait3A_80 = arith.constant 0 : i32
        %dma_wait3A_81 = tpu.memref_slice %arg3[%arg0, %dma_wait3A, %dma_wait3A_80] : memref<2x10000x16xf32, #tpu.memory_space<hbm>> -> memref<1x400x16xf32, #tpu.memory_space<hbm>>
        %dma_wait3A_82 = tpu.memref_squeeze %dma_wait3A_81 : memref<1x400x16xf32, #tpu.memory_space<hbm>> -> memref<400x16xf32, #tpu.memory_space<hbm>>
        %dma_wait3A_83 = arith.constant 9600 : i32
        %dma_wait3A_84 = arith.constant 0 : i32
        %dma_wait3A_85 = tpu.memref_slice %arg7[%dma_wait3A_83, %dma_wait3A_84] : memref<10000x16xf32, #tpu.memory_space<vmem_shared>> -> memref<400x16xf32, #tpu.memory_space<vmem_shared>>
        tpu.wait_dma2 semaphore(%run_scoped3A : memref<!tpu.dma_semaphore, #tpu.memory_space<semaphore_mem>>) src(%dma_wait3A_85 : memref<400x16xf32, #tpu.memory_space<vmem_shared>>) dst(%dma_wait3A_82 : memref<400x16xf32, #tpu.memory_space<hbm>>)
        tpu.yield
      }) : () -> ()
    } else {
    }
    return
  }
}

#map = affine_map<(d0, d1) -> (0, 0, 0)>
#map1 = affine_map<(d0, d1) -> (0, 0)>
module attributes {stable_mosaic.version = 14 : i64} {
  func.func @sc_mp_round(%arg0: i32, %arg1: i32, %arg2: memref<2x10000x64xf32, #tpu.memory_space<hbm>>, %arg3: memref<2560x125xi32, #tpu.memory_space<hbm>>, %arg4: memref<2560x125xi32, #tpu.memory_space<hbm>>, %arg5: memref<2x10000x64xf32, #tpu.memory_space<hbm>>, %arg6: memref<160x125xi32, #tpu.memory_space<vmem>>, %arg7: memref<160x125xi32, #tpu.memory_space<vmem>>, %arg8: memref<125x64xf32, #tpu.memory_space<vmem>>, %arg9: memref<125x64xf32, #tpu.memory_space<vmem>>, %arg10: memref<128x64xf32, #tpu.memory_space<vmem>>, %arg11: memref<10000x64xf32, #tpu.memory_space<vmem_shared>>, %arg12: memref<!tpu.dma_semaphore, #tpu.memory_space<semaphore_mem>>, %arg13: memref<!tpu.dma_semaphore, #tpu.memory_space<semaphore_mem>>, %arg14: memref<!tpu.dma_semaphore, #tpu.memory_space<semaphore_mem>>, %arg15: memref<!tpu.dma_semaphore, #tpu.memory_space<semaphore_mem>>) attributes {dimension_semantics = [#tpu.dimension_semantics<core_parallel>, #tpu.dimension_semantics<subcore_parallel>], iteration_bounds = array<i64: 2, 16>, scalar_prefetch = 0 : i64, scratch_operands = 10 : i64, tpu.core_type = #tpu.core_type<sc_vector_subcore>, window_params = [{transform_indices = #map}, {transform_indices = #map1}, {transform_indices = #map1}, {transform_indices = #map}]} {
    %scan3A = arith.constant 0 : i32
    %scan3A_0 = arith.constant 0 : i32
    %scan3A_1 = arith.constant 128 : i32
    %scan3A_2 = arith.addi %scan3A_0, %scan3A_1 : i32
    %scan3A_3 = arith.constant 1 : i32
    scf.for %scan3A_78 = %scan3A_0 to %scan3A_2 step %scan3A_3  : i32 {
      %broadcast_in_dim3A = arith.constant 0.000000e+00 : f32
      %broadcast_in_dim3A_79 = vector.broadcast %broadcast_in_dim3A : f32 to vector<16xf32>
      %swap3A = arith.index_cast %scan3A_78 : i32 to index
      %swap3A_80 = arith.constant 0 : index
      %swap3A_81 = tpu.vector_load %arg10[%swap3A, %swap3A_80] {strides = array<i32>} : memref<128x64xf32, #tpu.memory_space<vmem>>, vector<1x16xf32>,
      %swap3A_82 = vector.shape_cast %swap3A_81 : vector<1x16xf32> to vector<16xf32>
      %swap3A_83 = vector.shape_cast %broadcast_in_dim3A_79 : vector<16xf32> to vector<1x16xf32>
      tpu.vector_store %arg10[%swap3A, %swap3A_80], %swap3A_83 {strides = array<i32>} : memref<128x64xf32, #tpu.memory_space<vmem>>, vector<1x16xf32>,
      %broadcast_in_dim3A_84 = arith.constant 0.000000e+00 : f32
      %broadcast_in_dim3A_85 = vector.broadcast %broadcast_in_dim3A_84 : f32 to vector<16xf32>
      %swap3A_86 = arith.index_cast %scan3A_78 : i32 to index
      %swap3A_87 = arith.constant 16 : index
      %swap3A_88 = tpu.vector_load %arg10[%swap3A_86, %swap3A_87] {strides = array<i32>} : memref<128x64xf32, #tpu.memory_space<vmem>>, vector<1x16xf32>,
      %swap3A_89 = vector.shape_cast %swap3A_88 : vector<1x16xf32> to vector<16xf32>
      %swap3A_90 = vector.shape_cast %broadcast_in_dim3A_85 : vector<16xf32> to vector<1x16xf32>
      tpu.vector_store %arg10[%swap3A_86, %swap3A_87], %swap3A_90 {strides = array<i32>} : memref<128x64xf32, #tpu.memory_space<vmem>>, vector<1x16xf32>,
      %broadcast_in_dim3A_91 = arith.constant 0.000000e+00 : f32
      %broadcast_in_dim3A_92 = vector.broadcast %broadcast_in_dim3A_91 : f32 to vector<16xf32>
      %swap3A_93 = arith.index_cast %scan3A_78 : i32 to index
      %swap3A_94 = arith.constant 32 : index
      %swap3A_95 = tpu.vector_load %arg10[%swap3A_93, %swap3A_94] {strides = array<i32>} : memref<128x64xf32, #tpu.memory_space<vmem>>, vector<1x16xf32>,
      %swap3A_96 = vector.shape_cast %swap3A_95 : vector<1x16xf32> to vector<16xf32>
      %swap3A_97 = vector.shape_cast %broadcast_in_dim3A_92 : vector<16xf32> to vector<1x16xf32>
      tpu.vector_store %arg10[%swap3A_93, %swap3A_94], %swap3A_97 {strides = array<i32>} : memref<128x64xf32, #tpu.memory_space<vmem>>, vector<1x16xf32>,
      %broadcast_in_dim3A_98 = arith.constant 0.000000e+00 : f32
      %broadcast_in_dim3A_99 = vector.broadcast %broadcast_in_dim3A_98 : f32 to vector<16xf32>
      %swap3A_100 = arith.index_cast %scan3A_78 : i32 to index
      %swap3A_101 = arith.constant 48 : index
      %swap3A_102 = tpu.vector_load %arg10[%swap3A_100, %swap3A_101] {strides = array<i32>} : memref<128x64xf32, #tpu.memory_space<vmem>>, vector<1x16xf32>,
      %swap3A_103 = vector.shape_cast %swap3A_102 : vector<1x16xf32> to vector<16xf32>
      %swap3A_104 = vector.shape_cast %broadcast_in_dim3A_99 : vector<16xf32> to vector<1x16xf32>
      tpu.vector_store %arg10[%swap3A_100, %swap3A_101], %swap3A_104 {strides = array<i32>} : memref<128x64xf32, #tpu.memory_space<vmem>>, vector<1x16xf32>,
    }
    %scan3A_4 = arith.constant 128 : i32
    %mul3A = arith.constant 640 : i32
    %mul3A_5 = arith.muli %arg1, %mul3A : i32
    %lt3A = arith.constant 15 : i32
    %lt3A_6 = arith.cmpi slt, %arg1, %lt3A : i32
    %or3A = arith.constant true
    %or3A_7 = arith.ori %lt3A_6, %or3A : i1
    %convert_element_type3A = arith.extui %or3A_7 : i1 to i32
    %cond3A = arith.constant 0 : i32
    %cond3A_8 = arith.cmpi ne, %convert_element_type3A, %cond3A : i32
    scf.if %cond3A_8 {
      %add3A = arith.constant 0 : i32
      %add3A_78 = arith.addi %mul3A_5, %add3A : i32
      "tpu.region"() ({
        %run_scoped3A = tpu.sem_alloc : memref<!tpu.dma_semaphore, #tpu.memory_space<semaphore_mem>>
        %dma_start3A_79 = arith.constant 0 : i32
        %dma_start3A_80 = tpu.memref_slice %arg11[%add3A_78, %dma_start3A_79] : memref<10000x64xf32, #tpu.memory_space<vmem_shared>> -> memref<128x64xf32, #tpu.memory_space<vmem_shared>>
        %dma_start3A_81 = arith.constant 0 : i32
        %dma_start3A_82 = tpu.memref_slice %arg11[%add3A_78, %dma_start3A_81] : memref<10000x64xf32, #tpu.memory_space<vmem_shared>> -> memref<128x64xf32, #tpu.memory_space<vmem_shared>>
        tpu.enqueue_dma source(%arg10 : memref<128x64xf32, #tpu.memory_space<vmem>>) target(%dma_start3A_82 : memref<128x64xf32, #tpu.memory_space<vmem_shared>>) target_semaphore(%run_scoped3A : memref<!tpu.dma_semaphore, #tpu.memory_space<semaphore_mem>>)
        %dma_wait3A_83 = arith.constant 0 : i32
        %dma_wait3A_84 = tpu.memref_slice %arg11[%add3A_78, %dma_wait3A_83] : memref<10000x64xf32, #tpu.memory_space<vmem_shared>> -> memref<128x64xf32, #tpu.memory_space<vmem_shared>>
        %dma_wait3A_85 = arith.constant 0 : i32
        %dma_wait3A_86 = tpu.memref_slice %arg11[%add3A_78, %dma_wait3A_85] : memref<10000x64xf32, #tpu.memory_space<vmem_shared>> -> memref<128x64xf32, #tpu.memory_space<vmem_shared>>
        tpu.wait_dma2 semaphore(%run_scoped3A : memref<!tpu.dma_semaphore, #tpu.memory_space<semaphore_mem>>) src(%arg10 : memref<128x64xf32, #tpu.memory_space<vmem>>) dst(%dma_wait3A_86 : memref<128x64xf32, #tpu.memory_space<vmem_shared>>)
        tpu.yield
      }) : () -> ()
    } else {
    }
    %lt3A_9 = arith.constant 15 : i32
    %lt3A_10 = arith.cmpi slt, %arg1, %lt3A_9 : i32
    %or3A_11 = arith.constant true
    %or3A_12 = arith.ori %lt3A_10, %or3A_11 : i1
    %convert_element_type3A_13 = arith.extui %or3A_12 : i1 to i32
    %cond3A_14 = arith.constant 0 : i32
    %cond3A_15 = arith.cmpi ne, %convert_element_type3A_13, %cond3A_14 : i32
    scf.if %cond3A_15 {
      %add3A = arith.constant 128 : i32
      %add3A_78 = arith.addi %mul3A_5, %add3A : i32
      "tpu.region"() ({
        %run_scoped3A = tpu.sem_alloc : memref<!tpu.dma_semaphore, #tpu.memory_space<semaphore_mem>>
        %dma_start3A_79 = arith.constant 0 : i32
        %dma_start3A_80 = tpu.memref_slice %arg11[%add3A_78, %dma_start3A_79] : memref<10000x64xf32, #tpu.memory_space<vmem_shared>> -> memref<128x64xf32, #tpu.memory_space<vmem_shared>>
        %dma_start3A_81 = arith.constant 0 : i32
        %dma_start3A_82 = tpu.memref_slice %arg11[%add3A_78, %dma_start3A_81] : memref<10000x64xf32, #tpu.memory_space<vmem_shared>> -> memref<128x64xf32, #tpu.memory_space<vmem_shared>>
        tpu.enqueue_dma source(%arg10 : memref<128x64xf32, #tpu.memory_space<vmem>>) target(%dma_start3A_82 : memref<128x64xf32, #tpu.memory_space<vmem_shared>>) target_semaphore(%run_scoped3A : memref<!tpu.dma_semaphore, #tpu.memory_space<semaphore_mem>>)
        %dma_wait3A_83 = arith.constant 0 : i32
        %dma_wait3A_84 = tpu.memref_slice %arg11[%add3A_78, %dma_wait3A_83] : memref<10000x64xf32, #tpu.memory_space<vmem_shared>> -> memref<128x64xf32, #tpu.memory_space<vmem_shared>>
        %dma_wait3A_85 = arith.constant 0 : i32
        %dma_wait3A_86 = tpu.memref_slice %arg11[%add3A_78, %dma_wait3A_85] : memref<10000x64xf32, #tpu.memory_space<vmem_shared>> -> memref<128x64xf32, #tpu.memory_space<vmem_shared>>
        tpu.wait_dma2 semaphore(%run_scoped3A : memref<!tpu.dma_semaphore, #tpu.memory_space<semaphore_mem>>) src(%arg10 : memref<128x64xf32, #tpu.memory_space<vmem>>) dst(%dma_wait3A_86 : memref<128x64xf32, #tpu.memory_space<vmem_shared>>)
        tpu.yield
      }) : () -> ()
    } else {
    }
    %lt3A_16 = arith.constant 15 : i32
    %lt3A_17 = arith.cmpi slt, %arg1, %lt3A_16 : i32
    %or3A_18 = arith.constant true
    %or3A_19 = arith.ori %lt3A_17, %or3A_18 : i1
    %convert_element_type3A_20 = arith.extui %or3A_19 : i1 to i32
    %cond3A_21 = arith.constant 0 : i32
    %cond3A_22 = arith.cmpi ne, %convert_element_type3A_20, %cond3A_21 : i32
    scf.if %cond3A_22 {
      %add3A = arith.constant 256 : i32
      %add3A_78 = arith.addi %mul3A_5, %add3A : i32
      "tpu.region"() ({
        %run_scoped3A = tpu.sem_alloc : memref<!tpu.dma_semaphore, #tpu.memory_space<semaphore_mem>>
        %dma_start3A_79 = arith.constant 0 : i32
        %dma_start3A_80 = tpu.memref_slice %arg11[%add3A_78, %dma_start3A_79] : memref<10000x64xf32, #tpu.memory_space<vmem_shared>> -> memref<128x64xf32, #tpu.memory_space<vmem_shared>>
        %dma_start3A_81 = arith.constant 0 : i32
        %dma_start3A_82 = tpu.memref_slice %arg11[%add3A_78, %dma_start3A_81] : memref<10000x64xf32, #tpu.memory_space<vmem_shared>> -> memref<128x64xf32, #tpu.memory_space<vmem_shared>>
        tpu.enqueue_dma source(%arg10 : memref<128x64xf32, #tpu.memory_space<vmem>>) target(%dma_start3A_82 : memref<128x64xf32, #tpu.memory_space<vmem_shared>>) target_semaphore(%run_scoped3A : memref<!tpu.dma_semaphore, #tpu.memory_space<semaphore_mem>>)
        %dma_wait3A_83 = arith.constant 0 : i32
        %dma_wait3A_84 = tpu.memref_slice %arg11[%add3A_78, %dma_wait3A_83] : memref<10000x64xf32, #tpu.memory_space<vmem_shared>> -> memref<128x64xf32, #tpu.memory_space<vmem_shared>>
        %dma_wait3A_85 = arith.constant 0 : i32
        %dma_wait3A_86 = tpu.memref_slice %arg11[%add3A_78, %dma_wait3A_85] : memref<10000x64xf32, #tpu.memory_space<vmem_shared>> -> memref<128x64xf32, #tpu.memory_space<vmem_shared>>
        tpu.wait_dma2 semaphore(%run_scoped3A : memref<!tpu.dma_semaphore, #tpu.memory_space<semaphore_mem>>) src(%arg10 : memref<128x64xf32, #tpu.memory_space<vmem>>) dst(%dma_wait3A_86 : memref<128x64xf32, #tpu.memory_space<vmem_shared>>)
        tpu.yield
      }) : () -> ()
    } else {
    }
    %lt3A_23 = arith.constant 15 : i32
    %lt3A_24 = arith.cmpi slt, %arg1, %lt3A_23 : i32
    %or3A_25 = arith.constant false
    %or3A_26 = arith.ori %lt3A_24, %or3A_25 : i1
    %convert_element_type3A_27 = arith.extui %or3A_26 : i1 to i32
    %cond3A_28 = arith.constant 0 : i32
    %cond3A_29 = arith.cmpi ne, %convert_element_type3A_27, %cond3A_28 : i32
    scf.if %cond3A_29 {
      %add3A = arith.constant 384 : i32
      %add3A_78 = arith.addi %mul3A_5, %add3A : i32
      "tpu.region"() ({
        %run_scoped3A = tpu.sem_alloc : memref<!tpu.dma_semaphore, #tpu.memory_space<semaphore_mem>>
        %dma_start3A_79 = arith.constant 0 : i32
        %dma_start3A_80 = tpu.memref_slice %arg11[%add3A_78, %dma_start3A_79] : memref<10000x64xf32, #tpu.memory_space<vmem_shared>> -> memref<128x64xf32, #tpu.memory_space<vmem_shared>>
        %dma_start3A_81 = arith.constant 0 : i32
        %dma_start3A_82 = tpu.memref_slice %arg11[%add3A_78, %dma_start3A_81] : memref<10000x64xf32, #tpu.memory_space<vmem_shared>> -> memref<128x64xf32, #tpu.memory_space<vmem_shared>>
        tpu.enqueue_dma source(%arg10 : memref<128x64xf32, #tpu.memory_space<vmem>>) target(%dma_start3A_82 : memref<128x64xf32, #tpu.memory_space<vmem_shared>>) target_semaphore(%run_scoped3A : memref<!tpu.dma_semaphore, #tpu.memory_space<semaphore_mem>>)
        %dma_wait3A_83 = arith.constant 0 : i32
        %dma_wait3A_84 = tpu.memref_slice %arg11[%add3A_78, %dma_wait3A_83] : memref<10000x64xf32, #tpu.memory_space<vmem_shared>> -> memref<128x64xf32, #tpu.memory_space<vmem_shared>>
        %dma_wait3A_85 = arith.constant 0 : i32
        %dma_wait3A_86 = tpu.memref_slice %arg11[%add3A_78, %dma_wait3A_85] : memref<10000x64xf32, #tpu.memory_space<vmem_shared>> -> memref<128x64xf32, #tpu.memory_space<vmem_shared>>
        tpu.wait_dma2 semaphore(%run_scoped3A : memref<!tpu.dma_semaphore, #tpu.memory_space<semaphore_mem>>) src(%arg10 : memref<128x64xf32, #tpu.memory_space<vmem>>) dst(%dma_wait3A_86 : memref<128x64xf32, #tpu.memory_space<vmem_shared>>)
        tpu.yield
      }) : () -> ()
    } else {
    }
    %lt3A_30 = arith.constant 15 : i32
    %lt3A_31 = arith.cmpi slt, %arg1, %lt3A_30 : i32
    %or3A_32 = arith.constant false
    %or3A_33 = arith.ori %lt3A_31, %or3A_32 : i1
    %convert_element_type3A_34 = arith.extui %or3A_33 : i1 to i32
    %cond3A_35 = arith.constant 0 : i32
    %cond3A_36 = arith.cmpi ne, %convert_element_type3A_34, %cond3A_35 : i32
    scf.if %cond3A_36 {
      %add3A = arith.constant 512 : i32
      %add3A_78 = arith.addi %mul3A_5, %add3A : i32
      "tpu.region"() ({
        %run_scoped3A = tpu.sem_alloc : memref<!tpu.dma_semaphore, #tpu.memory_space<semaphore_mem>>
        %dma_start3A_79 = arith.constant 0 : i32
        %dma_start3A_80 = tpu.memref_slice %arg11[%add3A_78, %dma_start3A_79] : memref<10000x64xf32, #tpu.memory_space<vmem_shared>> -> memref<128x64xf32, #tpu.memory_space<vmem_shared>>
        %dma_start3A_81 = arith.constant 0 : i32
        %dma_start3A_82 = tpu.memref_slice %arg11[%add3A_78, %dma_start3A_81] : memref<10000x64xf32, #tpu.memory_space<vmem_shared>> -> memref<128x64xf32, #tpu.memory_space<vmem_shared>>
        tpu.enqueue_dma source(%arg10 : memref<128x64xf32, #tpu.memory_space<vmem>>) target(%dma_start3A_82 : memref<128x64xf32, #tpu.memory_space<vmem_shared>>) target_semaphore(%run_scoped3A : memref<!tpu.dma_semaphore, #tpu.memory_space<semaphore_mem>>)
        %dma_wait3A_83 = arith.constant 0 : i32
        %dma_wait3A_84 = tpu.memref_slice %arg11[%add3A_78, %dma_wait3A_83] : memref<10000x64xf32, #tpu.memory_space<vmem_shared>> -> memref<128x64xf32, #tpu.memory_space<vmem_shared>>
        %dma_wait3A_85 = arith.constant 0 : i32
        %dma_wait3A_86 = tpu.memref_slice %arg11[%add3A_78, %dma_wait3A_85] : memref<10000x64xf32, #tpu.memory_space<vmem_shared>> -> memref<128x64xf32, #tpu.memory_space<vmem_shared>>
        tpu.wait_dma2 semaphore(%run_scoped3A : memref<!tpu.dma_semaphore, #tpu.memory_space<semaphore_mem>>) src(%arg10 : memref<128x64xf32, #tpu.memory_space<vmem>>) dst(%dma_wait3A_86 : memref<128x64xf32, #tpu.memory_space<vmem_shared>>)
        tpu.yield
      }) : () -> ()
    } else {
    }
    %eq3A = arith.constant 15 : i32
    %eq3A_37 = arith.cmpi eq, %arg1, %eq3A : i32
    %convert_element_type3A_38 = arith.extui %eq3A_37 : i1 to i32
    %cond3A_39 = arith.constant 0 : i32
    %cond3A_40 = arith.cmpi ne, %convert_element_type3A_38, %cond3A_39 : i32
    scf.if %cond3A_40 {
      "tpu.region"() ({
        %run_scoped3A = tpu.sem_alloc : memref<!tpu.dma_semaphore, #tpu.memory_space<semaphore_mem>>
        %dma_start3A_78 = arith.constant 0 : i32
        %dma_start3A_79 = arith.constant 0 : i32
        %dma_start3A_80 = tpu.memref_slice %arg10[%dma_start3A_78, %dma_start3A_79] : memref<128x64xf32, #tpu.memory_space<vmem>> -> memref<16x64xf32, #tpu.memory_space<vmem>>
        %dma_start3A_81 = arith.constant 9984 : i32
        %dma_start3A_82 = arith.constant 0 : i32
        %dma_start3A_83 = tpu.memref_slice %arg11[%dma_start3A_81, %dma_start3A_82] : memref<10000x64xf32, #tpu.memory_space<vmem_shared>> -> memref<16x64xf32, #tpu.memory_space<vmem_shared>>
        %dma_start3A_84 = arith.constant 9984 : i32
        %dma_start3A_85 = arith.constant 0 : i32
        %dma_start3A_86 = tpu.memref_slice %arg11[%dma_start3A_84, %dma_start3A_85] : memref<10000x64xf32, #tpu.memory_space<vmem_shared>> -> memref<16x64xf32, #tpu.memory_space<vmem_shared>>
        %dma_start3A_87 = arith.constant 0 : i32
        %dma_start3A_88 = arith.constant 0 : i32
        %dma_start3A_89 = tpu.memref_slice %arg10[%dma_start3A_87, %dma_start3A_88] : memref<128x64xf32, #tpu.memory_space<vmem>> -> memref<16x64xf32, #tpu.memory_space<vmem>>
        tpu.enqueue_dma source(%dma_start3A_89 : memref<16x64xf32, #tpu.memory_space<vmem>>) target(%dma_start3A_86 : memref<16x64xf32, #tpu.memory_space<vmem_shared>>) target_semaphore(%run_scoped3A : memref<!tpu.dma_semaphore, #tpu.memory_space<semaphore_mem>>)
        %dma_wait3A_90 = arith.constant 0 : i32
        %dma_wait3A_91 = arith.constant 0 : i32
        %dma_wait3A_92 = tpu.memref_slice %arg10[%dma_wait3A_90, %dma_wait3A_91] : memref<128x64xf32, #tpu.memory_space<vmem>> -> memref<16x64xf32, #tpu.memory_space<vmem>>
        %dma_wait3A_93 = arith.constant 9984 : i32
        %dma_wait3A_94 = arith.constant 0 : i32
        %dma_wait3A_95 = tpu.memref_slice %arg11[%dma_wait3A_93, %dma_wait3A_94] : memref<10000x64xf32, #tpu.memory_space<vmem_shared>> -> memref<16x64xf32, #tpu.memory_space<vmem_shared>>
        %dma_wait3A_96 = arith.constant 9984 : i32
        %dma_wait3A_97 = arith.constant 0 : i32
        %dma_wait3A_98 = tpu.memref_slice %arg11[%dma_wait3A_96, %dma_wait3A_97] : memref<10000x64xf32, #tpu.memory_space<vmem_shared>> -> memref<16x64xf32, #tpu.memory_space<vmem_shared>>
        %dma_wait3A_99 = arith.constant 0 : i32
        %dma_wait3A_100 = arith.constant 0 : i32
        %dma_wait3A_101 = tpu.memref_slice %arg10[%dma_wait3A_99, %dma_wait3A_100] : memref<128x64xf32, #tpu.memory_space<vmem>> -> memref<16x64xf32, #tpu.memory_space<vmem>>
        tpu.wait_dma2 semaphore(%run_scoped3A : memref<!tpu.dma_semaphore, #tpu.memory_space<semaphore_mem>>) src(%dma_wait3A_101 : memref<16x64xf32, #tpu.memory_space<vmem>>) dst(%dma_wait3A_98 : memref<16x64xf32, #tpu.memory_space<vmem_shared>>)
        tpu.yield
      }) : () -> ()
    } else {
    }
    %mul3A_41 = arith.constant 160 : i32
    %mul3A_42 = arith.muli %arg1, %mul3A_41 : i32
    "tpu.region"() ({
      %run_scoped3A = tpu.sem_alloc : memref<!tpu.dma_semaphore, #tpu.memory_space<semaphore_mem>>
      %dma_start3A_78 = arith.constant 0 : i32
      %dma_start3A_79 = tpu.memref_slice %arg3[%mul3A_42, %dma_start3A_78] : memref<2560x125xi32, #tpu.memory_space<hbm>> -> memref<160x125xi32, #tpu.memory_space<hbm>>
      %dma_start3A_80 = arith.constant 0 : i32
      %dma_start3A_81 = tpu.memref_slice %arg3[%mul3A_42, %dma_start3A_80] : memref<2560x125xi32, #tpu.memory_space<hbm>> -> memref<160x125xi32, #tpu.memory_space<hbm>>
      tpu.enqueue_dma source(%dma_start3A_81 : memref<160x125xi32, #tpu.memory_space<hbm>>) target(%arg6 : memref<160x125xi32, #tpu.memory_space<vmem>>) target_semaphore(%run_scoped3A : memref<!tpu.dma_semaphore, #tpu.memory_space<semaphore_mem>>)
      %dma_wait3A_82 = arith.constant 0 : i32
      %dma_wait3A_83 = tpu.memref_slice %arg3[%mul3A_42, %dma_wait3A_82] : memref<2560x125xi32, #tpu.memory_space<hbm>> -> memref<160x125xi32, #tpu.memory_space<hbm>>
      %dma_wait3A_84 = arith.constant 0 : i32
      %dma_wait3A_85 = tpu.memref_slice %arg3[%mul3A_42, %dma_wait3A_84] : memref<2560x125xi32, #tpu.memory_space<hbm>> -> memref<160x125xi32, #tpu.memory_space<hbm>>
      tpu.wait_dma2 semaphore(%run_scoped3A : memref<!tpu.dma_semaphore, #tpu.memory_space<semaphore_mem>>) src(%dma_wait3A_85 : memref<160x125xi32, #tpu.memory_space<hbm>>) dst(%arg6 : memref<160x125xi32, #tpu.memory_space<vmem>>)
      tpu.yield
    }) : () -> ()
    %mul3A_43 = arith.constant 160 : i32
    %mul3A_44 = arith.muli %arg1, %mul3A_43 : i32
    "tpu.region"() ({
      %run_scoped3A = tpu.sem_alloc : memref<!tpu.dma_semaphore, #tpu.memory_space<semaphore_mem>>
      %dma_start3A_78 = arith.constant 0 : i32
      %dma_start3A_79 = tpu.memref_slice %arg4[%mul3A_44, %dma_start3A_78] : memref<2560x125xi32, #tpu.memory_space<hbm>> -> memref<160x125xi32, #tpu.memory_space<hbm>>
      %dma_start3A_80 = arith.constant 0 : i32
      %dma_start3A_81 = tpu.memref_slice %arg4[%mul3A_44, %dma_start3A_80] : memref<2560x125xi32, #tpu.memory_space<hbm>> -> memref<160x125xi32, #tpu.memory_space<hbm>>
      tpu.enqueue_dma source(%dma_start3A_81 : memref<160x125xi32, #tpu.memory_space<hbm>>) target(%arg7 : memref<160x125xi32, #tpu.memory_space<vmem>>) target_semaphore(%run_scoped3A : memref<!tpu.dma_semaphore, #tpu.memory_space<semaphore_mem>>)
      %dma_wait3A_82 = arith.constant 0 : i32
      %dma_wait3A_83 = tpu.memref_slice %arg4[%mul3A_44, %dma_wait3A_82] : memref<2560x125xi32, #tpu.memory_space<hbm>> -> memref<160x125xi32, #tpu.memory_space<hbm>>
      %dma_wait3A_84 = arith.constant 0 : i32
      %dma_wait3A_85 = tpu.memref_slice %arg4[%mul3A_44, %dma_wait3A_84] : memref<2560x125xi32, #tpu.memory_space<hbm>> -> memref<160x125xi32, #tpu.memory_space<hbm>>
      tpu.wait_dma2 semaphore(%run_scoped3A : memref<!tpu.dma_semaphore, #tpu.memory_space<semaphore_mem>>) src(%dma_wait3A_85 : memref<160x125xi32, #tpu.memory_space<hbm>>) dst(%arg7 : memref<160x125xi32, #tpu.memory_space<vmem>>)
      tpu.yield
    }) : () -> ()
    %barrier3A = arith.constant 0 : index
    tpu.barrier barrier_id(%barrier3A)
    %dma_start3A = arith.constant 0 : i32
    %dma_start3A_45 = arith.constant 0 : i32
    %dma_start3A_46 = tpu.memref_slice %arg6[%dma_start3A, %dma_start3A_45] : memref<160x125xi32, #tpu.memory_space<vmem>> -> memref<1x125xi32, #tpu.memory_space<vmem>>
    %dma_start3A_47 = tpu.memref_squeeze %dma_start3A_46 : memref<1x125xi32, #tpu.memory_space<vmem>> -> memref<125xi32, #tpu.memory_space<vmem>>
    %dma_start3A_48 = arith.constant 0 : i32
    %dma_start3A_49 = arith.constant 0 : i32
    %dma_start3A_50 = tpu.memref_slice %arg2[%arg0, %dma_start3A_48, %dma_start3A_49] : memref<2x10000x64xf32, #tpu.memory_space<hbm>> -> memref<1x10000x64xf32, #tpu.memory_space<hbm>>
    %dma_start3A_51 = tpu.memref_squeeze %dma_start3A_50 : memref<1x10000x64xf32, #tpu.memory_space<hbm>> -> memref<10000x64xf32, #tpu.memory_space<hbm>>
    %dma_start3A_52 = arith.constant 0 : i32
    %dma_start3A_53 = arith.constant 0 : i32
    %dma_start3A_54 = tpu.memref_slice %dma_start3A_51[%dma_start3A_52, %dma_start3A_53] : memref<10000x64xf32, #tpu.memory_space<hbm>> -> memref<10000x64xf32, #tpu.memory_space<hbm>>
    tpu.enqueue_indirect_dma source(%dma_start3A_54 : memref<10000x64xf32, #tpu.memory_space<hbm>>) target(%arg8 : memref<125x64xf32, #tpu.memory_space<vmem>>) offsets(%dma_start3A_47 : memref<125xi32, #tpu.memory_space<vmem>>) semaphore(%arg12 : memref<!tpu.dma_semaphore, #tpu.memory_space<semaphore_mem>>)
    %scan3A_55 = arith.constant 0 : i32
    %scan3A_56 = arith.constant 0 : i32
    %scan3A_57 = arith.constant 80 : i32
    %scan3A_58 = arith.addi %scan3A_56, %scan3A_57 : i32
    %scan3A_59 = arith.constant 1 : i32
    scf.for %scan3A_78 = %scan3A_56 to %scan3A_58 step %scan3A_59  : i32 {
      %mul3A_79 = arith.constant 2 : i32
      %mul3A_80 = arith.muli %mul3A_79, %scan3A_78 : i32
      %dma_wait3A_81 = arith.constant 0 : i32
      %dma_wait3A_82 = tpu.memref_slice %arg6[%mul3A_80, %dma_wait3A_81] : memref<160x125xi32, #tpu.memory_space<vmem>> -> memref<1x125xi32, #tpu.memory_space<vmem>>
      %dma_wait3A_83 = tpu.memref_squeeze %dma_wait3A_82 : memref<1x125xi32, #tpu.memory_space<vmem>> -> memref<125xi32, #tpu.memory_space<vmem>>
      %dma_wait3A_84 = arith.constant 0 : i32
      %dma_wait3A_85 = arith.constant 0 : i32
      %dma_wait3A_86 = tpu.memref_slice %arg2[%arg0, %dma_wait3A_84, %dma_wait3A_85] : memref<2x10000x64xf32, #tpu.memory_space<hbm>> -> memref<1x10000x64xf32, #tpu.memory_space<hbm>>
      %dma_wait3A_87 = tpu.memref_squeeze %dma_wait3A_86 : memref<1x10000x64xf32, #tpu.memory_space<hbm>> -> memref<10000x64xf32, #tpu.memory_space<hbm>>
      %dma_wait3A_88 = arith.constant 0 : i32
      %dma_wait3A_89 = arith.constant 0 : i32
      %dma_wait3A_90 = tpu.memref_slice %dma_wait3A_87[%dma_wait3A_88, %dma_wait3A_89] : memref<10000x64xf32, #tpu.memory_space<hbm>> -> memref<10000x64xf32, #tpu.memory_space<hbm>>
      tpu.wait_indirect_dma semaphore(%arg12 : memref<!tpu.dma_semaphore, #tpu.memory_space<semaphore_mem>>) src(%dma_wait3A_90 : memref<10000x64xf32, #tpu.memory_space<hbm>>) dst(%arg8 : memref<125x64xf32, #tpu.memory_space<vmem>>)
      %gt3A = arith.constant 0 : i32
      %gt3A_91 = arith.cmpi sgt, %scan3A_78, %gt3A : i32
      %convert_element_type3A_92 = arith.extui %gt3A_91 : i1 to i32
      %cond3A_93 = arith.constant 0 : i32
      %cond3A_94 = arith.cmpi ne, %convert_element_type3A_92, %cond3A_93 : i32
      scf.if %cond3A_94 {
        %sub3A = arith.constant 1 : i32
        %sub3A_143 = arith.subi %mul3A_80, %sub3A : i32
        %dma_wait3A_144 = arith.constant 0 : i32
        %dma_wait3A_145 = tpu.memref_slice %arg7[%sub3A_143, %dma_wait3A_144] : memref<160x125xi32, #tpu.memory_space<vmem>> -> memref<1x125xi32, #tpu.memory_space<vmem>>
        %dma_wait3A_146 = tpu.memref_squeeze %dma_wait3A_145 : memref<1x125xi32, #tpu.memory_space<vmem>> -> memref<125xi32, #tpu.memory_space<vmem>>
        %dma_wait3A_147 = arith.constant 0 : i32
        %dma_wait3A_148 = arith.constant 0 : i32
        %dma_wait3A_149 = tpu.memref_slice %arg11[%dma_wait3A_147, %dma_wait3A_148] : memref<10000x64xf32, #tpu.memory_space<vmem_shared>> -> memref<10000x64xf32, #tpu.memory_space<vmem_shared>>
        tpu.wait_indirect_dma semaphore(%arg15 : memref<!tpu.dma_semaphore, #tpu.memory_space<semaphore_mem>>) src(%arg9 : memref<125x64xf32, #tpu.memory_space<vmem>>) dst(%dma_wait3A_149 : memref<10000x64xf32, #tpu.memory_space<vmem_shared>>)
      } else {
      }
      %add3A = arith.constant 1 : i32
      %add3A_95 = arith.addi %mul3A_80, %add3A : i32
      %dma_start3A_96 = arith.constant 0 : i32
      %dma_start3A_97 = tpu.memref_slice %arg6[%add3A_95, %dma_start3A_96] : memref<160x125xi32, #tpu.memory_space<vmem>> -> memref<1x125xi32, #tpu.memory_space<vmem>>
      %dma_start3A_98 = tpu.memref_squeeze %dma_start3A_97 : memref<1x125xi32, #tpu.memory_space<vmem>> -> memref<125xi32, #tpu.memory_space<vmem>>
      %dma_start3A_99 = arith.constant 0 : i32
      %dma_start3A_100 = arith.constant 0 : i32
      %dma_start3A_101 = tpu.memref_slice %arg2[%arg0, %dma_start3A_99, %dma_start3A_100] : memref<2x10000x64xf32, #tpu.memory_space<hbm>> -> memref<1x10000x64xf32, #tpu.memory_space<hbm>>
      %dma_start3A_102 = tpu.memref_squeeze %dma_start3A_101 : memref<1x10000x64xf32, #tpu.memory_space<hbm>> -> memref<10000x64xf32, #tpu.memory_space<hbm>>
      %dma_start3A_103 = arith.constant 0 : i32
      %dma_start3A_104 = arith.constant 0 : i32
      %dma_start3A_105 = tpu.memref_slice %dma_start3A_102[%dma_start3A_103, %dma_start3A_104] : memref<10000x64xf32, #tpu.memory_space<hbm>> -> memref<10000x64xf32, #tpu.memory_space<hbm>>
      tpu.enqueue_indirect_dma source(%dma_start3A_105 : memref<10000x64xf32, #tpu.memory_space<hbm>>) target(%arg9 : memref<125x64xf32, #tpu.memory_space<vmem>>) offsets(%dma_start3A_98 : memref<125xi32, #tpu.memory_space<vmem>>) semaphore(%arg13 : memref<!tpu.dma_semaphore, #tpu.memory_space<semaphore_mem>>)
      %dma_start3A_106 = arith.constant 0 : i32
      %dma_start3A_107 = tpu.memref_slice %arg7[%mul3A_80, %dma_start3A_106] : memref<160x125xi32, #tpu.memory_space<vmem>> -> memref<1x125xi32, #tpu.memory_space<vmem>>
      %dma_start3A_108 = tpu.memref_squeeze %dma_start3A_107 : memref<1x125xi32, #tpu.memory_space<vmem>> -> memref<125xi32, #tpu.memory_space<vmem>>
      %dma_start3A_109 = arith.constant 0 : i32
      %dma_start3A_110 = arith.constant 0 : i32
      %dma_start3A_111 = tpu.memref_slice %arg11[%dma_start3A_109, %dma_start3A_110] : memref<10000x64xf32, #tpu.memory_space<vmem_shared>> -> memref<10000x64xf32, #tpu.memory_space<vmem_shared>>
      tpu.enqueue_indirect_dma source(%arg8 : memref<125x64xf32, #tpu.memory_space<vmem>>) target(%dma_start3A_111 : memref<10000x64xf32, #tpu.memory_space<vmem_shared>>) offsets(%dma_start3A_108 : memref<125xi32, #tpu.memory_space<vmem>>) semaphore(%arg14 : memref<!tpu.dma_semaphore, #tpu.memory_space<semaphore_mem>>) {add = true}
      %add3A_112 = arith.constant 1 : i32
      %add3A_113 = arith.addi %mul3A_80, %add3A_112 : i32
      %dma_wait3A_114 = arith.constant 0 : i32
      %dma_wait3A_115 = tpu.memref_slice %arg6[%add3A_113, %dma_wait3A_114] : memref<160x125xi32, #tpu.memory_space<vmem>> -> memref<1x125xi32, #tpu.memory_space<vmem>>
      %dma_wait3A_116 = tpu.memref_squeeze %dma_wait3A_115 : memref<1x125xi32, #tpu.memory_space<vmem>> -> memref<125xi32, #tpu.memory_space<vmem>>
      %dma_wait3A_117 = arith.constant 0 : i32
      %dma_wait3A_118 = arith.constant 0 : i32
      %dma_wait3A_119 = tpu.memref_slice %arg2[%arg0, %dma_wait3A_117, %dma_wait3A_118] : memref<2x10000x64xf32, #tpu.memory_space<hbm>> -> memref<1x10000x64xf32, #tpu.memory_space<hbm>>
      %dma_wait3A_120 = tpu.memref_squeeze %dma_wait3A_119 : memref<1x10000x64xf32, #tpu.memory_space<hbm>> -> memref<10000x64xf32, #tpu.memory_space<hbm>>
      %dma_wait3A_121 = arith.constant 0 : i32
      %dma_wait3A_122 = arith.constant 0 : i32
      %dma_wait3A_123 = tpu.memref_slice %dma_wait3A_120[%dma_wait3A_121, %dma_wait3A_122] : memref<10000x64xf32, #tpu.memory_space<hbm>> -> memref<10000x64xf32, #tpu.memory_space<hbm>>
      tpu.wait_indirect_dma semaphore(%arg13 : memref<!tpu.dma_semaphore, #tpu.memory_space<semaphore_mem>>) src(%dma_wait3A_123 : memref<10000x64xf32, #tpu.memory_space<hbm>>) dst(%arg9 : memref<125x64xf32, #tpu.memory_space<vmem>>)
      %dma_wait3A_124 = arith.constant 0 : i32
      %dma_wait3A_125 = tpu.memref_slice %arg7[%mul3A_80, %dma_wait3A_124] : memref<160x125xi32, #tpu.memory_space<vmem>> -> memref<1x125xi32, #tpu.memory_space<vmem>>
      %dma_wait3A_126 = tpu.memref_squeeze %dma_wait3A_125 : memref<1x125xi32, #tpu.memory_space<vmem>> -> memref<125xi32, #tpu.memory_space<vmem>>
      %dma_wait3A_127 = arith.constant 0 : i32
      %dma_wait3A_128 = arith.constant 0 : i32
      %dma_wait3A_129 = tpu.memref_slice %arg11[%dma_wait3A_127, %dma_wait3A_128] : memref<10000x64xf32, #tpu.memory_space<vmem_shared>> -> memref<10000x64xf32, #tpu.memory_space<vmem_shared>>
      tpu.wait_indirect_dma semaphore(%arg14 : memref<!tpu.dma_semaphore, #tpu.memory_space<semaphore_mem>>) src(%arg8 : memref<125x64xf32, #tpu.memory_space<vmem>>) dst(%dma_wait3A_129 : memref<10000x64xf32, #tpu.memory_space<vmem_shared>>)
      %lt3A_130 = arith.constant 79 : i32
      %lt3A_131 = arith.cmpi slt, %scan3A_78, %lt3A_130 : i32
      %convert_element_type3A_132 = arith.extui %lt3A_131 : i1 to i32
      %cond3A_133 = arith.constant 0 : i32
      %cond3A_134 = arith.cmpi ne, %convert_element_type3A_132, %cond3A_133 : i32
      scf.if %cond3A_134 {
        %add3A_143 = arith.constant 2 : i32
        %add3A_144 = arith.addi %mul3A_80, %add3A_143 : i32
        %dma_start3A_145 = arith.constant 0 : i32
        %dma_start3A_146 = tpu.memref_slice %arg6[%add3A_144, %dma_start3A_145] : memref<160x125xi32, #tpu.memory_space<vmem>> -> memref<1x125xi32, #tpu.memory_space<vmem>>
        %dma_start3A_147 = tpu.memref_squeeze %dma_start3A_146 : memref<1x125xi32, #tpu.memory_space<vmem>> -> memref<125xi32, #tpu.memory_space<vmem>>
        %dma_start3A_148 = arith.constant 0 : i32
        %dma_start3A_149 = arith.constant 0 : i32
        %dma_start3A_150 = tpu.memref_slice %arg2[%arg0, %dma_start3A_148, %dma_start3A_149] : memref<2x10000x64xf32, #tpu.memory_space<hbm>> -> memref<1x10000x64xf32, #tpu.memory_space<hbm>>
        %dma_start3A_151 = tpu.memref_squeeze %dma_start3A_150 : memref<1x10000x64xf32, #tpu.memory_space<hbm>> -> memref<10000x64xf32, #tpu.memory_space<hbm>>
        %dma_start3A_152 = arith.constant 0 : i32
        %dma_start3A_153 = arith.constant 0 : i32
        %dma_start3A_154 = tpu.memref_slice %dma_start3A_151[%dma_start3A_152, %dma_start3A_153] : memref<10000x64xf32, #tpu.memory_space<hbm>> -> memref<10000x64xf32, #tpu.memory_space<hbm>>
        tpu.enqueue_indirect_dma source(%dma_start3A_154 : memref<10000x64xf32, #tpu.memory_space<hbm>>) target(%arg8 : memref<125x64xf32, #tpu.memory_space<vmem>>) offsets(%dma_start3A_147 : memref<125xi32, #tpu.memory_space<vmem>>) semaphore(%arg12 : memref<!tpu.dma_semaphore, #tpu.memory_space<semaphore_mem>>)
      } else {
      }
      %add3A_135 = arith.constant 1 : i32
      %add3A_136 = arith.addi %mul3A_80, %add3A_135 : i32
      %dma_start3A_137 = arith.constant 0 : i32
      %dma_start3A_138 = tpu.memref_slice %arg7[%add3A_136, %dma_start3A_137] : memref<160x125xi32, #tpu.memory_space<vmem>> -> memref<1x125xi32, #tpu.memory_space<vmem>>
      %dma_start3A_139 = tpu.memref_squeeze %dma_start3A_138 : memref<1x125xi32, #tpu.memory_space<vmem>> -> memref<125xi32, #tpu.memory_space<vmem>>
      %dma_start3A_140 = arith.constant 0 : i32
      %dma_start3A_141 = arith.constant 0 : i32
      %dma_start3A_142 = tpu.memref_slice %arg11[%dma_start3A_140, %dma_start3A_141] : memref<10000x64xf32, #tpu.memory_space<vmem_shared>> -> memref<10000x64xf32, #tpu.memory_space<vmem_shared>>
      tpu.enqueue_indirect_dma source(%arg9 : memref<125x64xf32, #tpu.memory_space<vmem>>) target(%dma_start3A_142 : memref<10000x64xf32, #tpu.memory_space<vmem_shared>>) offsets(%dma_start3A_139 : memref<125xi32, #tpu.memory_space<vmem>>) semaphore(%arg15 : memref<!tpu.dma_semaphore, #tpu.memory_space<semaphore_mem>>) {add = true}
    }
    %scan3A_60 = arith.constant 80 : i32
    %dma_wait3A = arith.constant 159 : i32
    %dma_wait3A_61 = arith.constant 0 : i32
    %dma_wait3A_62 = tpu.memref_slice %arg7[%dma_wait3A, %dma_wait3A_61] : memref<160x125xi32, #tpu.memory_space<vmem>> -> memref<1x125xi32, #tpu.memory_space<vmem>>
    %dma_wait3A_63 = tpu.memref_squeeze %dma_wait3A_62 : memref<1x125xi32, #tpu.memory_space<vmem>> -> memref<125xi32, #tpu.memory_space<vmem>>
    %dma_wait3A_64 = arith.constant 0 : i32
    %dma_wait3A_65 = arith.constant 0 : i32
    %dma_wait3A_66 = tpu.memref_slice %arg11[%dma_wait3A_64, %dma_wait3A_65] : memref<10000x64xf32, #tpu.memory_space<vmem_shared>> -> memref<10000x64xf32, #tpu.memory_space<vmem_shared>>
    tpu.wait_indirect_dma semaphore(%arg15 : memref<!tpu.dma_semaphore, #tpu.memory_space<semaphore_mem>>) src(%arg9 : memref<125x64xf32, #tpu.memory_space<vmem>>) dst(%dma_wait3A_66 : memref<10000x64xf32, #tpu.memory_space<vmem_shared>>)
    %barrier3A_67 = arith.constant 0 : index
    tpu.barrier barrier_id(%barrier3A_67)
    %lt3A_68 = arith.constant 15 : i32
    %lt3A_69 = arith.cmpi slt, %arg1, %lt3A_68 : i32
    %convert_element_type3A_70 = arith.extui %lt3A_69 : i1 to i32
    %cond3A_71 = arith.constant 0 : i32
    %cond3A_72 = arith.cmpi ne, %convert_element_type3A_70, %cond3A_71 : i32
    scf.if %cond3A_72 {
      %mul3A_78 = arith.constant 640 : i32
      %mul3A_79 = arith.muli %arg1, %mul3A_78 : i32
      %mul3A_80 = arith.constant 640 : i32
      %mul3A_81 = arith.muli %arg1, %mul3A_80 : i32
      "tpu.region"() ({
        %run_scoped3A = tpu.sem_alloc : memref<!tpu.dma_semaphore, #tpu.memory_space<semaphore_mem>>
        %dma_start3A_82 = arith.constant 0 : i32
        %dma_start3A_83 = tpu.memref_slice %arg5[%arg0, %mul3A_81, %dma_start3A_82] : memref<2x10000x64xf32, #tpu.memory_space<hbm>> -> memref<1x640x64xf32, #tpu.memory_space<hbm>>
        %dma_start3A_84 = tpu.memref_squeeze %dma_start3A_83 : memref<1x640x64xf32, #tpu.memory_space<hbm>> -> memref<640x64xf32, #tpu.memory_space<hbm>>
        %dma_start3A_85 = arith.constant 0 : i32
        %dma_start3A_86 = tpu.memref_slice %arg11[%mul3A_79, %dma_start3A_85] : memref<10000x64xf32, #tpu.memory_space<vmem_shared>> -> memref<640x64xf32, #tpu.memory_space<vmem_shared>>
        tpu.enqueue_dma source(%dma_start3A_86 : memref<640x64xf32, #tpu.memory_space<vmem_shared>>) target(%dma_start3A_84 : memref<640x64xf32, #tpu.memory_space<hbm>>) target_semaphore(%run_scoped3A : memref<!tpu.dma_semaphore, #tpu.memory_space<semaphore_mem>>)
        %dma_wait3A_87 = arith.constant 0 : i32
        %dma_wait3A_88 = tpu.memref_slice %arg5[%arg0, %mul3A_81, %dma_wait3A_87] : memref<2x10000x64xf32, #tpu.memory_space<hbm>> -> memref<1x640x64xf32, #tpu.memory_space<hbm>>
        %dma_wait3A_89 = tpu.memref_squeeze %dma_wait3A_88 : memref<1x640x64xf32, #tpu.memory_space<hbm>> -> memref<640x64xf32, #tpu.memory_space<hbm>>
        %dma_wait3A_90 = arith.constant 0 : i32
        %dma_wait3A_91 = tpu.memref_slice %arg11[%mul3A_79, %dma_wait3A_90] : memref<10000x64xf32, #tpu.memory_space<vmem_shared>> -> memref<640x64xf32, #tpu.memory_space<vmem_shared>>
        tpu.wait_dma2 semaphore(%run_scoped3A : memref<!tpu.dma_semaphore, #tpu.memory_space<semaphore_mem>>) src(%dma_wait3A_91 : memref<640x64xf32, #tpu.memory_space<vmem_shared>>) dst(%dma_wait3A_89 : memref<640x64xf32, #tpu.memory_space<hbm>>)
        tpu.yield
      }) : () -> ()
    } else {
    }
    %eq3A_73 = arith.constant 15 : i32
    %eq3A_74 = arith.cmpi eq, %arg1, %eq3A_73 : i32
    %convert_element_type3A_75 = arith.extui %eq3A_74 : i1 to i32
    %cond3A_76 = arith.constant 0 : i32
    %cond3A_77 = arith.cmpi ne, %convert_element_type3A_75, %cond3A_76 : i32
    scf.if %cond3A_77 {
      "tpu.region"() ({
        %run_scoped3A = tpu.sem_alloc : memref<!tpu.dma_semaphore, #tpu.memory_space<semaphore_mem>>
        %dma_start3A_78 = arith.constant 9600 : i32
        %dma_start3A_79 = arith.constant 0 : i32
        %dma_start3A_80 = tpu.memref_slice %arg5[%arg0, %dma_start3A_78, %dma_start3A_79] : memref<2x10000x64xf32, #tpu.memory_space<hbm>> -> memref<1x400x64xf32, #tpu.memory_space<hbm>>
        %dma_start3A_81 = tpu.memref_squeeze %dma_start3A_80 : memref<1x400x64xf32, #tpu.memory_space<hbm>> -> memref<400x64xf32, #tpu.memory_space<hbm>>
        %dma_start3A_82 = arith.constant 9600 : i32
        %dma_start3A_83 = arith.constant 0 : i32
        %dma_start3A_84 = tpu.memref_slice %arg11[%dma_start3A_82, %dma_start3A_83] : memref<10000x64xf32, #tpu.memory_space<vmem_shared>> -> memref<400x64xf32, #tpu.memory_space<vmem_shared>>
        tpu.enqueue_dma source(%dma_start3A_84 : memref<400x64xf32, #tpu.memory_space<vmem_shared>>) target(%dma_start3A_81 : memref<400x64xf32, #tpu.memory_space<hbm>>) target_semaphore(%run_scoped3A : memref<!tpu.dma_semaphore, #tpu.memory_space<semaphore_mem>>)
        %dma_wait3A_85 = arith.constant 9600 : i32
        %dma_wait3A_86 = arith.constant 0 : i32
        %dma_wait3A_87 = tpu.memref_slice %arg5[%arg0, %dma_wait3A_85, %dma_wait3A_86] : memref<2x10000x64xf32, #tpu.memory_space<hbm>> -> memref<1x400x64xf32, #tpu.memory_space<hbm>>
        %dma_wait3A_88 = tpu.memref_squeeze %dma_wait3A_87 : memref<1x400x64xf32, #tpu.memory_space<hbm>> -> memref<400x64xf32, #tpu.memory_space<hbm>>
        %dma_wait3A_89 = arith.constant 9600 : i32
        %dma_wait3A_90 = arith.constant 0 : i32
        %dma_wait3A_91 = tpu.memref_slice %arg11[%dma_wait3A_89, %dma_wait3A_90] : memref<10000x64xf32, #tpu.memory_space<vmem_shared>> -> memref<400x64xf32, #tpu.memory_space<vmem_shared>>
        tpu.wait_dma2 semaphore(%run_scoped3A : memref<!tpu.dma_semaphore, #tpu.memory_space<semaphore_mem>>) src(%dma_wait3A_91 : memref<400x64xf32, #tpu.memory_space<vmem_shared>>) dst(%dma_wait3A_88 : memref<400x64xf32, #tpu.memory_space<hbm>>)
        tpu.yield
      }) : () -> ()
    } else {
    }
    return
  }
}

#map = affine_map<(d0, d1) -> (0, 0, 0)>
#map1 = affine_map<(d0, d1) -> (0, 0)>
module attributes {stable_mosaic.version = 14 : i64} {
  func.func @sc_mp_round(%arg0: i32, %arg1: i32, %arg2: memref<2x10000x64xf32, #tpu.memory_space<hbm>>, %arg3: memref<2560x125xi32, #tpu.memory_space<hbm>>, %arg4: memref<2560x125xi32, #tpu.memory_space<hbm>>, %arg5: memref<2x10000x64xf32, #tpu.memory_space<hbm>>, %arg6: memref<160x125xi32, #tpu.memory_space<vmem>>, %arg7: memref<160x125xi32, #tpu.memory_space<vmem>>, %arg8: memref<125x64xf32, #tpu.memory_space<vmem>>, %arg9: memref<125x64xf32, #tpu.memory_space<vmem>>, %arg10: memref<128x64xf32, #tpu.memory_space<vmem>>, %arg11: memref<10000x64xf32, #tpu.memory_space<vmem_shared>>, %arg12: memref<!tpu.dma_semaphore, #tpu.memory_space<semaphore_mem>>, %arg13: memref<!tpu.dma_semaphore, #tpu.memory_space<semaphore_mem>>, %arg14: memref<!tpu.dma_semaphore, #tpu.memory_space<semaphore_mem>>, %arg15: memref<!tpu.dma_semaphore, #tpu.memory_space<semaphore_mem>>) attributes {dimension_semantics = [#tpu.dimension_semantics<core_parallel>, #tpu.dimension_semantics<subcore_parallel>], iteration_bounds = array<i64: 2, 16>, scalar_prefetch = 0 : i64, scratch_operands = 10 : i64, tpu.core_type = #tpu.core_type<sc_vector_subcore>, window_params = [{transform_indices = #map}, {transform_indices = #map1}, {transform_indices = #map1}, {transform_indices = #map}]} {
    %scan3A = arith.constant 0 : i32
    %scan3A_0 = arith.constant 0 : i32
    %scan3A_1 = arith.constant 128 : i32
    %scan3A_2 = arith.addi %scan3A_0, %scan3A_1 : i32
    %scan3A_3 = arith.constant 1 : i32
    scf.for %scan3A_78 = %scan3A_0 to %scan3A_2 step %scan3A_3  : i32 {
      %broadcast_in_dim3A = arith.constant 0.000000e+00 : f32
      %broadcast_in_dim3A_79 = vector.broadcast %broadcast_in_dim3A : f32 to vector<16xf32>
      %swap3A = arith.index_cast %scan3A_78 : i32 to index
      %swap3A_80 = arith.constant 0 : index
      %swap3A_81 = tpu.vector_load %arg10[%swap3A, %swap3A_80] {strides = array<i32>} : memref<128x64xf32, #tpu.memory_space<vmem>>, vector<1x16xf32>,
      %swap3A_82 = vector.shape_cast %swap3A_81 : vector<1x16xf32> to vector<16xf32>
      %swap3A_83 = vector.shape_cast %broadcast_in_dim3A_79 : vector<16xf32> to vector<1x16xf32>
      tpu.vector_store %arg10[%swap3A, %swap3A_80], %swap3A_83 {strides = array<i32>} : memref<128x64xf32, #tpu.memory_space<vmem>>, vector<1x16xf32>,
      %broadcast_in_dim3A_84 = arith.constant 0.000000e+00 : f32
      %broadcast_in_dim3A_85 = vector.broadcast %broadcast_in_dim3A_84 : f32 to vector<16xf32>
      %swap3A_86 = arith.index_cast %scan3A_78 : i32 to index
      %swap3A_87 = arith.constant 16 : index
      %swap3A_88 = tpu.vector_load %arg10[%swap3A_86, %swap3A_87] {strides = array<i32>} : memref<128x64xf32, #tpu.memory_space<vmem>>, vector<1x16xf32>,
      %swap3A_89 = vector.shape_cast %swap3A_88 : vector<1x16xf32> to vector<16xf32>
      %swap3A_90 = vector.shape_cast %broadcast_in_dim3A_85 : vector<16xf32> to vector<1x16xf32>
      tpu.vector_store %arg10[%swap3A_86, %swap3A_87], %swap3A_90 {strides = array<i32>} : memref<128x64xf32, #tpu.memory_space<vmem>>, vector<1x16xf32>,
      %broadcast_in_dim3A_91 = arith.constant 0.000000e+00 : f32
      %broadcast_in_dim3A_92 = vector.broadcast %broadcast_in_dim3A_91 : f32 to vector<16xf32>
      %swap3A_93 = arith.index_cast %scan3A_78 : i32 to index
      %swap3A_94 = arith.constant 32 : index
      %swap3A_95 = tpu.vector_load %arg10[%swap3A_93, %swap3A_94] {strides = array<i32>} : memref<128x64xf32, #tpu.memory_space<vmem>>, vector<1x16xf32>,
      %swap3A_96 = vector.shape_cast %swap3A_95 : vector<1x16xf32> to vector<16xf32>
      %swap3A_97 = vector.shape_cast %broadcast_in_dim3A_92 : vector<16xf32> to vector<1x16xf32>
      tpu.vector_store %arg10[%swap3A_93, %swap3A_94], %swap3A_97 {strides = array<i32>} : memref<128x64xf32, #tpu.memory_space<vmem>>, vector<1x16xf32>,
      %broadcast_in_dim3A_98 = arith.constant 0.000000e+00 : f32
      %broadcast_in_dim3A_99 = vector.broadcast %broadcast_in_dim3A_98 : f32 to vector<16xf32>
      %swap3A_100 = arith.index_cast %scan3A_78 : i32 to index
      %swap3A_101 = arith.constant 48 : index
      %swap3A_102 = tpu.vector_load %arg10[%swap3A_100, %swap3A_101] {strides = array<i32>} : memref<128x64xf32, #tpu.memory_space<vmem>>, vector<1x16xf32>,
      %swap3A_103 = vector.shape_cast %swap3A_102 : vector<1x16xf32> to vector<16xf32>
      %swap3A_104 = vector.shape_cast %broadcast_in_dim3A_99 : vector<16xf32> to vector<1x16xf32>
      tpu.vector_store %arg10[%swap3A_100, %swap3A_101], %swap3A_104 {strides = array<i32>} : memref<128x64xf32, #tpu.memory_space<vmem>>, vector<1x16xf32>,
    }
    %scan3A_4 = arith.constant 128 : i32
    %mul3A = arith.constant 640 : i32
    %mul3A_5 = arith.muli %arg1, %mul3A : i32
    %lt3A = arith.constant 15 : i32
    %lt3A_6 = arith.cmpi slt, %arg1, %lt3A : i32
    %or3A = arith.constant true
    %or3A_7 = arith.ori %lt3A_6, %or3A : i1
    %convert_element_type3A = arith.extui %or3A_7 : i1 to i32
    %cond3A = arith.constant 0 : i32
    %cond3A_8 = arith.cmpi ne, %convert_element_type3A, %cond3A : i32
    scf.if %cond3A_8 {
      %add3A = arith.constant 0 : i32
      %add3A_78 = arith.addi %mul3A_5, %add3A : i32
      "tpu.region"() ({
        %run_scoped3A = tpu.sem_alloc : memref<!tpu.dma_semaphore, #tpu.memory_space<semaphore_mem>>
        %dma_start3A_79 = arith.constant 0 : i32
        %dma_start3A_80 = tpu.memref_slice %arg11[%add3A_78, %dma_start3A_79] : memref<10000x64xf32, #tpu.memory_space<vmem_shared>> -> memref<128x64xf32, #tpu.memory_space<vmem_shared>>
        %dma_start3A_81 = arith.constant 0 : i32
        %dma_start3A_82 = tpu.memref_slice %arg11[%add3A_78, %dma_start3A_81] : memref<10000x64xf32, #tpu.memory_space<vmem_shared>> -> memref<128x64xf32, #tpu.memory_space<vmem_shared>>
        tpu.enqueue_dma source(%arg10 : memref<128x64xf32, #tpu.memory_space<vmem>>) target(%dma_start3A_82 : memref<128x64xf32, #tpu.memory_space<vmem_shared>>) target_semaphore(%run_scoped3A : memref<!tpu.dma_semaphore, #tpu.memory_space<semaphore_mem>>)
        %dma_wait3A_83 = arith.constant 0 : i32
        %dma_wait3A_84 = tpu.memref_slice %arg11[%add3A_78, %dma_wait3A_83] : memref<10000x64xf32, #tpu.memory_space<vmem_shared>> -> memref<128x64xf32, #tpu.memory_space<vmem_shared>>
        %dma_wait3A_85 = arith.constant 0 : i32
        %dma_wait3A_86 = tpu.memref_slice %arg11[%add3A_78, %dma_wait3A_85] : memref<10000x64xf32, #tpu.memory_space<vmem_shared>> -> memref<128x64xf32, #tpu.memory_space<vmem_shared>>
        tpu.wait_dma2 semaphore(%run_scoped3A : memref<!tpu.dma_semaphore, #tpu.memory_space<semaphore_mem>>) src(%arg10 : memref<128x64xf32, #tpu.memory_space<vmem>>) dst(%dma_wait3A_86 : memref<128x64xf32, #tpu.memory_space<vmem_shared>>)
        tpu.yield
      }) : () -> ()
    } else {
    }
    %lt3A_9 = arith.constant 15 : i32
    %lt3A_10 = arith.cmpi slt, %arg1, %lt3A_9 : i32
    %or3A_11 = arith.constant true
    %or3A_12 = arith.ori %lt3A_10, %or3A_11 : i1
    %convert_element_type3A_13 = arith.extui %or3A_12 : i1 to i32
    %cond3A_14 = arith.constant 0 : i32
    %cond3A_15 = arith.cmpi ne, %convert_element_type3A_13, %cond3A_14 : i32
    scf.if %cond3A_15 {
      %add3A = arith.constant 128 : i32
      %add3A_78 = arith.addi %mul3A_5, %add3A : i32
      "tpu.region"() ({
        %run_scoped3A = tpu.sem_alloc : memref<!tpu.dma_semaphore, #tpu.memory_space<semaphore_mem>>
        %dma_start3A_79 = arith.constant 0 : i32
        %dma_start3A_80 = tpu.memref_slice %arg11[%add3A_78, %dma_start3A_79] : memref<10000x64xf32, #tpu.memory_space<vmem_shared>> -> memref<128x64xf32, #tpu.memory_space<vmem_shared>>
        %dma_start3A_81 = arith.constant 0 : i32
        %dma_start3A_82 = tpu.memref_slice %arg11[%add3A_78, %dma_start3A_81] : memref<10000x64xf32, #tpu.memory_space<vmem_shared>> -> memref<128x64xf32, #tpu.memory_space<vmem_shared>>
        tpu.enqueue_dma source(%arg10 : memref<128x64xf32, #tpu.memory_space<vmem>>) target(%dma_start3A_82 : memref<128x64xf32, #tpu.memory_space<vmem_shared>>) target_semaphore(%run_scoped3A : memref<!tpu.dma_semaphore, #tpu.memory_space<semaphore_mem>>)
        %dma_wait3A_83 = arith.constant 0 : i32
        %dma_wait3A_84 = tpu.memref_slice %arg11[%add3A_78, %dma_wait3A_83] : memref<10000x64xf32, #tpu.memory_space<vmem_shared>> -> memref<128x64xf32, #tpu.memory_space<vmem_shared>>
        %dma_wait3A_85 = arith.constant 0 : i32
        %dma_wait3A_86 = tpu.memref_slice %arg11[%add3A_78, %dma_wait3A_85] : memref<10000x64xf32, #tpu.memory_space<vmem_shared>> -> memref<128x64xf32, #tpu.memory_space<vmem_shared>>
        tpu.wait_dma2 semaphore(%run_scoped3A : memref<!tpu.dma_semaphore, #tpu.memory_space<semaphore_mem>>) src(%arg10 : memref<128x64xf32, #tpu.memory_space<vmem>>) dst(%dma_wait3A_86 : memref<128x64xf32, #tpu.memory_space<vmem_shared>>)
        tpu.yield
      }) : () -> ()
    } else {
    }
    %lt3A_16 = arith.constant 15 : i32
    %lt3A_17 = arith.cmpi slt, %arg1, %lt3A_16 : i32
    %or3A_18 = arith.constant true
    %or3A_19 = arith.ori %lt3A_17, %or3A_18 : i1
    %convert_element_type3A_20 = arith.extui %or3A_19 : i1 to i32
    %cond3A_21 = arith.constant 0 : i32
    %cond3A_22 = arith.cmpi ne, %convert_element_type3A_20, %cond3A_21 : i32
    scf.if %cond3A_22 {
      %add3A = arith.constant 256 : i32
      %add3A_78 = arith.addi %mul3A_5, %add3A : i32
      "tpu.region"() ({
        %run_scoped3A = tpu.sem_alloc : memref<!tpu.dma_semaphore, #tpu.memory_space<semaphore_mem>>
        %dma_start3A_79 = arith.constant 0 : i32
        %dma_start3A_80 = tpu.memref_slice %arg11[%add3A_78, %dma_start3A_79] : memref<10000x64xf32, #tpu.memory_space<vmem_shared>> -> memref<128x64xf32, #tpu.memory_space<vmem_shared>>
        %dma_start3A_81 = arith.constant 0 : i32
        %dma_start3A_82 = tpu.memref_slice %arg11[%add3A_78, %dma_start3A_81] : memref<10000x64xf32, #tpu.memory_space<vmem_shared>> -> memref<128x64xf32, #tpu.memory_space<vmem_shared>>
        tpu.enqueue_dma source(%arg10 : memref<128x64xf32, #tpu.memory_space<vmem>>) target(%dma_start3A_82 : memref<128x64xf32, #tpu.memory_space<vmem_shared>>) target_semaphore(%run_scoped3A : memref<!tpu.dma_semaphore, #tpu.memory_space<semaphore_mem>>)
        %dma_wait3A_83 = arith.constant 0 : i32
        %dma_wait3A_84 = tpu.memref_slice %arg11[%add3A_78, %dma_wait3A_83] : memref<10000x64xf32, #tpu.memory_space<vmem_shared>> -> memref<128x64xf32, #tpu.memory_space<vmem_shared>>
        %dma_wait3A_85 = arith.constant 0 : i32
        %dma_wait3A_86 = tpu.memref_slice %arg11[%add3A_78, %dma_wait3A_85] : memref<10000x64xf32, #tpu.memory_space<vmem_shared>> -> memref<128x64xf32, #tpu.memory_space<vmem_shared>>
        tpu.wait_dma2 semaphore(%run_scoped3A : memref<!tpu.dma_semaphore, #tpu.memory_space<semaphore_mem>>) src(%arg10 : memref<128x64xf32, #tpu.memory_space<vmem>>) dst(%dma_wait3A_86 : memref<128x64xf32, #tpu.memory_space<vmem_shared>>)
        tpu.yield
      }) : () -> ()
    } else {
    }
    %lt3A_23 = arith.constant 15 : i32
    %lt3A_24 = arith.cmpi slt, %arg1, %lt3A_23 : i32
    %or3A_25 = arith.constant false
    %or3A_26 = arith.ori %lt3A_24, %or3A_25 : i1
    %convert_element_type3A_27 = arith.extui %or3A_26 : i1 to i32
    %cond3A_28 = arith.constant 0 : i32
    %cond3A_29 = arith.cmpi ne, %convert_element_type3A_27, %cond3A_28 : i32
    scf.if %cond3A_29 {
      %add3A = arith.constant 384 : i32
      %add3A_78 = arith.addi %mul3A_5, %add3A : i32
      "tpu.region"() ({
        %run_scoped3A = tpu.sem_alloc : memref<!tpu.dma_semaphore, #tpu.memory_space<semaphore_mem>>
        %dma_start3A_79 = arith.constant 0 : i32
        %dma_start3A_80 = tpu.memref_slice %arg11[%add3A_78, %dma_start3A_79] : memref<10000x64xf32, #tpu.memory_space<vmem_shared>> -> memref<128x64xf32, #tpu.memory_space<vmem_shared>>
        %dma_start3A_81 = arith.constant 0 : i32
        %dma_start3A_82 = tpu.memref_slice %arg11[%add3A_78, %dma_start3A_81] : memref<10000x64xf32, #tpu.memory_space<vmem_shared>> -> memref<128x64xf32, #tpu.memory_space<vmem_shared>>
        tpu.enqueue_dma source(%arg10 : memref<128x64xf32, #tpu.memory_space<vmem>>) target(%dma_start3A_82 : memref<128x64xf32, #tpu.memory_space<vmem_shared>>) target_semaphore(%run_scoped3A : memref<!tpu.dma_semaphore, #tpu.memory_space<semaphore_mem>>)
        %dma_wait3A_83 = arith.constant 0 : i32
        %dma_wait3A_84 = tpu.memref_slice %arg11[%add3A_78, %dma_wait3A_83] : memref<10000x64xf32, #tpu.memory_space<vmem_shared>> -> memref<128x64xf32, #tpu.memory_space<vmem_shared>>
        %dma_wait3A_85 = arith.constant 0 : i32
        %dma_wait3A_86 = tpu.memref_slice %arg11[%add3A_78, %dma_wait3A_85] : memref<10000x64xf32, #tpu.memory_space<vmem_shared>> -> memref<128x64xf32, #tpu.memory_space<vmem_shared>>
        tpu.wait_dma2 semaphore(%run_scoped3A : memref<!tpu.dma_semaphore, #tpu.memory_space<semaphore_mem>>) src(%arg10 : memref<128x64xf32, #tpu.memory_space<vmem>>) dst(%dma_wait3A_86 : memref<128x64xf32, #tpu.memory_space<vmem_shared>>)
        tpu.yield
      }) : () -> ()
    } else {
    }
    %lt3A_30 = arith.constant 15 : i32
    %lt3A_31 = arith.cmpi slt, %arg1, %lt3A_30 : i32
    %or3A_32 = arith.constant false
    %or3A_33 = arith.ori %lt3A_31, %or3A_32 : i1
    %convert_element_type3A_34 = arith.extui %or3A_33 : i1 to i32
    %cond3A_35 = arith.constant 0 : i32
    %cond3A_36 = arith.cmpi ne, %convert_element_type3A_34, %cond3A_35 : i32
    scf.if %cond3A_36 {
      %add3A = arith.constant 512 : i32
      %add3A_78 = arith.addi %mul3A_5, %add3A : i32
      "tpu.region"() ({
        %run_scoped3A = tpu.sem_alloc : memref<!tpu.dma_semaphore, #tpu.memory_space<semaphore_mem>>
        %dma_start3A_79 = arith.constant 0 : i32
        %dma_start3A_80 = tpu.memref_slice %arg11[%add3A_78, %dma_start3A_79] : memref<10000x64xf32, #tpu.memory_space<vmem_shared>> -> memref<128x64xf32, #tpu.memory_space<vmem_shared>>
        %dma_start3A_81 = arith.constant 0 : i32
        %dma_start3A_82 = tpu.memref_slice %arg11[%add3A_78, %dma_start3A_81] : memref<10000x64xf32, #tpu.memory_space<vmem_shared>> -> memref<128x64xf32, #tpu.memory_space<vmem_shared>>
        tpu.enqueue_dma source(%arg10 : memref<128x64xf32, #tpu.memory_space<vmem>>) target(%dma_start3A_82 : memref<128x64xf32, #tpu.memory_space<vmem_shared>>) target_semaphore(%run_scoped3A : memref<!tpu.dma_semaphore, #tpu.memory_space<semaphore_mem>>)
        %dma_wait3A_83 = arith.constant 0 : i32
        %dma_wait3A_84 = tpu.memref_slice %arg11[%add3A_78, %dma_wait3A_83] : memref<10000x64xf32, #tpu.memory_space<vmem_shared>> -> memref<128x64xf32, #tpu.memory_space<vmem_shared>>
        %dma_wait3A_85 = arith.constant 0 : i32
        %dma_wait3A_86 = tpu.memref_slice %arg11[%add3A_78, %dma_wait3A_85] : memref<10000x64xf32, #tpu.memory_space<vmem_shared>> -> memref<128x64xf32, #tpu.memory_space<vmem_shared>>
        tpu.wait_dma2 semaphore(%run_scoped3A : memref<!tpu.dma_semaphore, #tpu.memory_space<semaphore_mem>>) src(%arg10 : memref<128x64xf32, #tpu.memory_space<vmem>>) dst(%dma_wait3A_86 : memref<128x64xf32, #tpu.memory_space<vmem_shared>>)
        tpu.yield
      }) : () -> ()
    } else {
    }
    %eq3A = arith.constant 15 : i32
    %eq3A_37 = arith.cmpi eq, %arg1, %eq3A : i32
    %convert_element_type3A_38 = arith.extui %eq3A_37 : i1 to i32
    %cond3A_39 = arith.constant 0 : i32
    %cond3A_40 = arith.cmpi ne, %convert_element_type3A_38, %cond3A_39 : i32
    scf.if %cond3A_40 {
      "tpu.region"() ({
        %run_scoped3A = tpu.sem_alloc : memref<!tpu.dma_semaphore, #tpu.memory_space<semaphore_mem>>
        %dma_start3A_78 = arith.constant 0 : i32
        %dma_start3A_79 = arith.constant 0 : i32
        %dma_start3A_80 = tpu.memref_slice %arg10[%dma_start3A_78, %dma_start3A_79] : memref<128x64xf32, #tpu.memory_space<vmem>> -> memref<16x64xf32, #tpu.memory_space<vmem>>
        %dma_start3A_81 = arith.constant 9984 : i32
        %dma_start3A_82 = arith.constant 0 : i32
        %dma_start3A_83 = tpu.memref_slice %arg11[%dma_start3A_81, %dma_start3A_82] : memref<10000x64xf32, #tpu.memory_space<vmem_shared>> -> memref<16x64xf32, #tpu.memory_space<vmem_shared>>
        %dma_start3A_84 = arith.constant 9984 : i32
        %dma_start3A_85 = arith.constant 0 : i32
        %dma_start3A_86 = tpu.memref_slice %arg11[%dma_start3A_84, %dma_start3A_85] : memref<10000x64xf32, #tpu.memory_space<vmem_shared>> -> memref<16x64xf32, #tpu.memory_space<vmem_shared>>
        %dma_start3A_87 = arith.constant 0 : i32
        %dma_start3A_88 = arith.constant 0 : i32
        %dma_start3A_89 = tpu.memref_slice %arg10[%dma_start3A_87, %dma_start3A_88] : memref<128x64xf32, #tpu.memory_space<vmem>> -> memref<16x64xf32, #tpu.memory_space<vmem>>
        tpu.enqueue_dma source(%dma_start3A_89 : memref<16x64xf32, #tpu.memory_space<vmem>>) target(%dma_start3A_86 : memref<16x64xf32, #tpu.memory_space<vmem_shared>>) target_semaphore(%run_scoped3A : memref<!tpu.dma_semaphore, #tpu.memory_space<semaphore_mem>>)
        %dma_wait3A_90 = arith.constant 0 : i32
        %dma_wait3A_91 = arith.constant 0 : i32
        %dma_wait3A_92 = tpu.memref_slice %arg10[%dma_wait3A_90, %dma_wait3A_91] : memref<128x64xf32, #tpu.memory_space<vmem>> -> memref<16x64xf32, #tpu.memory_space<vmem>>
        %dma_wait3A_93 = arith.constant 9984 : i32
        %dma_wait3A_94 = arith.constant 0 : i32
        %dma_wait3A_95 = tpu.memref_slice %arg11[%dma_wait3A_93, %dma_wait3A_94] : memref<10000x64xf32, #tpu.memory_space<vmem_shared>> -> memref<16x64xf32, #tpu.memory_space<vmem_shared>>
        %dma_wait3A_96 = arith.constant 9984 : i32
        %dma_wait3A_97 = arith.constant 0 : i32
        %dma_wait3A_98 = tpu.memref_slice %arg11[%dma_wait3A_96, %dma_wait3A_97] : memref<10000x64xf32, #tpu.memory_space<vmem_shared>> -> memref<16x64xf32, #tpu.memory_space<vmem_shared>>
        %dma_wait3A_99 = arith.constant 0 : i32
        %dma_wait3A_100 = arith.constant 0 : i32
        %dma_wait3A_101 = tpu.memref_slice %arg10[%dma_wait3A_99, %dma_wait3A_100] : memref<128x64xf32, #tpu.memory_space<vmem>> -> memref<16x64xf32, #tpu.memory_space<vmem>>
        tpu.wait_dma2 semaphore(%run_scoped3A : memref<!tpu.dma_semaphore, #tpu.memory_space<semaphore_mem>>) src(%dma_wait3A_101 : memref<16x64xf32, #tpu.memory_space<vmem>>) dst(%dma_wait3A_98 : memref<16x64xf32, #tpu.memory_space<vmem_shared>>)
        tpu.yield
      }) : () -> ()
    } else {
    }
    %mul3A_41 = arith.constant 160 : i32
    %mul3A_42 = arith.muli %arg1, %mul3A_41 : i32
    "tpu.region"() ({
      %run_scoped3A = tpu.sem_alloc : memref<!tpu.dma_semaphore, #tpu.memory_space<semaphore_mem>>
      %dma_start3A_78 = arith.constant 0 : i32
      %dma_start3A_79 = tpu.memref_slice %arg3[%mul3A_42, %dma_start3A_78] : memref<2560x125xi32, #tpu.memory_space<hbm>> -> memref<160x125xi32, #tpu.memory_space<hbm>>
      %dma_start3A_80 = arith.constant 0 : i32
      %dma_start3A_81 = tpu.memref_slice %arg3[%mul3A_42, %dma_start3A_80] : memref<2560x125xi32, #tpu.memory_space<hbm>> -> memref<160x125xi32, #tpu.memory_space<hbm>>
      tpu.enqueue_dma source(%dma_start3A_81 : memref<160x125xi32, #tpu.memory_space<hbm>>) target(%arg6 : memref<160x125xi32, #tpu.memory_space<vmem>>) target_semaphore(%run_scoped3A : memref<!tpu.dma_semaphore, #tpu.memory_space<semaphore_mem>>)
      %dma_wait3A_82 = arith.constant 0 : i32
      %dma_wait3A_83 = tpu.memref_slice %arg3[%mul3A_42, %dma_wait3A_82] : memref<2560x125xi32, #tpu.memory_space<hbm>> -> memref<160x125xi32, #tpu.memory_space<hbm>>
      %dma_wait3A_84 = arith.constant 0 : i32
      %dma_wait3A_85 = tpu.memref_slice %arg3[%mul3A_42, %dma_wait3A_84] : memref<2560x125xi32, #tpu.memory_space<hbm>> -> memref<160x125xi32, #tpu.memory_space<hbm>>
      tpu.wait_dma2 semaphore(%run_scoped3A : memref<!tpu.dma_semaphore, #tpu.memory_space<semaphore_mem>>) src(%dma_wait3A_85 : memref<160x125xi32, #tpu.memory_space<hbm>>) dst(%arg6 : memref<160x125xi32, #tpu.memory_space<vmem>>)
      tpu.yield
    }) : () -> ()
    %mul3A_43 = arith.constant 160 : i32
    %mul3A_44 = arith.muli %arg1, %mul3A_43 : i32
    "tpu.region"() ({
      %run_scoped3A = tpu.sem_alloc : memref<!tpu.dma_semaphore, #tpu.memory_space<semaphore_mem>>
      %dma_start3A_78 = arith.constant 0 : i32
      %dma_start3A_79 = tpu.memref_slice %arg4[%mul3A_44, %dma_start3A_78] : memref<2560x125xi32, #tpu.memory_space<hbm>> -> memref<160x125xi32, #tpu.memory_space<hbm>>
      %dma_start3A_80 = arith.constant 0 : i32
      %dma_start3A_81 = tpu.memref_slice %arg4[%mul3A_44, %dma_start3A_80] : memref<2560x125xi32, #tpu.memory_space<hbm>> -> memref<160x125xi32, #tpu.memory_space<hbm>>
      tpu.enqueue_dma source(%dma_start3A_81 : memref<160x125xi32, #tpu.memory_space<hbm>>) target(%arg7 : memref<160x125xi32, #tpu.memory_space<vmem>>) target_semaphore(%run_scoped3A : memref<!tpu.dma_semaphore, #tpu.memory_space<semaphore_mem>>)
      %dma_wait3A_82 = arith.constant 0 : i32
      %dma_wait3A_83 = tpu.memref_slice %arg4[%mul3A_44, %dma_wait3A_82] : memref<2560x125xi32, #tpu.memory_space<hbm>> -> memref<160x125xi32, #tpu.memory_space<hbm>>
      %dma_wait3A_84 = arith.constant 0 : i32
      %dma_wait3A_85 = tpu.memref_slice %arg4[%mul3A_44, %dma_wait3A_84] : memref<2560x125xi32, #tpu.memory_space<hbm>> -> memref<160x125xi32, #tpu.memory_space<hbm>>
      tpu.wait_dma2 semaphore(%run_scoped3A : memref<!tpu.dma_semaphore, #tpu.memory_space<semaphore_mem>>) src(%dma_wait3A_85 : memref<160x125xi32, #tpu.memory_space<hbm>>) dst(%arg7 : memref<160x125xi32, #tpu.memory_space<vmem>>)
      tpu.yield
    }) : () -> ()
    %barrier3A = arith.constant 0 : index
    tpu.barrier barrier_id(%barrier3A)
    %dma_start3A = arith.constant 0 : i32
    %dma_start3A_45 = arith.constant 0 : i32
    %dma_start3A_46 = tpu.memref_slice %arg6[%dma_start3A, %dma_start3A_45] : memref<160x125xi32, #tpu.memory_space<vmem>> -> memref<1x125xi32, #tpu.memory_space<vmem>>
    %dma_start3A_47 = tpu.memref_squeeze %dma_start3A_46 : memref<1x125xi32, #tpu.memory_space<vmem>> -> memref<125xi32, #tpu.memory_space<vmem>>
    %dma_start3A_48 = arith.constant 0 : i32
    %dma_start3A_49 = arith.constant 0 : i32
    %dma_start3A_50 = tpu.memref_slice %arg2[%arg0, %dma_start3A_48, %dma_start3A_49] : memref<2x10000x64xf32, #tpu.memory_space<hbm>> -> memref<1x10000x64xf32, #tpu.memory_space<hbm>>
    %dma_start3A_51 = tpu.memref_squeeze %dma_start3A_50 : memref<1x10000x64xf32, #tpu.memory_space<hbm>> -> memref<10000x64xf32, #tpu.memory_space<hbm>>
    %dma_start3A_52 = arith.constant 0 : i32
    %dma_start3A_53 = arith.constant 0 : i32
    %dma_start3A_54 = tpu.memref_slice %dma_start3A_51[%dma_start3A_52, %dma_start3A_53] : memref<10000x64xf32, #tpu.memory_space<hbm>> -> memref<10000x64xf32, #tpu.memory_space<hbm>>
    tpu.enqueue_indirect_dma source(%dma_start3A_54 : memref<10000x64xf32, #tpu.memory_space<hbm>>) target(%arg8 : memref<125x64xf32, #tpu.memory_space<vmem>>) offsets(%dma_start3A_47 : memref<125xi32, #tpu.memory_space<vmem>>) semaphore(%arg12 : memref<!tpu.dma_semaphore, #tpu.memory_space<semaphore_mem>>)
    %scan3A_55 = arith.constant 0 : i32
    %scan3A_56 = arith.constant 0 : i32
    %scan3A_57 = arith.constant 80 : i32
    %scan3A_58 = arith.addi %scan3A_56, %scan3A_57 : i32
    %scan3A_59 = arith.constant 1 : i32
    scf.for %scan3A_78 = %scan3A_56 to %scan3A_58 step %scan3A_59  : i32 {
      %mul3A_79 = arith.constant 2 : i32
      %mul3A_80 = arith.muli %mul3A_79, %scan3A_78 : i32
      %dma_wait3A_81 = arith.constant 0 : i32
      %dma_wait3A_82 = tpu.memref_slice %arg6[%mul3A_80, %dma_wait3A_81] : memref<160x125xi32, #tpu.memory_space<vmem>> -> memref<1x125xi32, #tpu.memory_space<vmem>>
      %dma_wait3A_83 = tpu.memref_squeeze %dma_wait3A_82 : memref<1x125xi32, #tpu.memory_space<vmem>> -> memref<125xi32, #tpu.memory_space<vmem>>
      %dma_wait3A_84 = arith.constant 0 : i32
      %dma_wait3A_85 = arith.constant 0 : i32
      %dma_wait3A_86 = tpu.memref_slice %arg2[%arg0, %dma_wait3A_84, %dma_wait3A_85] : memref<2x10000x64xf32, #tpu.memory_space<hbm>> -> memref<1x10000x64xf32, #tpu.memory_space<hbm>>
      %dma_wait3A_87 = tpu.memref_squeeze %dma_wait3A_86 : memref<1x10000x64xf32, #tpu.memory_space<hbm>> -> memref<10000x64xf32, #tpu.memory_space<hbm>>
      %dma_wait3A_88 = arith.constant 0 : i32
      %dma_wait3A_89 = arith.constant 0 : i32
      %dma_wait3A_90 = tpu.memref_slice %dma_wait3A_87[%dma_wait3A_88, %dma_wait3A_89] : memref<10000x64xf32, #tpu.memory_space<hbm>> -> memref<10000x64xf32, #tpu.memory_space<hbm>>
      tpu.wait_indirect_dma semaphore(%arg12 : memref<!tpu.dma_semaphore, #tpu.memory_space<semaphore_mem>>) src(%dma_wait3A_90 : memref<10000x64xf32, #tpu.memory_space<hbm>>) dst(%arg8 : memref<125x64xf32, #tpu.memory_space<vmem>>)
      %gt3A = arith.constant 0 : i32
      %gt3A_91 = arith.cmpi sgt, %scan3A_78, %gt3A : i32
      %convert_element_type3A_92 = arith.extui %gt3A_91 : i1 to i32
      %cond3A_93 = arith.constant 0 : i32
      %cond3A_94 = arith.cmpi ne, %convert_element_type3A_92, %cond3A_93 : i32
      scf.if %cond3A_94 {
        %sub3A = arith.constant 1 : i32
        %sub3A_143 = arith.subi %mul3A_80, %sub3A : i32
        %dma_wait3A_144 = arith.constant 0 : i32
        %dma_wait3A_145 = tpu.memref_slice %arg7[%sub3A_143, %dma_wait3A_144] : memref<160x125xi32, #tpu.memory_space<vmem>> -> memref<1x125xi32, #tpu.memory_space<vmem>>
        %dma_wait3A_146 = tpu.memref_squeeze %dma_wait3A_145 : memref<1x125xi32, #tpu.memory_space<vmem>> -> memref<125xi32, #tpu.memory_space<vmem>>
        %dma_wait3A_147 = arith.constant 0 : i32
        %dma_wait3A_148 = arith.constant 0 : i32
        %dma_wait3A_149 = tpu.memref_slice %arg11[%dma_wait3A_147, %dma_wait3A_148] : memref<10000x64xf32, #tpu.memory_space<vmem_shared>> -> memref<10000x64xf32, #tpu.memory_space<vmem_shared>>
        tpu.wait_indirect_dma semaphore(%arg15 : memref<!tpu.dma_semaphore, #tpu.memory_space<semaphore_mem>>) src(%arg9 : memref<125x64xf32, #tpu.memory_space<vmem>>) dst(%dma_wait3A_149 : memref<10000x64xf32, #tpu.memory_space<vmem_shared>>)
      } else {
      }
      %add3A = arith.constant 1 : i32
      %add3A_95 = arith.addi %mul3A_80, %add3A : i32
      %dma_start3A_96 = arith.constant 0 : i32
      %dma_start3A_97 = tpu.memref_slice %arg6[%add3A_95, %dma_start3A_96] : memref<160x125xi32, #tpu.memory_space<vmem>> -> memref<1x125xi32, #tpu.memory_space<vmem>>
      %dma_start3A_98 = tpu.memref_squeeze %dma_start3A_97 : memref<1x125xi32, #tpu.memory_space<vmem>> -> memref<125xi32, #tpu.memory_space<vmem>>
      %dma_start3A_99 = arith.constant 0 : i32
      %dma_start3A_100 = arith.constant 0 : i32
      %dma_start3A_101 = tpu.memref_slice %arg2[%arg0, %dma_start3A_99, %dma_start3A_100] : memref<2x10000x64xf32, #tpu.memory_space<hbm>> -> memref<1x10000x64xf32, #tpu.memory_space<hbm>>
      %dma_start3A_102 = tpu.memref_squeeze %dma_start3A_101 : memref<1x10000x64xf32, #tpu.memory_space<hbm>> -> memref<10000x64xf32, #tpu.memory_space<hbm>>
      %dma_start3A_103 = arith.constant 0 : i32
      %dma_start3A_104 = arith.constant 0 : i32
      %dma_start3A_105 = tpu.memref_slice %dma_start3A_102[%dma_start3A_103, %dma_start3A_104] : memref<10000x64xf32, #tpu.memory_space<hbm>> -> memref<10000x64xf32, #tpu.memory_space<hbm>>
      tpu.enqueue_indirect_dma source(%dma_start3A_105 : memref<10000x64xf32, #tpu.memory_space<hbm>>) target(%arg9 : memref<125x64xf32, #tpu.memory_space<vmem>>) offsets(%dma_start3A_98 : memref<125xi32, #tpu.memory_space<vmem>>) semaphore(%arg13 : memref<!tpu.dma_semaphore, #tpu.memory_space<semaphore_mem>>)
      %dma_start3A_106 = arith.constant 0 : i32
      %dma_start3A_107 = tpu.memref_slice %arg7[%mul3A_80, %dma_start3A_106] : memref<160x125xi32, #tpu.memory_space<vmem>> -> memref<1x125xi32, #tpu.memory_space<vmem>>
      %dma_start3A_108 = tpu.memref_squeeze %dma_start3A_107 : memref<1x125xi32, #tpu.memory_space<vmem>> -> memref<125xi32, #tpu.memory_space<vmem>>
      %dma_start3A_109 = arith.constant 0 : i32
      %dma_start3A_110 = arith.constant 0 : i32
      %dma_start3A_111 = tpu.memref_slice %arg11[%dma_start3A_109, %dma_start3A_110] : memref<10000x64xf32, #tpu.memory_space<vmem_shared>> -> memref<10000x64xf32, #tpu.memory_space<vmem_shared>>
      tpu.enqueue_indirect_dma source(%arg8 : memref<125x64xf32, #tpu.memory_space<vmem>>) target(%dma_start3A_111 : memref<10000x64xf32, #tpu.memory_space<vmem_shared>>) offsets(%dma_start3A_108 : memref<125xi32, #tpu.memory_space<vmem>>) semaphore(%arg14 : memref<!tpu.dma_semaphore, #tpu.memory_space<semaphore_mem>>) {add = true}
      %add3A_112 = arith.constant 1 : i32
      %add3A_113 = arith.addi %mul3A_80, %add3A_112 : i32
      %dma_wait3A_114 = arith.constant 0 : i32
      %dma_wait3A_115 = tpu.memref_slice %arg6[%add3A_113, %dma_wait3A_114] : memref<160x125xi32, #tpu.memory_space<vmem>> -> memref<1x125xi32, #tpu.memory_space<vmem>>
      %dma_wait3A_116 = tpu.memref_squeeze %dma_wait3A_115 : memref<1x125xi32, #tpu.memory_space<vmem>> -> memref<125xi32, #tpu.memory_space<vmem>>
      %dma_wait3A_117 = arith.constant 0 : i32
      %dma_wait3A_118 = arith.constant 0 : i32
      %dma_wait3A_119 = tpu.memref_slice %arg2[%arg0, %dma_wait3A_117, %dma_wait3A_118] : memref<2x10000x64xf32, #tpu.memory_space<hbm>> -> memref<1x10000x64xf32, #tpu.memory_space<hbm>>
      %dma_wait3A_120 = tpu.memref_squeeze %dma_wait3A_119 : memref<1x10000x64xf32, #tpu.memory_space<hbm>> -> memref<10000x64xf32, #tpu.memory_space<hbm>>
      %dma_wait3A_121 = arith.constant 0 : i32
      %dma_wait3A_122 = arith.constant 0 : i32
      %dma_wait3A_123 = tpu.memref_slice %dma_wait3A_120[%dma_wait3A_121, %dma_wait3A_122] : memref<10000x64xf32, #tpu.memory_space<hbm>> -> memref<10000x64xf32, #tpu.memory_space<hbm>>
      tpu.wait_indirect_dma semaphore(%arg13 : memref<!tpu.dma_semaphore, #tpu.memory_space<semaphore_mem>>) src(%dma_wait3A_123 : memref<10000x64xf32, #tpu.memory_space<hbm>>) dst(%arg9 : memref<125x64xf32, #tpu.memory_space<vmem>>)
      %dma_wait3A_124 = arith.constant 0 : i32
      %dma_wait3A_125 = tpu.memref_slice %arg7[%mul3A_80, %dma_wait3A_124] : memref<160x125xi32, #tpu.memory_space<vmem>> -> memref<1x125xi32, #tpu.memory_space<vmem>>
      %dma_wait3A_126 = tpu.memref_squeeze %dma_wait3A_125 : memref<1x125xi32, #tpu.memory_space<vmem>> -> memref<125xi32, #tpu.memory_space<vmem>>
      %dma_wait3A_127 = arith.constant 0 : i32
      %dma_wait3A_128 = arith.constant 0 : i32
      %dma_wait3A_129 = tpu.memref_slice %arg11[%dma_wait3A_127, %dma_wait3A_128] : memref<10000x64xf32, #tpu.memory_space<vmem_shared>> -> memref<10000x64xf32, #tpu.memory_space<vmem_shared>>
      tpu.wait_indirect_dma semaphore(%arg14 : memref<!tpu.dma_semaphore, #tpu.memory_space<semaphore_mem>>) src(%arg8 : memref<125x64xf32, #tpu.memory_space<vmem>>) dst(%dma_wait3A_129 : memref<10000x64xf32, #tpu.memory_space<vmem_shared>>)
      %lt3A_130 = arith.constant 79 : i32
      %lt3A_131 = arith.cmpi slt, %scan3A_78, %lt3A_130 : i32
      %convert_element_type3A_132 = arith.extui %lt3A_131 : i1 to i32
      %cond3A_133 = arith.constant 0 : i32
      %cond3A_134 = arith.cmpi ne, %convert_element_type3A_132, %cond3A_133 : i32
      scf.if %cond3A_134 {
        %add3A_143 = arith.constant 2 : i32
        %add3A_144 = arith.addi %mul3A_80, %add3A_143 : i32
        %dma_start3A_145 = arith.constant 0 : i32
        %dma_start3A_146 = tpu.memref_slice %arg6[%add3A_144, %dma_start3A_145] : memref<160x125xi32, #tpu.memory_space<vmem>> -> memref<1x125xi32, #tpu.memory_space<vmem>>
        %dma_start3A_147 = tpu.memref_squeeze %dma_start3A_146 : memref<1x125xi32, #tpu.memory_space<vmem>> -> memref<125xi32, #tpu.memory_space<vmem>>
        %dma_start3A_148 = arith.constant 0 : i32
        %dma_start3A_149 = arith.constant 0 : i32
        %dma_start3A_150 = tpu.memref_slice %arg2[%arg0, %dma_start3A_148, %dma_start3A_149] : memref<2x10000x64xf32, #tpu.memory_space<hbm>> -> memref<1x10000x64xf32, #tpu.memory_space<hbm>>
        %dma_start3A_151 = tpu.memref_squeeze %dma_start3A_150 : memref<1x10000x64xf32, #tpu.memory_space<hbm>> -> memref<10000x64xf32, #tpu.memory_space<hbm>>
        %dma_start3A_152 = arith.constant 0 : i32
        %dma_start3A_153 = arith.constant 0 : i32
        %dma_start3A_154 = tpu.memref_slice %dma_start3A_151[%dma_start3A_152, %dma_start3A_153] : memref<10000x64xf32, #tpu.memory_space<hbm>> -> memref<10000x64xf32, #tpu.memory_space<hbm>>
        tpu.enqueue_indirect_dma source(%dma_start3A_154 : memref<10000x64xf32, #tpu.memory_space<hbm>>) target(%arg8 : memref<125x64xf32, #tpu.memory_space<vmem>>) offsets(%dma_start3A_147 : memref<125xi32, #tpu.memory_space<vmem>>) semaphore(%arg12 : memref<!tpu.dma_semaphore, #tpu.memory_space<semaphore_mem>>)
      } else {
      }
      %add3A_135 = arith.constant 1 : i32
      %add3A_136 = arith.addi %mul3A_80, %add3A_135 : i32
      %dma_start3A_137 = arith.constant 0 : i32
      %dma_start3A_138 = tpu.memref_slice %arg7[%add3A_136, %dma_start3A_137] : memref<160x125xi32, #tpu.memory_space<vmem>> -> memref<1x125xi32, #tpu.memory_space<vmem>>
      %dma_start3A_139 = tpu.memref_squeeze %dma_start3A_138 : memref<1x125xi32, #tpu.memory_space<vmem>> -> memref<125xi32, #tpu.memory_space<vmem>>
      %dma_start3A_140 = arith.constant 0 : i32
      %dma_start3A_141 = arith.constant 0 : i32
      %dma_start3A_142 = tpu.memref_slice %arg11[%dma_start3A_140, %dma_start3A_141] : memref<10000x64xf32, #tpu.memory_space<vmem_shared>> -> memref<10000x64xf32, #tpu.memory_space<vmem_shared>>
      tpu.enqueue_indirect_dma source(%arg9 : memref<125x64xf32, #tpu.memory_space<vmem>>) target(%dma_start3A_142 : memref<10000x64xf32, #tpu.memory_space<vmem_shared>>) offsets(%dma_start3A_139 : memref<125xi32, #tpu.memory_space<vmem>>) semaphore(%arg15 : memref<!tpu.dma_semaphore, #tpu.memory_space<semaphore_mem>>) {add = true}
    }
    %scan3A_60 = arith.constant 80 : i32
    %dma_wait3A = arith.constant 159 : i32
    %dma_wait3A_61 = arith.constant 0 : i32
    %dma_wait3A_62 = tpu.memref_slice %arg7[%dma_wait3A, %dma_wait3A_61] : memref<160x125xi32, #tpu.memory_space<vmem>> -> memref<1x125xi32, #tpu.memory_space<vmem>>
    %dma_wait3A_63 = tpu.memref_squeeze %dma_wait3A_62 : memref<1x125xi32, #tpu.memory_space<vmem>> -> memref<125xi32, #tpu.memory_space<vmem>>
    %dma_wait3A_64 = arith.constant 0 : i32
    %dma_wait3A_65 = arith.constant 0 : i32
    %dma_wait3A_66 = tpu.memref_slice %arg11[%dma_wait3A_64, %dma_wait3A_65] : memref<10000x64xf32, #tpu.memory_space<vmem_shared>> -> memref<10000x64xf32, #tpu.memory_space<vmem_shared>>
    tpu.wait_indirect_dma semaphore(%arg15 : memref<!tpu.dma_semaphore, #tpu.memory_space<semaphore_mem>>) src(%arg9 : memref<125x64xf32, #tpu.memory_space<vmem>>) dst(%dma_wait3A_66 : memref<10000x64xf32, #tpu.memory_space<vmem_shared>>)
    %barrier3A_67 = arith.constant 0 : index
    tpu.barrier barrier_id(%barrier3A_67)
    %lt3A_68 = arith.constant 15 : i32
    %lt3A_69 = arith.cmpi slt, %arg1, %lt3A_68 : i32
    %convert_element_type3A_70 = arith.extui %lt3A_69 : i1 to i32
    %cond3A_71 = arith.constant 0 : i32
    %cond3A_72 = arith.cmpi ne, %convert_element_type3A_70, %cond3A_71 : i32
    scf.if %cond3A_72 {
      %mul3A_78 = arith.constant 640 : i32
      %mul3A_79 = arith.muli %arg1, %mul3A_78 : i32
      %mul3A_80 = arith.constant 640 : i32
      %mul3A_81 = arith.muli %arg1, %mul3A_80 : i32
      "tpu.region"() ({
        %run_scoped3A = tpu.sem_alloc : memref<!tpu.dma_semaphore, #tpu.memory_space<semaphore_mem>>
        %dma_start3A_82 = arith.constant 0 : i32
        %dma_start3A_83 = tpu.memref_slice %arg5[%arg0, %mul3A_81, %dma_start3A_82] : memref<2x10000x64xf32, #tpu.memory_space<hbm>> -> memref<1x640x64xf32, #tpu.memory_space<hbm>>
        %dma_start3A_84 = tpu.memref_squeeze %dma_start3A_83 : memref<1x640x64xf32, #tpu.memory_space<hbm>> -> memref<640x64xf32, #tpu.memory_space<hbm>>
        %dma_start3A_85 = arith.constant 0 : i32
        %dma_start3A_86 = tpu.memref_slice %arg11[%mul3A_79, %dma_start3A_85] : memref<10000x64xf32, #tpu.memory_space<vmem_shared>> -> memref<640x64xf32, #tpu.memory_space<vmem_shared>>
        tpu.enqueue_dma source(%dma_start3A_86 : memref<640x64xf32, #tpu.memory_space<vmem_shared>>) target(%dma_start3A_84 : memref<640x64xf32, #tpu.memory_space<hbm>>) target_semaphore(%run_scoped3A : memref<!tpu.dma_semaphore, #tpu.memory_space<semaphore_mem>>)
        %dma_wait3A_87 = arith.constant 0 : i32
        %dma_wait3A_88 = tpu.memref_slice %arg5[%arg0, %mul3A_81, %dma_wait3A_87] : memref<2x10000x64xf32, #tpu.memory_space<hbm>> -> memref<1x640x64xf32, #tpu.memory_space<hbm>>
        %dma_wait3A_89 = tpu.memref_squeeze %dma_wait3A_88 : memref<1x640x64xf32, #tpu.memory_space<hbm>> -> memref<640x64xf32, #tpu.memory_space<hbm>>
        %dma_wait3A_90 = arith.constant 0 : i32
        %dma_wait3A_91 = tpu.memref_slice %arg11[%mul3A_79, %dma_wait3A_90] : memref<10000x64xf32, #tpu.memory_space<vmem_shared>> -> memref<640x64xf32, #tpu.memory_space<vmem_shared>>
        tpu.wait_dma2 semaphore(%run_scoped3A : memref<!tpu.dma_semaphore, #tpu.memory_space<semaphore_mem>>) src(%dma_wait3A_91 : memref<640x64xf32, #tpu.memory_space<vmem_shared>>) dst(%dma_wait3A_89 : memref<640x64xf32, #tpu.memory_space<hbm>>)
        tpu.yield
      }) : () -> ()
    } else {
    }
    %eq3A_73 = arith.constant 15 : i32
    %eq3A_74 = arith.cmpi eq, %arg1, %eq3A_73 : i32
    %convert_element_type3A_75 = arith.extui %eq3A_74 : i1 to i32
    %cond3A_76 = arith.constant 0 : i32
    %cond3A_77 = arith.cmpi ne, %convert_element_type3A_75, %cond3A_76 : i32
    scf.if %cond3A_77 {
      "tpu.region"() ({
        %run_scoped3A = tpu.sem_alloc : memref<!tpu.dma_semaphore, #tpu.memory_space<semaphore_mem>>
        %dma_start3A_78 = arith.constant 9600 : i32
        %dma_start3A_79 = arith.constant 0 : i32
        %dma_start3A_80 = tpu.memref_slice %arg5[%arg0, %dma_start3A_78, %dma_start3A_79] : memref<2x10000x64xf32, #tpu.memory_space<hbm>> -> memref<1x400x64xf32, #tpu.memory_space<hbm>>
        %dma_start3A_81 = tpu.memref_squeeze %dma_start3A_80 : memref<1x400x64xf32, #tpu.memory_space<hbm>> -> memref<400x64xf32, #tpu.memory_space<hbm>>
        %dma_start3A_82 = arith.constant 9600 : i32
        %dma_start3A_83 = arith.constant 0 : i32
        %dma_start3A_84 = tpu.memref_slice %arg11[%dma_start3A_82, %dma_start3A_83] : memref<10000x64xf32, #tpu.memory_space<vmem_shared>> -> memref<400x64xf32, #tpu.memory_space<vmem_shared>>
        tpu.enqueue_dma source(%dma_start3A_84 : memref<400x64xf32, #tpu.memory_space<vmem_shared>>) target(%dma_start3A_81 : memref<400x64xf32, #tpu.memory_space<hbm>>) target_semaphore(%run_scoped3A : memref<!tpu.dma_semaphore, #tpu.memory_space<semaphore_mem>>)
        %dma_wait3A_85 = arith.constant 9600 : i32
        %dma_wait3A_86 = arith.constant 0 : i32
        %dma_wait3A_87 = tpu.memref_slice %arg5[%arg0, %dma_wait3A_85, %dma_wait3A_86] : memref<2x10000x64xf32, #tpu.memory_space<hbm>> -> memref<1x400x64xf32, #tpu.memory_space<hbm>>
        %dma_wait3A_88 = tpu.memref_squeeze %dma_wait3A_87 : memref<1x400x64xf32, #tpu.memory_space<hbm>> -> memref<400x64xf32, #tpu.memory_space<hbm>>
        %dma_wait3A_89 = arith.constant 9600 : i32
        %dma_wait3A_90 = arith.constant 0 : i32
        %dma_wait3A_91 = tpu.memref_slice %arg11[%dma_wait3A_89, %dma_wait3A_90] : memref<10000x64xf32, #tpu.memory_space<vmem_shared>> -> memref<400x64xf32, #tpu.memory_space<vmem_shared>>
        tpu.wait_dma2 semaphore(%run_scoped3A : memref<!tpu.dma_semaphore, #tpu.memory_space<semaphore_mem>>) src(%dma_wait3A_91 : memref<400x64xf32, #tpu.memory_space<vmem_shared>>) dst(%dma_wait3A_88 : memref<400x64xf32, #tpu.memory_space<hbm>>)
        tpu.yield
      }) : () -> ()
    } else {
    }
    return
  }
}

module attributes {stable_mosaic.version = 14 : i64} {
  func.func @tc_pre(%arg0: memref<2x1250x128xf32, #tpu.memory_space<vmem>>, %arg1: memref<5000x256xf32, #tpu.memory_space<vmem>>, %arg2: memref<5000x128xf32, #tpu.memory_space<vmem>>, %arg3: memref<256x128xf32, #tpu.memory_space<vmem>>, %arg4: memref<1x128xf32, #tpu.memory_space<vmem>>, %arg5: memref<128x128xf32, #tpu.memory_space<vmem>>, %arg6: memref<1x128xf32, #tpu.memory_space<vmem>>, %arg7: memref<5000x128xf32, #tpu.memory_space<vmem>>, %arg8: memref<5000x128xf32, #tpu.memory_space<vmem>>, %arg9: memref<2x5000x128xf32, #tpu.memory_space<vmem>>, %arg10: memref<5000x128xf32, #tpu.memory_space<vmem>>) attributes {dimension_semantics = [], scalar_prefetch = 0 : i64, scratch_operands = 0 : i64, tpu.core_type = #tpu.core_type<tc>} {
    %get3A = arith.constant 0 : index
    %get3A_0 = arith.constant 0 : index
    %get3A_1 = arith.constant 0 : index
    %get3A_2 = vector.load %arg0[%get3A, %get3A_0, %get3A_1] : memref<2x1250x128xf32, #tpu.memory_space<vmem>>, vector<1x1250x128xf32>
    %get3A_3 = vector.shape_cast %get3A_2 : vector<1x1250x128xf32> to vector<1250x128xf32>
    %get3A_4 = arith.constant 1 : index
    %get3A_5 = arith.constant 0 : index
    %get3A_6 = arith.constant 0 : index
    %get3A_7 = vector.load %arg0[%get3A_4, %get3A_5, %get3A_6] : memref<2x1250x128xf32, #tpu.memory_space<vmem>>, vector<1x1250x128xf32>
    %get3A_8 = vector.shape_cast %get3A_7 : vector<1x1250x128xf32> to vector<1250x128xf32>
    %add3A = arith.addf %get3A_3, %get3A_8 : vector<1250x128xf32>
    %iota3A = tpu.iota {dimensions = array<i32: 0>} : vector<128x128xi32>
    %iota3A_9 = tpu.iota {dimensions = array<i32: 1>} : vector<128x128xi32>
    %eq3A = arith.constant 0 : i32
    %eq3A_10 = vector.broadcast %eq3A : i32 to vector<128x128xi32>
    %eq3A_11 = arith.cmpi eq, %iota3A, %eq3A_10 : vector<128x128xi32>
    %lt3A = arith.constant 64 : i32
    %lt3A_12 = vector.broadcast %lt3A : i32 to vector<128x128xi32>
    %lt3A_13 = arith.cmpi slt, %iota3A_9, %lt3A_12 : vector<128x128xi32>
    %and3A = arith.andi %eq3A_11, %lt3A_13 : vector<128x128xi1>
    %eq3A_14 = arith.constant 16 : i32
    %eq3A_15 = vector.broadcast %eq3A_14 : i32 to vector<128x128xi32>
    %eq3A_16 = arith.cmpi eq, %iota3A, %eq3A_15 : vector<128x128xi32>
    %ge3A = arith.constant 64 : i32
    %ge3A_17 = vector.broadcast %ge3A : i32 to vector<128x128xi32>
    %ge3A_18 = arith.cmpi sge, %iota3A_9, %ge3A_17 : vector<128x128xi32>
    %and3A_19 = arith.andi %eq3A_16, %ge3A_18 : vector<128x128xi1>
    %jit3A = arith.constant 1.000000e+00 : f32
    %jit3A_20 = arith.constant 0.000000e+00 : f32
    %broadcast_in_dim3A = vector.broadcast %jit3A : f32 to vector<128x128xf32>
    %broadcast_in_dim3A_21 = vector.broadcast %jit3A_20 : f32 to vector<128x128xf32>
    %select_n3A = arith.select %and3A_19, %broadcast_in_dim3A, %broadcast_in_dim3A_21 : vector<128x128xi1>, vector<128x128xf32>
    %jit3A_22 = arith.constant 1.000000e+00 : f32
    %broadcast_in_dim3A_23 = vector.broadcast %jit3A_22 : f32 to vector<128x128xf32>
    %select_n3A_24 = arith.select %and3A, %broadcast_in_dim3A_23, %select_n3A : vector<128x128xi1>, vector<128x128xf32>
    %dot_general3A = arith.constant dense<0.000000e+00> : vector<1250x128xf32>
    %dot_general3A_25 = tpu.matmul %add3A, %select_n3A_24, %dot_general3A {dimension_numbers = #tpu.dot_dimension_numbers<[1], [0], [0], [1], [0, 0, 1, 1], [], []>, transpose_lhs_hint = false} : vector<1250x128xf32>, vector<128x128xf32>, vector<1250x128xf32> -> vector<1250x128xf32>
    %eq3A_26 = arith.constant 32 : i32
    %eq3A_27 = vector.broadcast %eq3A_26 : i32 to vector<128x128xi32>
    %eq3A_28 = arith.cmpi eq, %iota3A, %eq3A_27 : vector<128x128xi32>
    %lt3A_29 = arith.constant 64 : i32
    %lt3A_30 = vector.broadcast %lt3A_29 : i32 to vector<128x128xi32>
    %lt3A_31 = arith.cmpi slt, %iota3A_9, %lt3A_30 : vector<128x128xi32>
    %and3A_32 = arith.andi %eq3A_28, %lt3A_31 : vector<128x128xi1>
    %eq3A_33 = arith.constant 48 : i32
    %eq3A_34 = vector.broadcast %eq3A_33 : i32 to vector<128x128xi32>
    %eq3A_35 = arith.cmpi eq, %iota3A, %eq3A_34 : vector<128x128xi32>
    %ge3A_36 = arith.constant 64 : i32
    %ge3A_37 = vector.broadcast %ge3A_36 : i32 to vector<128x128xi32>
    %ge3A_38 = arith.cmpi sge, %iota3A_9, %ge3A_37 : vector<128x128xi32>
    %and3A_39 = arith.andi %eq3A_35, %ge3A_38 : vector<128x128xi1>
    %jit3A_40 = arith.constant 1.000000e+00 : f32
    %jit3A_41 = arith.constant 0.000000e+00 : f32
    %broadcast_in_dim3A_42 = vector.broadcast %jit3A_40 : f32 to vector<128x128xf32>
    %broadcast_in_dim3A_43 = vector.broadcast %jit3A_41 : f32 to vector<128x128xf32>
    %select_n3A_44 = arith.select %and3A_39, %broadcast_in_dim3A_42, %broadcast_in_dim3A_43 : vector<128x128xi1>, vector<128x128xf32>
    %jit3A_45 = arith.constant 1.000000e+00 : f32
    %broadcast_in_dim3A_46 = vector.broadcast %jit3A_45 : f32 to vector<128x128xf32>
    %select_n3A_47 = arith.select %and3A_32, %broadcast_in_dim3A_46, %select_n3A_44 : vector<128x128xi1>, vector<128x128xf32>
    %dot_general3A_48 = arith.constant dense<0.000000e+00> : vector<1250x128xf32>
    %dot_general3A_49 = tpu.matmul %add3A, %select_n3A_47, %dot_general3A_48 {dimension_numbers = #tpu.dot_dimension_numbers<[1], [0], [0], [1], [0, 0, 1, 1], [], []>, transpose_lhs_hint = false} : vector<1250x128xf32>, vector<128x128xf32>, vector<1250x128xf32> -> vector<1250x128xf32>
    %eq3A_50 = arith.constant 64 : i32
    %eq3A_51 = vector.broadcast %eq3A_50 : i32 to vector<128x128xi32>
    %eq3A_52 = arith.cmpi eq, %iota3A, %eq3A_51 : vector<128x128xi32>
    %lt3A_53 = arith.constant 64 : i32
    %lt3A_54 = vector.broadcast %lt3A_53 : i32 to vector<128x128xi32>
    %lt3A_55 = arith.cmpi slt, %iota3A_9, %lt3A_54 : vector<128x128xi32>
    %and3A_56 = arith.andi %eq3A_52, %lt3A_55 : vector<128x128xi1>
    %eq3A_57 = arith.constant 80 : i32
    %eq3A_58 = vector.broadcast %eq3A_57 : i32 to vector<128x128xi32>
    %eq3A_59 = arith.cmpi eq, %iota3A, %eq3A_58 : vector<128x128xi32>
    %ge3A_60 = arith.constant 64 : i32
    %ge3A_61 = vector.broadcast %ge3A_60 : i32 to vector<128x128xi32>
    %ge3A_62 = arith.cmpi sge, %iota3A_9, %ge3A_61 : vector<128x128xi32>
    %and3A_63 = arith.andi %eq3A_59, %ge3A_62 : vector<128x128xi1>
    %jit3A_64 = arith.constant 1.000000e+00 : f32
    %jit3A_65 = arith.constant 0.000000e+00 : f32
    %broadcast_in_dim3A_66 = vector.broadcast %jit3A_64 : f32 to vector<128x128xf32>
    %broadcast_in_dim3A_67 = vector.broadcast %jit3A_65 : f32 to vector<128x128xf32>
    %select_n3A_68 = arith.select %and3A_63, %broadcast_in_dim3A_66, %broadcast_in_dim3A_67 : vector<128x128xi1>, vector<128x128xf32>
    %jit3A_69 = arith.constant 1.000000e+00 : f32
    %broadcast_in_dim3A_70 = vector.broadcast %jit3A_69 : f32 to vector<128x128xf32>
    %select_n3A_71 = arith.select %and3A_56, %broadcast_in_dim3A_70, %select_n3A_68 : vector<128x128xi1>, vector<128x128xf32>
    %dot_general3A_72 = arith.constant dense<0.000000e+00> : vector<1250x128xf32>
    %dot_general3A_73 = tpu.matmul %add3A, %select_n3A_71, %dot_general3A_72 {dimension_numbers = #tpu.dot_dimension_numbers<[1], [0], [0], [1], [0, 0, 1, 1], [], []>, transpose_lhs_hint = false} : vector<1250x128xf32>, vector<128x128xf32>, vector<1250x128xf32> -> vector<1250x128xf32>
    %eq3A_74 = arith.constant 96 : i32
    %eq3A_75 = vector.broadcast %eq3A_74 : i32 to vector<128x128xi32>
    %eq3A_76 = arith.cmpi eq, %iota3A, %eq3A_75 : vector<128x128xi32>
    %lt3A_77 = arith.constant 64 : i32
    %lt3A_78 = vector.broadcast %lt3A_77 : i32 to vector<128x128xi32>
    %lt3A_79 = arith.cmpi slt, %iota3A_9, %lt3A_78 : vector<128x128xi32>
    %and3A_80 = arith.andi %eq3A_76, %lt3A_79 : vector<128x128xi1>
    %eq3A_81 = arith.constant 112 : i32
    %eq3A_82 = vector.broadcast %eq3A_81 : i32 to vector<128x128xi32>
    %eq3A_83 = arith.cmpi eq, %iota3A, %eq3A_82 : vector<128x128xi32>
    %ge3A_84 = arith.constant 64 : i32
    %ge3A_85 = vector.broadcast %ge3A_84 : i32 to vector<128x128xi32>
    %ge3A_86 = arith.cmpi sge, %iota3A_9, %ge3A_85 : vector<128x128xi32>
    %and3A_87 = arith.andi %eq3A_83, %ge3A_86 : vector<128x128xi1>
    %jit3A_88 = arith.constant 1.000000e+00 : f32
    %jit3A_89 = arith.constant 0.000000e+00 : f32
    %broadcast_in_dim3A_90 = vector.broadcast %jit3A_88 : f32 to vector<128x128xf32>
    %broadcast_in_dim3A_91 = vector.broadcast %jit3A_89 : f32 to vector<128x128xf32>
    %select_n3A_92 = arith.select %and3A_87, %broadcast_in_dim3A_90, %broadcast_in_dim3A_91 : vector<128x128xi1>, vector<128x128xf32>
    %jit3A_93 = arith.constant 1.000000e+00 : f32
    %broadcast_in_dim3A_94 = vector.broadcast %jit3A_93 : f32 to vector<128x128xf32>
    %select_n3A_95 = arith.select %and3A_80, %broadcast_in_dim3A_94, %select_n3A_92 : vector<128x128xi1>, vector<128x128xf32>
    %dot_general3A_96 = arith.constant dense<0.000000e+00> : vector<1250x128xf32>
    %dot_general3A_97 = tpu.matmul %add3A, %select_n3A_95, %dot_general3A_96 {dimension_numbers = #tpu.dot_dimension_numbers<[1], [0], [0], [1], [0, 0, 1, 1], [], []>, transpose_lhs_hint = false} : vector<1250x128xf32>, vector<128x128xf32>, vector<1250x128xf32> -> vector<1250x128xf32>
    %stack3A = vector.shape_cast %dot_general3A_25 : vector<1250x128xf32> to vector<1250x1x128xf32>
    %stack3A_98 = vector.shape_cast %dot_general3A_49 : vector<1250x128xf32> to vector<1250x1x128xf32>
    %stack3A_99 = vector.shape_cast %dot_general3A_73 : vector<1250x128xf32> to vector<1250x1x128xf32>
    %stack3A_100 = vector.shape_cast %dot_general3A_97 : vector<1250x128xf32> to vector<1250x1x128xf32>
    %stack3A_101 = tpu.concatenate %stack3A, %stack3A_98, %stack3A_99, %stack3A_100 in 1 : vector<1250x1x128xf32>, vector<1250x1x128xf32>, vector<1250x1x128xf32>, vector<1250x1x128xf32> -> vector<1250x4x128xf32>
    %reshape3A = vector.shape_cast %stack3A_101 : vector<1250x4x128xf32> to vector<5000x128xf32>
    %gt3A = arith.constant 0.000000e+00 : f32
    %gt3A_102 = vector.broadcast %gt3A : f32 to vector<5000x128xf32>
    %gt3A_103 = arith.cmpf ogt, %reshape3A, %gt3A_102 : vector<5000x128xf32>
    %max3A = arith.constant 9.99999996E-13 : f32
    %max3A_104 = vector.broadcast %max3A : f32 to vector<5000x128xf32>
    %max3A_105 = arith.maximumf %reshape3A, %max3A_104 : vector<5000x128xf32>
    %rsqrt3A = math.rsqrt %max3A_105 : vector<5000x128xf32>
    %jit3A_106 = arith.constant 0.000000e+00 : f32
    %broadcast_in_dim3A_107 = vector.broadcast %jit3A_106 : f32 to vector<5000x128xf32>
    %select_n3A_108 = arith.select %gt3A_103, %rsqrt3A, %broadcast_in_dim3A_107 : vector<5000x128xi1>, vector<5000x128xf32>
    %get3A_109 = arith.constant 0 : index
    %get3A_110 = arith.constant 0 : index
    %get3A_111 = vector.load %arg1[%get3A_109, %get3A_110] : memref<5000x256xf32, #tpu.memory_space<vmem>>, vector<5000x256xf32>
    %get3A_112 = arith.constant 0 : index
    %get3A_113 = arith.constant 0 : index
    %get3A_114 = vector.load %arg3[%get3A_112, %get3A_113] : memref<256x128xf32, #tpu.memory_space<vmem>>, vector<256x128xf32>
    %dot_general3A_115 = arith.constant dense<0.000000e+00> : vector<5000x128xf32>
    %dot_general3A_116 = tpu.matmul %get3A_111, %get3A_114, %dot_general3A_115 {dimension_numbers = #tpu.dot_dimension_numbers<[1], [0], [0], [1], [0, 0, 1, 1], [], []>, transpose_lhs_hint = false} : vector<5000x256xf32>, vector<256x128xf32>, vector<5000x128xf32> -> vector<5000x128xf32>
    %get3A_117 = arith.constant 0 : index
    %get3A_118 = arith.constant 0 : index
    %get3A_119 = vector.load %arg4[%get3A_117, %get3A_118] : memref<1x128xf32, #tpu.memory_space<vmem>>, vector<1x128xf32>
    %add3A_120 = vector.broadcast %get3A_119 : vector<1x128xf32> to vector<5000x128xf32>
    %add3A_121 = arith.addf %dot_general3A_116, %add3A_120 : vector<5000x128xf32>
    %max3A_122 = arith.constant 0.000000e+00 : f32
    %max3A_123 = vector.broadcast %max3A_122 : f32 to vector<5000x128xf32>
    %max3A_124 = arith.maximumf %add3A_121, %max3A_123 : vector<5000x128xf32>
    %get3A_125 = arith.constant 0 : index
    %get3A_126 = arith.constant 0 : index
    %get3A_127 = vector.load %arg2[%get3A_125, %get3A_126] : memref<5000x128xf32, #tpu.memory_space<vmem>>, vector<5000x128xf32>
    %get3A_128 = arith.constant 0 : index
    %get3A_129 = arith.constant 0 : index
    %get3A_130 = vector.load %arg5[%get3A_128, %get3A_129] : memref<128x128xf32, #tpu.memory_space<vmem>>, vector<128x128xf32>
    %dot_general3A_131 = arith.constant dense<0.000000e+00> : vector<5000x128xf32>
    %dot_general3A_132 = tpu.matmul %get3A_127, %get3A_130, %dot_general3A_131 {dimension_numbers = #tpu.dot_dimension_numbers<[1], [0], [0], [1], [0, 0, 1, 1], [], []>, transpose_lhs_hint = false} : vector<5000x128xf32>, vector<128x128xf32>, vector<5000x128xf32> -> vector<5000x128xf32>
    %get3A_133 = arith.constant 0 : index
    %get3A_134 = arith.constant 0 : index
    %get3A_135 = vector.load %arg6[%get3A_133, %get3A_134] : memref<1x128xf32, #tpu.memory_space<vmem>>, vector<1x128xf32>
    %add3A_136 = vector.broadcast %get3A_135 : vector<1x128xf32> to vector<5000x128xf32>
    %add3A_137 = arith.addf %dot_general3A_132, %add3A_136 : vector<5000x128xf32>
    %max3A_138 = arith.constant 0.000000e+00 : f32
    %max3A_139 = vector.broadcast %max3A_138 : f32 to vector<5000x128xf32>
    %max3A_140 = arith.maximumf %add3A_137, %max3A_139 : vector<5000x128xf32>
    %swap3A = arith.constant 0 : index
    %swap3A_141 = arith.constant 0 : index
    %swap3A_142 = vector.load %arg7[%swap3A, %swap3A_141] : memref<5000x128xf32, #tpu.memory_space<vmem>>, vector<5000x128xf32>
    tpu.vector_store %arg7[%swap3A, %swap3A_141], %max3A_124 {strides = array<i32>} : memref<5000x128xf32, #tpu.memory_space<vmem>>, vector<5000x128xf32>,
    %swap3A_143 = arith.constant 0 : index
    %swap3A_144 = arith.constant 0 : index
    %swap3A_145 = vector.load %arg8[%swap3A_143, %swap3A_144] : memref<5000x128xf32, #tpu.memory_space<vmem>>, vector<5000x128xf32>
    tpu.vector_store %arg8[%swap3A_143, %swap3A_144], %max3A_140 {strides = array<i32>} : memref<5000x128xf32, #tpu.memory_space<vmem>>, vector<5000x128xf32>,
    %stack3A_146 = vector.shape_cast %max3A_124 : vector<5000x128xf32> to vector<1x5000x128xf32>
    %stack3A_147 = vector.shape_cast %max3A_140 : vector<5000x128xf32> to vector<1x5000x128xf32>
    %stack3A_148 = tpu.concatenate %stack3A_146, %stack3A_147 in 0 : vector<1x5000x128xf32>, vector<1x5000x128xf32> -> vector<2x5000x128xf32>
    %broadcast_in_dim3A_149 = vector.shape_cast %select_n3A_108 : vector<5000x128xf32> to vector<1x5000x128xf32>
    %mul3A = vector.broadcast %broadcast_in_dim3A_149 : vector<1x5000x128xf32> to vector<2x5000x128xf32>
    %mul3A_150 = arith.mulf %mul3A, %stack3A_148 : vector<2x5000x128xf32>
    %swap3A_151 = arith.constant 0 : index
    %swap3A_152 = arith.constant 0 : index
    %swap3A_153 = arith.constant 0 : index
    %swap3A_154 = vector.load %arg9[%swap3A_151, %swap3A_152, %swap3A_153] : memref<2x5000x128xf32, #tpu.memory_space<vmem>>, vector<2x5000x128xf32>
    tpu.vector_store %arg9[%swap3A_151, %swap3A_152, %swap3A_153], %mul3A_150 {strides = array<i32>} : memref<2x5000x128xf32, #tpu.memory_space<vmem>>, vector<2x5000x128xf32>,
    %swap3A_155 = arith.constant 0 : index
    %swap3A_156 = arith.constant 0 : index
    %swap3A_157 = vector.load %arg10[%swap3A_155, %swap3A_156] : memref<5000x128xf32, #tpu.memory_space<vmem>>, vector<5000x128xf32>
    tpu.vector_store %arg10[%swap3A_155, %swap3A_156], %select_n3A_108 {strides = array<i32>} : memref<5000x128xf32, #tpu.memory_space<vmem>>, vector<5000x128xf32>,
    return
  }
}

module attributes {stable_mosaic.version = 14 : i64} {
  func.func @tc_combine_mid(%arg0: i32, %arg1: memref<2x1000x128xf32, #tpu.memory_space<vmem>>, %arg2: memref<1000x128xf32, #tpu.memory_space<vmem>>, %arg3: memref<1000x128xf32, #tpu.memory_space<vmem>>, %arg4: memref<1000x128xf32, #tpu.memory_space<vmem>>, %arg5: memref<128x128xf32, #tpu.memory_space<vmem>>, %arg6: memref<128x128xf32, #tpu.memory_space<vmem>>, %arg7: memref<128x128xf32, #tpu.memory_space<vmem>>, %arg8: memref<128x128xf32, #tpu.memory_space<vmem>>, %arg9: memref<2x1000x128xf32, #tpu.memory_space<vmem>>) attributes {dimension_semantics = [#tpu.dimension_semantics<arbitrary>], iteration_bounds = array<i64: 5>, scalar_prefetch = 0 : i64, scratch_operands = 0 : i64, tpu.core_type = #tpu.core_type<tc>, window_params = [{transform_indices = @transform_0, window_bounds = array<i64: 2, 1000, 128>}, {transform_indices = @transform_1, window_bounds = array<i64: 1000, 128>}, {transform_indices = @transform_2, window_bounds = array<i64: 1000, 128>}, {transform_indices = @transform_3, window_bounds = array<i64: 1000, 128>}, {pipeline_mode = #tpu.pipeline_mode<synchronous>, transform_indices = @transform_4, window_bounds = array<i64: 128, 128>}, {pipeline_mode = #tpu.pipeline_mode<synchronous>, transform_indices = @transform_5, window_bounds = array<i64: 128, 128>}, {pipeline_mode = #tpu.pipeline_mode<synchronous>, transform_indices = @transform_6, window_bounds = array<i64: 128, 128>}, {pipeline_mode = #tpu.pipeline_mode<synchronous>, transform_indices = @transform_7, window_bounds = array<i64: 128, 128>}, {transform_indices = @transform_8, window_bounds = array<i64: 2, 1000, 128>}]} {
    %get3A = arith.constant 0 : index
    %get3A_0 = arith.constant 0 : index
    %get3A_1 = vector.load %arg2[%get3A, %get3A_0] : memref<1000x128xf32, #tpu.memory_space<vmem>>, vector<1000x128xf32>
    %get3A_2 = arith.constant 0 : index
    %get3A_3 = arith.constant 0 : index
    %get3A_4 = arith.constant 0 : index
    %get3A_5 = vector.load %arg1[%get3A_2, %get3A_3, %get3A_4] : memref<2x1000x128xf32, #tpu.memory_space<vmem>>, vector<1x1000x128xf32>
    %get3A_6 = vector.shape_cast %get3A_5 : vector<1x1000x128xf32> to vector<1000x128xf32>
    %mul3A = arith.mulf %get3A_1, %get3A_6 : vector<1000x128xf32>
    %mul3A_7 = arith.constant 6.000000e-01 : f32
    %mul3A_8 = vector.broadcast %mul3A_7 : f32 to vector<1000x128xf32>
    %mul3A_9 = arith.mulf %mul3A_8, %mul3A : vector<1000x128xf32>
    %get3A_10 = arith.constant 0 : index
    %get3A_11 = arith.constant 0 : index
    %get3A_12 = vector.load %arg3[%get3A_10, %get3A_11] : memref<1000x128xf32, #tpu.memory_space<vmem>>, vector<1000x128xf32>
    %mul3A_13 = arith.constant 4.000000e-01 : f32
    %mul3A_14 = vector.broadcast %mul3A_13 : f32 to vector<1000x128xf32>
    %mul3A_15 = arith.mulf %mul3A_14, %get3A_12 : vector<1000x128xf32>
    %mul3A_16 = arith.constant 0.358146101 : f32
    %mul3A_17 = vector.broadcast %mul3A_16 : f32 to vector<1000x128xf32>
    %mul3A_18 = arith.mulf %mul3A_17, %mul3A_9 : vector<1000x128xf32>
    %get3A_19 = arith.constant 0 : index
    %get3A_20 = arith.constant 0 : index
    %get3A_21 = vector.load %arg5[%get3A_19, %get3A_20] : memref<128x128xf32, #tpu.memory_space<vmem>>, vector<128x128xf32>
    %dot_general3A = arith.constant dense<0.000000e+00> : vector<1000x128xf32>
    %dot_general3A_22 = tpu.matmul %mul3A_9, %get3A_21, %dot_general3A {dimension_numbers = #tpu.dot_dimension_numbers<[1], [0], [0], [1], [0, 0, 1, 1], [], []>, transpose_lhs_hint = false} : vector<1000x128xf32>, vector<128x128xf32>, vector<1000x128xf32> -> vector<1000x128xf32>
    %mul3A_23 = arith.constant 0.641853868 : f32
    %mul3A_24 = vector.broadcast %mul3A_23 : f32 to vector<1000x128xf32>
    %mul3A_25 = arith.mulf %mul3A_24, %dot_general3A_22 : vector<1000x128xf32>
    %add3A = arith.addf %mul3A_18, %mul3A_25 : vector<1000x128xf32>
    %mul3A_26 = arith.constant 0.358146101 : f32
    %mul3A_27 = vector.broadcast %mul3A_26 : f32 to vector<1000x128xf32>
    %mul3A_28 = arith.mulf %mul3A_27, %mul3A_15 : vector<1000x128xf32>
    %add3A_29 = arith.addf %add3A, %mul3A_28 : vector<1000x128xf32>
    %get3A_30 = arith.constant 0 : index
    %get3A_31 = arith.constant 0 : index
    %get3A_32 = vector.load %arg6[%get3A_30, %get3A_31] : memref<128x128xf32, #tpu.memory_space<vmem>>, vector<128x128xf32>
    %dot_general3A_33 = arith.constant dense<0.000000e+00> : vector<1000x128xf32>
    %dot_general3A_34 = tpu.matmul %mul3A_15, %get3A_32, %dot_general3A_33 {dimension_numbers = #tpu.dot_dimension_numbers<[1], [0], [0], [1], [0, 0, 1, 1], [], []>, transpose_lhs_hint = false} : vector<1000x128xf32>, vector<128x128xf32>, vector<1000x128xf32> -> vector<1000x128xf32>
    %mul3A_35 = arith.constant 0.641853868 : f32
    %mul3A_36 = vector.broadcast %mul3A_35 : f32 to vector<1000x128xf32>
    %mul3A_37 = arith.mulf %mul3A_36, %dot_general3A_34 : vector<1000x128xf32>
    %add3A_38 = arith.addf %add3A_29, %mul3A_37 : vector<1000x128xf32>
    %max3A = arith.constant 0.000000e+00 : f32
    %max3A_39 = vector.broadcast %max3A : f32 to vector<1000x128xf32>
    %max3A_40 = arith.maximumf %add3A_38, %max3A_39 : vector<1000x128xf32>
    %get3A_41 = arith.constant 1 : index
    %get3A_42 = arith.constant 0 : index
    %get3A_43 = arith.constant 0 : index
    %get3A_44 = vector.load %arg1[%get3A_41, %get3A_42, %get3A_43] : memref<2x1000x128xf32, #tpu.memory_space<vmem>>, vector<1x1000x128xf32>
    %get3A_45 = vector.shape_cast %get3A_44 : vector<1x1000x128xf32> to vector<1000x128xf32>
    %mul3A_46 = arith.mulf %get3A_1, %get3A_45 : vector<1000x128xf32>
    %mul3A_47 = arith.constant 6.000000e-01 : f32
    %mul3A_48 = vector.broadcast %mul3A_47 : f32 to vector<1000x128xf32>
    %mul3A_49 = arith.mulf %mul3A_48, %mul3A_46 : vector<1000x128xf32>
    %get3A_50 = arith.constant 0 : index
    %get3A_51 = arith.constant 0 : index
    %get3A_52 = vector.load %arg4[%get3A_50, %get3A_51] : memref<1000x128xf32, #tpu.memory_space<vmem>>, vector<1000x128xf32>
    %mul3A_53 = arith.constant 4.000000e-01 : f32
    %mul3A_54 = vector.broadcast %mul3A_53 : f32 to vector<1000x128xf32>
    %mul3A_55 = arith.mulf %mul3A_54, %get3A_52 : vector<1000x128xf32>
    %mul3A_56 = arith.constant 0.358146101 : f32
    %mul3A_57 = vector.broadcast %mul3A_56 : f32 to vector<1000x128xf32>
    %mul3A_58 = arith.mulf %mul3A_57, %mul3A_49 : vector<1000x128xf32>
    %get3A_59 = arith.constant 0 : index
    %get3A_60 = arith.constant 0 : index
    %get3A_61 = vector.load %arg7[%get3A_59, %get3A_60] : memref<128x128xf32, #tpu.memory_space<vmem>>, vector<128x128xf32>
    %dot_general3A_62 = arith.constant dense<0.000000e+00> : vector<1000x128xf32>
    %dot_general3A_63 = tpu.matmul %mul3A_49, %get3A_61, %dot_general3A_62 {dimension_numbers = #tpu.dot_dimension_numbers<[1], [0], [0], [1], [0, 0, 1, 1], [], []>, transpose_lhs_hint = false} : vector<1000x128xf32>, vector<128x128xf32>, vector<1000x128xf32> -> vector<1000x128xf32>
    %mul3A_64 = arith.constant 0.641853868 : f32
    %mul3A_65 = vector.broadcast %mul3A_64 : f32 to vector<1000x128xf32>
    %mul3A_66 = arith.mulf %mul3A_65, %dot_general3A_63 : vector<1000x128xf32>
    %add3A_67 = arith.addf %mul3A_58, %mul3A_66 : vector<1000x128xf32>
    %mul3A_68 = arith.constant 0.358146101 : f32
    %mul3A_69 = vector.broadcast %mul3A_68 : f32 to vector<1000x128xf32>
    %mul3A_70 = arith.mulf %mul3A_69, %mul3A_55 : vector<1000x128xf32>
    %add3A_71 = arith.addf %add3A_67, %mul3A_70 : vector<1000x128xf32>
    %get3A_72 = arith.constant 0 : index
    %get3A_73 = arith.constant 0 : index
    %get3A_74 = vector.load %arg8[%get3A_72, %get3A_73] : memref<128x128xf32, #tpu.memory_space<vmem>>, vector<128x128xf32>
    %dot_general3A_75 = arith.constant dense<0.000000e+00> : vector<1000x128xf32>
    %dot_general3A_76 = tpu.matmul %mul3A_55, %get3A_74, %dot_general3A_75 {dimension_numbers = #tpu.dot_dimension_numbers<[1], [0], [0], [1], [0, 0, 1, 1], [], []>, transpose_lhs_hint = false} : vector<1000x128xf32>, vector<128x128xf32>, vector<1000x128xf32> -> vector<1000x128xf32>
    %mul3A_77 = arith.constant 0.641853868 : f32
    %mul3A_78 = vector.broadcast %mul3A_77 : f32 to vector<1000x128xf32>
    %mul3A_79 = arith.mulf %mul3A_78, %dot_general3A_76 : vector<1000x128xf32>
    %add3A_80 = arith.addf %add3A_71, %mul3A_79 : vector<1000x128xf32>
    %max3A_81 = arith.constant 0.000000e+00 : f32
    %max3A_82 = vector.broadcast %max3A_81 : f32 to vector<1000x128xf32>
    %max3A_83 = arith.maximumf %add3A_80, %max3A_82 : vector<1000x128xf32>
    %stack3A = vector.shape_cast %max3A_40 : vector<1000x128xf32> to vector<1x1000x128xf32>
    %stack3A_84 = vector.shape_cast %max3A_83 : vector<1000x128xf32> to vector<1x1000x128xf32>
    %stack3A_85 = tpu.concatenate %stack3A, %stack3A_84 in 0 : vector<1x1000x128xf32>, vector<1x1000x128xf32> -> vector<2x1000x128xf32>
    %broadcast_in_dim3A = vector.shape_cast %get3A_1 : vector<1000x128xf32> to vector<1x1000x128xf32>
    %mul3A_86 = vector.broadcast %broadcast_in_dim3A : vector<1x1000x128xf32> to vector<2x1000x128xf32>
    %mul3A_87 = arith.mulf %mul3A_86, %stack3A_85 : vector<2x1000x128xf32>
    %swap3A = arith.constant 0 : index
    %swap3A_88 = arith.constant 0 : index
    %swap3A_89 = arith.constant 0 : index
    %swap3A_90 = vector.load %arg9[%swap3A, %swap3A_88, %swap3A_89] : memref<2x1000x128xf32, #tpu.memory_space<vmem>>, vector<2x1000x128xf32>
    tpu.vector_store %arg9[%swap3A, %swap3A_88, %swap3A_89], %mul3A_87 {strides = array<i32>} : memref<2x1000x128xf32, #tpu.memory_space<vmem>>, vector<2x1000x128xf32>,
    return
  }
  func.func @transform_0(%arg0: i32) -> (i32, i32, i32) {
    %c0_i32 = arith.constant 0 : i32
    %c0_i32_0 = arith.constant 0 : i32
    %c0_i32_1 = arith.constant 0 : i32
    return %c0_i32, %arg0, %c0_i32_0 : i32, i32, i32
  }
  func.func @transform_1(%arg0: i32) -> (i32, i32) {
    %c0_i32 = arith.constant 0 : i32
    %c0_i32_0 = arith.constant 0 : i32
    return %arg0, %c0_i32 : i32, i32
  }
  func.func @transform_2(%arg0: i32) -> (i32, i32) {
    %c0_i32 = arith.constant 0 : i32
    %c0_i32_0 = arith.constant 0 : i32
    return %arg0, %c0_i32 : i32, i32
  }
  func.func @transform_3(%arg0: i32) -> (i32, i32) {
    %c0_i32 = arith.constant 0 : i32
    %c0_i32_0 = arith.constant 0 : i32
    return %arg0, %c0_i32 : i32, i32
  }
  func.func @transform_4(%arg0: i32) -> (i32, i32) {
    %c0_i32 = arith.constant 0 : i32
    %c0_i32_0 = arith.constant 0 : i32
    %c0_i32_1 = arith.constant 0 : i32
    return %c0_i32, %c0_i32_0 : i32, i32
  }
  func.func @transform_5(%arg0: i32) -> (i32, i32) {
    %c0_i32 = arith.constant 0 : i32
    %c0_i32_0 = arith.constant 0 : i32
    %c0_i32_1 = arith.constant 0 : i32
    return %c0_i32, %c0_i32_0 : i32, i32
  }
  func.func @transform_6(%arg0: i32) -> (i32, i32) {
    %c0_i32 = arith.constant 0 : i32
    %c0_i32_0 = arith.constant 0 : i32
    %c0_i32_1 = arith.constant 0 : i32
    return %c0_i32, %c0_i32_0 : i32, i32
  }
  func.func @transform_7(%arg0: i32) -> (i32, i32) {
    %c0_i32 = arith.constant 0 : i32
    %c0_i32_0 = arith.constant 0 : i32
    %c0_i32_1 = arith.constant 0 : i32
    return %c0_i32, %c0_i32_0 : i32, i32
  }
  func.func @transform_8(%arg0: i32) -> (i32, i32, i32) {
    %c0_i32 = arith.constant 0 : i32
    %c0_i32_0 = arith.constant 0 : i32
    %c0_i32_1 = arith.constant 0 : i32
    return %c0_i32, %arg0, %c0_i32_0 : i32, i32, i32
  }
}

module attributes {stable_mosaic.version = 14 : i64} {
  func.func @tc_combine_last(%arg0: i32, %arg1: memref<2x1000x128xf32, #tpu.memory_space<vmem>>, %arg2: memref<1000x128xf32, #tpu.memory_space<vmem>>, %arg3: memref<1000x128xf32, #tpu.memory_space<vmem>>, %arg4: memref<1000x128xf32, #tpu.memory_space<vmem>>, %arg5: memref<128x128xf32, #tpu.memory_space<vmem>>, %arg6: memref<128x128xf32, #tpu.memory_space<vmem>>, %arg7: memref<128x128xf32, #tpu.memory_space<vmem>>, %arg8: memref<128x128xf32, #tpu.memory_space<vmem>>, %arg9: memref<128x2xf32, #tpu.memory_space<vmem>>, %arg10: memref<128x2xf32, #tpu.memory_space<vmem>>, %arg11: memref<2x1x2xf32, #tpu.memory_space<vmem>>, %arg12: memref<2x1000x2xf32, #tpu.memory_space<vmem>>) attributes {dimension_semantics = [#tpu.dimension_semantics<arbitrary>], iteration_bounds = array<i64: 5>, scalar_prefetch = 0 : i64, scratch_operands = 0 : i64, tpu.core_type = #tpu.core_type<tc>, window_params = [{transform_indices = @transform_0, window_bounds = array<i64: 2, 1000, 128>}, {transform_indices = @transform_1, window_bounds = array<i64: 1000, 128>}, {transform_indices = @transform_2, window_bounds = array<i64: 1000, 128>}, {transform_indices = @transform_3, window_bounds = array<i64: 1000, 128>}, {pipeline_mode = #tpu.pipeline_mode<synchronous>, transform_indices = @transform_4, window_bounds = array<i64: 128, 128>}, {pipeline_mode = #tpu.pipeline_mode<synchronous>, transform_indices = @transform_5, window_bounds = array<i64: 128, 128>}, {pipeline_mode = #tpu.pipeline_mode<synchronous>, transform_indices = @transform_6, window_bounds = array<i64: 128, 128>}, {pipeline_mode = #tpu.pipeline_mode<synchronous>, transform_indices = @transform_7, window_bounds = array<i64: 128, 128>}, {pipeline_mode = #tpu.pipeline_mode<synchronous>, transform_indices = @transform_8, window_bounds = array<i64: 128, 2>}, {pipeline_mode = #tpu.pipeline_mode<synchronous>, transform_indices = @transform_9, window_bounds = array<i64: 128, 2>}, {pipeline_mode = #tpu.pipeline_mode<synchronous>, transform_indices = @transform_10, window_bounds = array<i64: 2, 1, 2>}, {transform_indices = @transform_11, window_bounds = array<i64: 2, 1000, 2>}]} {
    %get3A = arith.constant 0 : index
    %get3A_0 = arith.constant 0 : index
    %get3A_1 = vector.load %arg2[%get3A, %get3A_0] : memref<1000x128xf32, #tpu.memory_space<vmem>>, vector<1000x128xf32>
    %get3A_2 = arith.constant 0 : index
    %get3A_3 = arith.constant 0 : index
    %get3A_4 = arith.constant 0 : index
    %get3A_5 = vector.load %arg1[%get3A_2, %get3A_3, %get3A_4] : memref<2x1000x128xf32, #tpu.memory_space<vmem>>, vector<1x1000x128xf32>
    %get3A_6 = vector.shape_cast %get3A_5 : vector<1x1000x128xf32> to vector<1000x128xf32>
    %mul3A = arith.mulf %get3A_1, %get3A_6 : vector<1000x128xf32>
    %mul3A_7 = arith.constant 6.000000e-01 : f32
    %mul3A_8 = vector.broadcast %mul3A_7 : f32 to vector<1000x128xf32>
    %mul3A_9 = arith.mulf %mul3A_8, %mul3A : vector<1000x128xf32>
    %get3A_10 = arith.constant 0 : index
    %get3A_11 = arith.constant 0 : index
    %get3A_12 = vector.load %arg3[%get3A_10, %get3A_11] : memref<1000x128xf32, #tpu.memory_space<vmem>>, vector<1000x128xf32>
    %mul3A_13 = arith.constant 4.000000e-01 : f32
    %mul3A_14 = vector.broadcast %mul3A_13 : f32 to vector<1000x128xf32>
    %mul3A_15 = arith.mulf %mul3A_14, %get3A_12 : vector<1000x128xf32>
    %mul3A_16 = arith.constant 0.628436446 : f32
    %mul3A_17 = vector.broadcast %mul3A_16 : f32 to vector<1000x128xf32>
    %mul3A_18 = arith.mulf %mul3A_17, %mul3A_9 : vector<1000x128xf32>
    %get3A_19 = arith.constant 0 : index
    %get3A_20 = arith.constant 0 : index
    %get3A_21 = vector.load %arg5[%get3A_19, %get3A_20] : memref<128x128xf32, #tpu.memory_space<vmem>>, vector<128x128xf32>
    %dot_general3A = arith.constant dense<0.000000e+00> : vector<1000x128xf32>
    %dot_general3A_22 = tpu.matmul %mul3A_9, %get3A_21, %dot_general3A {dimension_numbers = #tpu.dot_dimension_numbers<[1], [0], [0], [1], [0, 0, 1, 1], [], []>, transpose_lhs_hint = false} : vector<1000x128xf32>, vector<128x128xf32>, vector<1000x128xf32> -> vector<1000x128xf32>
    %mul3A_23 = arith.constant 0.371563554 : f32
    %mul3A_24 = vector.broadcast %mul3A_23 : f32 to vector<1000x128xf32>
    %mul3A_25 = arith.mulf %mul3A_24, %dot_general3A_22 : vector<1000x128xf32>
    %add3A = arith.addf %mul3A_18, %mul3A_25 : vector<1000x128xf32>
    %mul3A_26 = arith.constant 0.628436446 : f32
    %mul3A_27 = vector.broadcast %mul3A_26 : f32 to vector<1000x128xf32>
    %mul3A_28 = arith.mulf %mul3A_27, %mul3A_15 : vector<1000x128xf32>
    %add3A_29 = arith.addf %add3A, %mul3A_28 : vector<1000x128xf32>
    %get3A_30 = arith.constant 0 : index
    %get3A_31 = arith.constant 0 : index
    %get3A_32 = vector.load %arg6[%get3A_30, %get3A_31] : memref<128x128xf32, #tpu.memory_space<vmem>>, vector<128x128xf32>
    %dot_general3A_33 = arith.constant dense<0.000000e+00> : vector<1000x128xf32>
    %dot_general3A_34 = tpu.matmul %mul3A_15, %get3A_32, %dot_general3A_33 {dimension_numbers = #tpu.dot_dimension_numbers<[1], [0], [0], [1], [0, 0, 1, 1], [], []>, transpose_lhs_hint = false} : vector<1000x128xf32>, vector<128x128xf32>, vector<1000x128xf32> -> vector<1000x128xf32>
    %mul3A_35 = arith.constant 0.371563554 : f32
    %mul3A_36 = vector.broadcast %mul3A_35 : f32 to vector<1000x128xf32>
    %mul3A_37 = arith.mulf %mul3A_36, %dot_general3A_34 : vector<1000x128xf32>
    %add3A_38 = arith.addf %add3A_29, %mul3A_37 : vector<1000x128xf32>
    %max3A = arith.constant 0.000000e+00 : f32
    %max3A_39 = vector.broadcast %max3A : f32 to vector<1000x128xf32>
    %max3A_40 = arith.maximumf %add3A_38, %max3A_39 : vector<1000x128xf32>
    %get3A_41 = arith.constant 1 : index
    %get3A_42 = arith.constant 0 : index
    %get3A_43 = arith.constant 0 : index
    %get3A_44 = vector.load %arg1[%get3A_41, %get3A_42, %get3A_43] : memref<2x1000x128xf32, #tpu.memory_space<vmem>>, vector<1x1000x128xf32>
    %get3A_45 = vector.shape_cast %get3A_44 : vector<1x1000x128xf32> to vector<1000x128xf32>
    %mul3A_46 = arith.mulf %get3A_1, %get3A_45 : vector<1000x128xf32>
    %mul3A_47 = arith.constant 6.000000e-01 : f32
    %mul3A_48 = vector.broadcast %mul3A_47 : f32 to vector<1000x128xf32>
    %mul3A_49 = arith.mulf %mul3A_48, %mul3A_46 : vector<1000x128xf32>
    %get3A_50 = arith.constant 0 : index
    %get3A_51 = arith.constant 0 : index
    %get3A_52 = vector.load %arg4[%get3A_50, %get3A_51] : memref<1000x128xf32, #tpu.memory_space<vmem>>, vector<1000x128xf32>
    %mul3A_53 = arith.constant 4.000000e-01 : f32
    %mul3A_54 = vector.broadcast %mul3A_53 : f32 to vector<1000x128xf32>
    %mul3A_55 = arith.mulf %mul3A_54, %get3A_52 : vector<1000x128xf32>
    %mul3A_56 = arith.constant 0.628436446 : f32
    %mul3A_57 = vector.broadcast %mul3A_56 : f32 to vector<1000x128xf32>
    %mul3A_58 = arith.mulf %mul3A_57, %mul3A_49 : vector<1000x128xf32>
    %get3A_59 = arith.constant 0 : index
    %get3A_60 = arith.constant 0 : index
    %get3A_61 = vector.load %arg7[%get3A_59, %get3A_60] : memref<128x128xf32, #tpu.memory_space<vmem>>, vector<128x128xf32>
    %dot_general3A_62 = arith.constant dense<0.000000e+00> : vector<1000x128xf32>
    %dot_general3A_63 = tpu.matmul %mul3A_49, %get3A_61, %dot_general3A_62 {dimension_numbers = #tpu.dot_dimension_numbers<[1], [0], [0], [1], [0, 0, 1, 1], [], []>, transpose_lhs_hint = false} : vector<1000x128xf32>, vector<128x128xf32>, vector<1000x128xf32> -> vector<1000x128xf32>
    %mul3A_64 = arith.constant 0.371563554 : f32
    %mul3A_65 = vector.broadcast %mul3A_64 : f32 to vector<1000x128xf32>
    %mul3A_66 = arith.mulf %mul3A_65, %dot_general3A_63 : vector<1000x128xf32>
    %add3A_67 = arith.addf %mul3A_58, %mul3A_66 : vector<1000x128xf32>
    %mul3A_68 = arith.constant 0.628436446 : f32
    %mul3A_69 = vector.broadcast %mul3A_68 : f32 to vector<1000x128xf32>
    %mul3A_70 = arith.mulf %mul3A_69, %mul3A_55 : vector<1000x128xf32>
    %add3A_71 = arith.addf %add3A_67, %mul3A_70 : vector<1000x128xf32>
    %get3A_72 = arith.constant 0 : index
    %get3A_73 = arith.constant 0 : index
    %get3A_74 = vector.load %arg8[%get3A_72, %get3A_73] : memref<128x128xf32, #tpu.memory_space<vmem>>, vector<128x128xf32>
    %dot_general3A_75 = arith.constant dense<0.000000e+00> : vector<1000x128xf32>
    %dot_general3A_76 = tpu.matmul %mul3A_55, %get3A_74, %dot_general3A_75 {dimension_numbers = #tpu.dot_dimension_numbers<[1], [0], [0], [1], [0, 0, 1, 1], [], []>, transpose_lhs_hint = false} : vector<1000x128xf32>, vector<128x128xf32>, vector<1000x128xf32> -> vector<1000x128xf32>
    %mul3A_77 = arith.constant 0.371563554 : f32
    %mul3A_78 = vector.broadcast %mul3A_77 : f32 to vector<1000x128xf32>
    %mul3A_79 = arith.mulf %mul3A_78, %dot_general3A_76 : vector<1000x128xf32>
    %add3A_80 = arith.addf %add3A_71, %mul3A_79 : vector<1000x128xf32>
    %max3A_81 = arith.constant 0.000000e+00 : f32
    %max3A_82 = vector.broadcast %max3A_81 : f32 to vector<1000x128xf32>
    %max3A_83 = arith.maximumf %add3A_80, %max3A_82 : vector<1000x128xf32>
    %get3A_84 = arith.constant 0 : index
    %get3A_85 = arith.constant 0 : index
    %get3A_86 = vector.load %arg9[%get3A_84, %get3A_85] : memref<128x2xf32, #tpu.memory_space<vmem>>, vector<128x2xf32>
    %dot_general3A_87 = arith.constant dense<0.000000e+00> : vector<1000x2xf32>
    %dot_general3A_88 = tpu.matmul %max3A_40, %get3A_86, %dot_general3A_87 {dimension_numbers = #tpu.dot_dimension_numbers<[1], [0], [0], [1], [0, 0, 1, 1], [], []>, transpose_lhs_hint = false} : vector<1000x128xf32>, vector<128x2xf32>, vector<1000x2xf32> -> vector<1000x2xf32>
    %get3A_89 = arith.constant 0 : index
    %get3A_90 = arith.constant 0 : index
    %get3A_91 = vector.load %arg10[%get3A_89, %get3A_90] : memref<128x2xf32, #tpu.memory_space<vmem>>, vector<128x2xf32>
    %dot_general3A_92 = arith.constant dense<0.000000e+00> : vector<1000x2xf32>
    %dot_general3A_93 = tpu.matmul %max3A_83, %get3A_91, %dot_general3A_92 {dimension_numbers = #tpu.dot_dimension_numbers<[1], [0], [0], [1], [0, 0, 1, 1], [], []>, transpose_lhs_hint = false} : vector<1000x128xf32>, vector<128x2xf32>, vector<1000x2xf32> -> vector<1000x2xf32>
    %stack3A = vector.shape_cast %dot_general3A_88 : vector<1000x2xf32> to vector<1x1000x2xf32>
    %stack3A_94 = vector.shape_cast %dot_general3A_93 : vector<1000x2xf32> to vector<1x1000x2xf32>
    %stack3A_95 = tpu.concatenate %stack3A, %stack3A_94 in 0 : vector<1x1000x2xf32>, vector<1x1000x2xf32> -> vector<2x1000x2xf32>
    %get3A_96 = arith.constant 0 : index
    %get3A_97 = arith.constant 0 : index
    %get3A_98 = arith.constant 0 : index
    %get3A_99 = vector.load %arg11[%get3A_96, %get3A_97, %get3A_98] : memref<2x1x2xf32, #tpu.memory_space<vmem>>, vector<2x1x2xf32>
    %add3A_100 = vector.broadcast %get3A_99 : vector<2x1x2xf32> to vector<2x1000x2xf32>
    %add3A_101 = arith.addf %stack3A_95, %add3A_100 : vector<2x1000x2xf32>
    %swap3A = arith.constant 0 : index
    %swap3A_102 = arith.constant 0 : index
    %swap3A_103 = arith.constant 0 : index
    %swap3A_104 = vector.load %arg12[%swap3A, %swap3A_102, %swap3A_103] : memref<2x1000x2xf32, #tpu.memory_space<vmem>>, vector<2x1000x2xf32>
    tpu.vector_store %arg12[%swap3A, %swap3A_102, %swap3A_103], %add3A_101 {strides = array<i32>} : memref<2x1000x2xf32, #tpu.memory_space<vmem>>, vector<2x1000x2xf32>,
    return
  }
  func.func @transform_0(%arg0: i32) -> (i32, i32, i32) {
    %c0_i32 = arith.constant 0 : i32
    %c0_i32_0 = arith.constant 0 : i32
    %c0_i32_1 = arith.constant 0 : i32
    return %c0_i32, %arg0, %c0_i32_0 : i32, i32, i32
  }
  func.func @transform_1(%arg0: i32) -> (i32, i32) {
    %c0_i32 = arith.constant 0 : i32
    %c0_i32_0 = arith.constant 0 : i32
    return %arg0, %c0_i32 : i32, i32
  }
  func.func @transform_2(%arg0: i32) -> (i32, i32) {
    %c0_i32 = arith.constant 0 : i32
    %c0_i32_0 = arith.constant 0 : i32
    return %arg0, %c0_i32 : i32, i32
  }
  func.func @transform_3(%arg0: i32) -> (i32, i32) {
    %c0_i32 = arith.constant 0 : i32
    %c0_i32_0 = arith.constant 0 : i32
    return %arg0, %c0_i32 : i32, i32
  }
  func.func @transform_4(%arg0: i32) -> (i32, i32) {
    %c0_i32 = arith.constant 0 : i32
    %c0_i32_0 = arith.constant 0 : i32
    %c0_i32_1 = arith.constant 0 : i32
    return %c0_i32, %c0_i32_0 : i32, i32
  }
  func.func @transform_5(%arg0: i32) -> (i32, i32) {
    %c0_i32 = arith.constant 0 : i32
    %c0_i32_0 = arith.constant 0 : i32
    %c0_i32_1 = arith.constant 0 : i32
    return %c0_i32, %c0_i32_0 : i32, i32
  }
  func.func @transform_6(%arg0: i32) -> (i32, i32) {
    %c0_i32 = arith.constant 0 : i32
    %c0_i32_0 = arith.constant 0 : i32
    %c0_i32_1 = arith.constant 0 : i32
    return %c0_i32, %c0_i32_0 : i32, i32
  }
  func.func @transform_7(%arg0: i32) -> (i32, i32) {
    %c0_i32 = arith.constant 0 : i32
    %c0_i32_0 = arith.constant 0 : i32
    %c0_i32_1 = arith.constant 0 : i32
    return %c0_i32, %c0_i32_0 : i32, i32
  }
  func.func @transform_8(%arg0: i32) -> (i32, i32) {
    %c0_i32 = arith.constant 0 : i32
    %c0_i32_0 = arith.constant 0 : i32
    %c0_i32_1 = arith.constant 0 : i32
    return %c0_i32, %c0_i32_0 : i32, i32
  }
  func.func @transform_9(%arg0: i32) -> (i32, i32) {
    %c0_i32 = arith.constant 0 : i32
    %c0_i32_0 = arith.constant 0 : i32
    %c0_i32_1 = arith.constant 0 : i32
    return %c0_i32, %c0_i32_0 : i32, i32
  }
  func.func @transform_10(%arg0: i32) -> (i32, i32, i32) {
    %c0_i32 = arith.constant 0 : i32
    %c0_i32_0 = arith.constant 0 : i32
    %c0_i32_1 = arith.constant 0 : i32
    %c0_i32_2 = arith.constant 0 : i32
    return %c0_i32, %c0_i32_0, %c0_i32_1 : i32, i32, i32
  }
  func.func @transform_11(%arg0: i32) -> (i32, i32, i32) {
    %c0_i32 = arith.constant 0 : i32
    %c0_i32_0 = arith.constant 0 : i32
    %c0_i32_1 = arith.constant 0 : i32
    return %c0_i32, %arg0, %c0_i32_0 : i32, i32, i32
  }
}

</mosaic_0001>

<sc_bundles>
// kernel: sc_deg_hist.3.cloned.1.call-start
scs
__scs_entry_jumppad:
0x0: {  	(pc) =	sbr.rel $0x88, $3  }
0x1: {  	(tag) =	ssettag $0x0;
	lr =	simm.s32 $0x1  }
0x2: {  	[smem:$0x3F92] =	sst lr;
	_ =	strace $0xD0000000  }
0x3: {  	_ = 	snop  }
0x4: {  	_ = 	snop  }
0x5: {  	_ = 	snop  }
0x6: {  	_ = 	snop  }
0x7: {  	_ = 	snop  }
__scs_overlays_trampoline_lowered:
0x8: {  	[smem:$0x3FA1] =	sst s0  }
0x9: {  	[smem:$0x3FA2] =	sst s1  }
0xa: {  	[smem:$0x3FA3] =	sst s2  }
0xb: {  	[smem:$0x3FA4] =	sst s3  }
0xc: {  	[smem:$0x3FA5] =	sst s4  }
0xd: {  	[smem:$0x3FA6] =	sst s5  }
0xe: {  	[smem:$0x3FA7] =	sst s6  }
0xf: {  	[smem:$0x3FA8] =	sst s7  }
0x10: {  	[smem:$0x3FA9] =	sst s8  }
0x11: {  	[smem:$0x3FAA] =	sst s9;
	s0 =	simm.s32 @!p0 $0x0  }
0x12: {  	s1 =	sld [smem:$0x3F90];
	s0 =	simm.s32 @p0 $0x1  }
0x13: {  	[smem:$0x3FAB] =	sst s0;
	s0 =	simm.s32 @!p1 $0x0  }
0x14: {  	s2 =	sld [smem:$0x3F8F];
	s0 =	simm.s32 @p1 $0x1  }
0x15: {  	[smem:$0x3FAC] =	sst s0;
	s0 =	simm.s32 @!p2 $0x0  }
0x16: {  	s3 =	sld [smem:$0x3FDB];
	s0 =	simm.s32 @p2 $0x1  }
0x17: {  	s4 =	simm.s32 $0x1BF5;
	[smem:$0x3FAE] =	sst s0  }
0x18: {  	s0 =	sld [smem:$0x3F91];
	_ =	swait.ge [sflag:s4], $0x0  }
0x19: {  	s7 =	sld [smem:$0x3F92]  }
0x1a: {  	s8 =	sadd.s32 $0xFFFFE003, lr  }
0x1b: {  	s9 =	sadd.s32 $0xFFFFFEF7, lr;
	s5 =	simm.s32 $0xFFFFFFFF;
	p2 =	slt.u32 s8, $0xFFFFF086  }
0x1c: {  	p1 =	slt.u32 s9, $0xF7A;
	s5 =	simm.s32 @!p2 $0x0  }
0x1d: {  	s5 =	simm.s32 @p1 $0x1;
	p0 =	seq.s32 s7, s2  }
0x1e: {  	s7 =	smul.u32 @!p0 $0xF7A, s2;
	p2 =	seq.s32 @!p0 s5, $0x0  }
0x1f: {  	s9 =	smul.u32 $0xF7A, s1;
	s8 =	simm.s32 @!p0 $0x1BF5;
	p2 =	por !p2, p0  }
0x20: {  	[sflag:s8] =	ssyncset.s32 @!p0 $0xFFFFF086;
	s6 =	sadd.s32 @!p0 s3, s7;
	s7 =	simm.s32 @!p0 $0x108  }
0x21: {  	s3 =	sadd.s32 s3, s9;
	s6 =	sadd.s32 @!p0 $0x88, s6;
	s7 =	simm.s32 @p2 $0x1082  }
0x22: {  	[simem:s7], [sflag:s8] =	dma.local @!p0 [hbm:s6], $0xF7A  }
0x23: {  	s9 =	sor.u32 $0xD0000000, s2;
	s6 =	simm.s32 $0x108;
	_ =	swait.ge @!p0 [sflag:s8], $0x0  }
0x24: {  	s3 =	sadd.s32 $0x88, s3;
	s6 =	simm.s32 @!p1 $0x1082;
	[sflag:s4] =	ssyncset.s32 $0xFFFFF086  }
0x25: {  	[simem:s6], [sflag:s4] =	dma.local [hbm:s3], $0xF7A  }
0x26: {  	[smem:$0x3F92] =	sst s1;
	(tag) =	ssettag s2;
	_ =	strace s9  }
0x27: {  	s1 =	sld [smem:$0x3FA2]  }
0x28: {  	s2 =	sld [smem:$0x3FA3]  }
0x29: {  	s4 =	sld [smem:$0x3FA5]  }
0x2a: {  	p0 =	seq.s32 s5, $0x0;
	s5 =	sld [smem:$0x3FA6]  }
0x2b: {  	s6 =	sld [smem:$0x3FA7]  }
0x2c: {  	s7 =	sld [smem:$0x3FA8]  }
0x2d: {  	s3 =	simm.s32 $0x108;
	s8 =	sld [smem:$0x3FA9]  }
0x2e: {  	s3 =	simm.s32 @!p0 $0x1082;
	s9 =	sld [smem:$0x3FAA]  }
0x2f: {  	lr =	sadd.s32 s0, s3;
	s0 =	sld [smem:$0x3FA1]  }
0x30: {  	s3 =	sld [smem:$0x3FA4]  }
0x31: {  	[smem:$0x3FAD] =	sst s10  }
0x32: {  	s10 =	sld [smem:$0x3FAB];
	_ =	sdelay $0x3  }
0x33: {  	p0 =	seq.s32 s10, $0x1;
	s10 =	sld [smem:$0x3FAD];
	_ =	sdelay $0x3  }
0x34: {  	[smem:$0x3FAD] =	sst s10  }
0x35: {  	s10 =	sld [smem:$0x3FAC];
	_ =	sdelay $0x3  }
0x36: {  	p1 =	seq.s32 s10, $0x1;
	s10 =	sld [smem:$0x3FAD];
	_ =	sdelay $0x3  }
0x37: {  	[smem:$0x3FAD] =	sst s10  }
0x38: {  	s10 =	sld [smem:$0x3FAE]  }
0x39: {  	_ = 	snop;
	(pc) =	sbr.ind lr, $3  }
0x3a: {  	_ = 	snop  }
0x3b: {  	_ = 	snop  }
0x3c: {  	p2 =	seq.s32 s10, $0x1;
	s10 =	sld [smem:$0x3FAD]  }
0x3d: {  	_ =	shalt  }
0x3e: {  	_ =	shalt  }
0x3f: {  	_ =	shalt  }
0x40: {  	_ =	shalt  }
0x41: {  	_ =	shalt  }
0x42: {  	_ =	shalt  }
0x43: {  	_ =	shalt  }
0x44: {  	_ =	shalt  }
0x45: {  	_ =	shalt  }
0x46: {  	_ =	shalt  }
0x47: {  	_ =	shalt  }
0x48: {  	_ =	shalt  }
0x49: {  	_ =	shalt  }
0x4a: {  	_ =	shalt  }
0x4b: {  	_ =	shalt  }
0x4c: {  	_ =	shalt  }
0x4d: {  	_ =	shalt  }
0x4e: {  	_ =	shalt  }
0x4f: {  	_ =	shalt  }
0x50: {  	_ =	shalt  }
0x51: {  	_ =	shalt  }
0x52: {  	_ =	shalt  }
0x53: {  	_ =	shalt  }
0x54: {  	_ =	shalt  }
0x55: {  	_ =	shalt  }
0x56: {  	_ =	shalt  }
0x57: {  	_ =	shalt  }
0x58: {  	_ =	shalt  }
0x59: {  	_ =	shalt  }
0x5a: {  	_ =	shalt  }
0x5b: {  	_ =	shalt  }
0x5c: {  	_ =	shalt  }
0x5d: {  	_ =	shalt  }
0x5e: {  	_ =	shalt  }
0x5f: {  	_ =	shalt  }
0x60: {  	_ =	shalt  }
0x61: {  	_ =	shalt  }
0x62: {  	_ =	shalt  }
0x63: {  	_ =	shalt  }
0x64: {  	_ =	shalt  }
0x65: {  	_ =	shalt  }
0x66: {  	_ =	shalt  }
0x67: {  	_ =	shalt  }
0x68: {  	_ =	shalt  }
0x69: {  	_ =	shalt  }
0x6a: {  	_ =	shalt  }
0x6b: {  	_ =	shalt  }
0x6c: {  	_ =	shalt  }
0x6d: {  	_ =	shalt  }
0x6e: {  	_ =	shalt  }
0x6f: {  	_ =	shalt  }
0x70: {  	_ =	shalt  }
0x71: {  	_ =	shalt  }
0x72: {  	_ =	shalt  }
0x73: {  	_ =	shalt  }
0x74: {  	_ =	shalt  }
0x75: {  	_ =	shalt  }
0x76: {  	_ =	shalt  }
0x77: {  	_ =	shalt  }
0x78: {  	_ =	shalt  }
0x79: {  	_ =	shalt  }
0x7a: {  	_ =	shalt  }
0x7b: {  	_ =	shalt  }
0x7c: {  	_ =	shalt  }
0x7d: {  	_ =	shalt  }
0x7e: {  	_ =	shalt  }
0x7f: {  	_ =	shalt  }
0x80: {  	_ =	shalt  }
0x81: {  	_ =	shalt  }
0x82: {  	_ =	shalt  }
0x83: {  	_ =	shalt  }
0x84: {  	_ =	shalt  }
0x85: {  	_ =	shalt  }
0x86: {  	_ =	shalt  }
0x87: {  	_ =	shalt  }
.Lfunc_end0:
.L_simem_size_0:
called_computation_lowered:
.L_overlay_start_0:
0x88: {  	s2 =	sld [smem:$0x3FD9]  }
0x89: {  	s3 =	sld [smem:$0x3FFE];
	_ =	sdelay $0x1  }
0x8a: {  	s1 =	srdreg.scid  }
0x8b: {  	s0 =	sand.u32 $0x1, s1  }
0x8c: {  	s16 =	sshll.u32 s0, $0xA;
	s2 =	sadd.s32 s3, s2  }
0x8d: {  	s2 =	sadd.s32 s2, s16  }
0x8e: {  	[smem:$0x3FB9] =	sst s2  }
0x8f: {  	_ = 	snop  }
0x90: {  	(tm) =	ssettm $0x1  }
0x91: {  	s17 =	sld [smem:$0x3FFB];
	_ =	sdelay $0x3  }
0x92: {  	_ =	strace s17  }
0x93: {  	s2 =	sld [smem:$0x3FFC];
	_ =	sdelay $0x3  }
0x94: {  	_ =	strace s2  }
0x95: {  	s2 =	sld [smem:$0x3FFD];
	_ =	sdelay $0x3  }
0x96: {  	_ =	strace s2  }
0x97: {  	_ =	strace $0x8FFFFFFF  }
0x98: {  	s18 =	sld [smem:$0x3FDB];
	_ =	sdelay $0x1  }
0x99: {  	s19 =	simm.s32 $_scs_section_size  }
0x9a: {  	s4 =	simm.s32 $_size__tile_overlayer_lowered;
	s5 =	simm.s32 $_tile_overlayer_lowered  }
0x9b: {  	s22 =	simm.s32 $0x1BFF;
	s21 =	sshll.u32 s5, $0x1;
	s2 =	sadd.s32 s19, s18  }
0x9c: {  	s6 =	simm.s32 $0x0;
	s20 =	sshll.u32 s4, $0x1;
	s4 =	sadd.s32 s21, s2  }
0x9d: {  	[timem:s6], [sflag:s22] =	dma.local [hbm:s4], s20  }
0x9e: {  	_ =	swait.ge [sflag:s22], s20  }
0x9f: {  	s3 =	ssub.s32 $0x0, s20;
	[sflag:s22] =	ssyncset.done $0x0  }
0xa0: {  	[sflag:s22] =	ssyncadd.s32 s3;
	_ =	sdelay $0x1  }
0xa1: {  	s23 =	simm.s32 $0x1B8B  }
0xa2: {  	_ =	swait.ge [sflag:s23], $0x1  }
0xa3: {  	[sflag:s23] =	ssyncset.done $0x0  }
0xa4: {  	s25 =	simm.s32 $0x1B8E;
	s24 =	sld [smem:$0x3FFE];
	[sflag:s23] =	ssyncadd.s32 $0xFFFFFFFF  }
0xa5: {  	s26 =	simm.s32 $execute0_lowered;
	[smem:$0x3FD2] =	sst s25  }
0xa6: {  	s4 =	sshll.u32 s26, $0x1;
	_ =	strace $0x80000046;
	[dreg:$0x1] =	wrdreg $0xFFFFFFFF  }
0xa7: {  	s28 =	simm.s32 $_size_execute0_lowered;
	s2 =	sadd.s32 s2, s4;
	[dreg:$0x0] =	wrdreg $0x0  }
0xa8: {  	s4 =	sshll.u32 s28, $0x1;
	[dreg:$0x2] =	wrdreg s2  }
0xa9: {  	[dreg:$0x3] =	wrdreg s4  }
0xaa: {  	[dreg:$0x4] =	wrdreg $0xC0  }
0xab: {  	_ =	task [dreg:s6], $0x5FFFF  }
0xac: {  	[dreg:$0x1] =	wrdreg $0xFFFFFFFF  }
0xad: {  	[dreg:$0x0] =	wrdreg $0x60  }
0xae: {  	[dreg:$0x2] =	wrdreg s24  }
0xaf: {  	[dreg:$0x3] =	wrdreg $0x37D00  }
0xb0: {  	[dreg:$0x4] =	wrdreg $0x9  }
0xb1: {  	_ =	task.clear_ibuf [dreg:s6], $0x5FFFF;
	_ =	strace $0x90000046  }
0xb2: {  	s29 =	simm.s32 $0x9;
	_ =	strace $0x80000048  }
0xb3: {  	_ =	swait.ge [sflag:s29], $0x1  }
0xb4: {  	[sflag:s29] =	ssyncadd.s32 $0xFFFFFFFF  }
0xb5: {  	_ =	strace $0x90000048  }
0xb6: {  	_ =	sfence  }
0xb7: {  	s30 =	sld [smem:$0x0];
	_ =	sdelay $0x2  }
0xb8: {  	s31 =	sshll.u32 s1, $0xD;
	s1 =	sshrl.u32 s1, $0x2  }
0xb9: {  	s3 =	sand.u32 $0x4000, s31;
	s1 =	sadd.s32 s1, s30  }
0xba: {  	s0 =	sor.u32 s3, s0;
	s1 =	sshll.u32 s1, $0x11  }
0xbb: {  	s0 =	sor.u32 s1, s0  }
0xbc: {  	s0 =	sadd.s32 $0x8F2B, s0  }
0xbd: {  	[sflag:s0] =	ssyncadd.remote.s32 $0x1  }
0xbe: {  	_ =	sfence.sel $0xFFFF  }
0xbf: {  	[dreg:$0x0] =	wrdreg $0xFFFFFFFF;
	(pc) =	sbr.abs _section_cstart, $3  }
0xc0: {  	[dreg:$0x1] =	wrdreg $0xFFFFFFFF  }
0xc1: {  	_ =	task.clear_ibuf [dreg:s6], $0x2FFFF;
	_ =	strace $0x9FFFFFFF  }
0xc2: {  	(tm) =	ssettm $0x7FFFFFFF  }
0xc3: {  	_ =	shalt  }
tec
execute0_lowered:
.L_overlay_start_1:
0x0: {  	(tag) =	ssettag $0x1  }
0x1: {  	s0 =	srdreg.scid;
	s4 =	rddreg [dreg:$0x0]  }
0x2: {  	s2 =	rddreg [dreg:$0x1];
	s1 =	stileid.u32;
	s3 =	simm.s32 $0x0  }
0x3: {  	s15 =	simm.s32 $0x2;
	s16 =	simm.s32 $0x7D;
	s17 =	simm.s32 $0x2800  }
0x4: {  	s5 =	sand.u32 $0x1, s0;
	s0 =	rddreg [dreg:$0x2];
	s8 =	smul.u32 $0xA000, s1  }
0x5: {  	s18 =	simm.s32 $0x1;
	[smem:$0x7FF] =	sst s3;
	s9 =	smul.u32 $0x2800, s1  }
0x6: {  	s11 =	sadd.s32 $0xE000, s4;
	s19 =	sadd.s32 $0x25800, s2;
	p0 =	seq.s32 s1, $0xF  }
0x7: {  	s6 =	sshll.u32 s5, $0x4;
	_ =	strace $0x80000047;
	s7 =	ssub.s32 $0x2, s5  }
0x8: {  	s12 =	smul.u32 $0x27100, s5;
	s19 =	sshrl.u32 @p0 s19, $0x3;
	s6 =	sor.u32 s1, s6  }
0x9: {  	s30 =	sshrl.u32 s7, $0x1;
	s31 =	sshrl.u32 s8, $0x2;
	s6 =	smul.u32 $0x500, s6  }
0xa: {  	s13 =	ssub.s32 s7, s30;
	s8 =	sadd.s32 s31, s2;
	s14 =	sadd.s32 s9, s12  }
0xb: {  	s12 =	sshrl.u32 s12, $0x3;
	s5 =	sadd.s32 $0x800, s8;
	s7 =	sadd.s32 $0x1800, s8  }
0xc: {  	s14 =	sshrl.u32 s14, $0x3;
	s12 =	sadd.s32 s11, s12;
	s13 =	smax.u32 s13, $0x1  }
0xd: {  	s10 =	sadd.s32 s6, s4;
	s4 =	sadd.s32 s9, s2;
	s6 =	sadd.s32 $0x1000, s8  }
0xe: {  	s8 =	sadd.s32 $0x2000, s8;
	s9 =	sadd.s32 $0x27000, s2;
	s11 =	sadd.s32 s11, s14  }
0xf: {  	v0 =	vimm.f32 $1.000000000e+00;
	v1 =	vimm.f32 $0.0e+00;
	s12 =	sadd.s32 $0x4B00, s12;
	s14 =	simm.s32 $0x2FD0;
	s10 =	sadd.s32 $0x4000, s10  }
.LBB2_1:
0x10: {  	s20 =	simm.s32 $0x0  }
.LBB2_2:
0x11: {  	p1 =	sne.s32 s20, $0x1F00  }
.Ltmp0:
0x12: {  	_ = 	snop;
	(pc) =	sbr.rel @p1 .LBB2_2-.Ltmp0, $3  }
0x13: {  	_ =	sdelay $0x1  }
0x14: {  	s21 =	sshra.s32 s20, $0x2  }
0x15: {  	s20 =	sadd.s32 $0x40, s20;
	[tilespmem:s21+$0x2800] =	vst v0  }
0x16: {  	s20 =	simm.s32 $0x40;
	s21 =	simm.s32 $0x0  }
.LBB2_4:
0x17: {  	p1 =	sne.s32 s20, $0x1FC0;
	[tilespmem:s21+$0x2FD0] =	vst v1;
	s21 =	smov.u32 s20;
	s20 =	sadd.s32 $0x40, s20  }
.Ltmp1:
0x18: {  	(pc) =	sbr.rel @p1 .LBB2_4-.Ltmp1, $2  }
0x19: {  	_ =	sdelay $0x2  }
0x1a: {  	s21 =	sshra.s32 s21, $0x2  }
0x1b: {  	[tilespmem:s21+$0x2FD0] =	vst v1  }
0x1c: {  	[spmem:s4] =	stream.linear.scatter [tilespmem:s14], [sflag:$0x2], $0x800, $0x38;
	[tilespmem:$0x5EE0] =	vst v63  }
0x1d: {  	_ =	swait.ge [sflag:s15], $0x800  }
0x1e: {  	[sflag:s15] =	ssyncset.done $0x0  }
0x1f: {  	[sflag:s15] =	ssyncadd.s32 $0xFFFFF800  }
0x20: {  	[spmem:s5] =	stream.linear.scatter [tilespmem:s14], [sflag:$0x2], $0x800, $0x38;
	[tilespmem:$0x5EE0] =	vst v63  }
0x21: {  	_ =	swait.ge [sflag:s15], $0x800  }
0x22: {  	[sflag:s15] =	ssyncset.done $0x0  }
0x23: {  	[sflag:s15] =	ssyncadd.s32 $0xFFFFF800  }
0x24: {  	[spmem:s6] =	stream.linear.scatter [tilespmem:s14], [sflag:$0x2], $0x800, $0x38;
	[tilespmem:$0x5EE0] =	vst v63  }
0x25: {  	_ =	swait.ge [sflag:s15], $0x800  }
0x26: {  	[sflag:s15] =	ssyncset.done $0x0  }
0x27: {  	s20 =	simm.s32 @p0 $0x2FD0;
	[sflag:s15] =	ssyncadd.s32 $0xFFFFF800  }
0x28: {  	[spmem:s9] =	stream.linear.scatter @p0 [tilespmem:s20], [sflag:$0x2], $0x100, $0x38;
	[tilespmem:$0x5EE0] =	vst v63  }
0x29: {  	s20 =	simm.s32 @p0 $0x2  }
0x2a: {  	_ =	swait.ge @p0 [sflag:s20], $0x100  }
0x2b: {  	[sflag:s20] =	ssyncset.done @p0 $0x0  }
0x2c: {  	s21 =	simm.s32 @!p0 $0x2;
	[sflag:s20] =	ssyncadd.s32 @p0 $0xFFFFFF00;
	s20 =	simm.s32 @!p0 $0x2FD0  }
0x2d: {  	[spmem:s7] =	stream.linear.scatter @!p0 [tilespmem:s20], [sflag:$0x2], $0x800, $0x38;
	[tilespmem:$0x5EE0] =	vst v63  }
0x2e: {  	_ =	swait.ge @!p0 [sflag:s21], $0x800  }
0x2f: {  	[sflag:s21] =	ssyncset.done @!p0 $0x0  }
0x30: {  	[sflag:s21] =	ssyncadd.s32 @!p0 $0xFFFFF800  }
0x31: {  	[spmem:s8] =	stream.linear.scatter @!p0 [tilespmem:s20], [sflag:$0x2], $0x800, $0x38;
	[tilespmem:$0x5EE0] =	vst v63  }
0x32: {  	_ =	swait.ge @!p0 [sflag:s21], $0x800  }
0x33: {  	[sflag:s21] =	ssyncset.done @!p0 $0x0  }
0x34: {  	s20 =	simm.s32 $0x0;
	[sflag:s21] =	ssyncadd.s32 @!p0 $0xFFFFF800  }
0x35: {  	[tilespmem:s20], [sflag:$0x2] =	stream.linear.gather [hbm4b:s10+s20], $0x2800, $0x38;
	[tilespmem:$0x5EE0] =	vst v63  }
0x36: {  	_ =	swait.ge [sflag:s15], $0x2800  }
0x37: {  	[sflag:s15] =	ssyncset.done $0x0  }
0x38: {  	p1 =	por $0x1, $0x1;
	[sflag:s15] =	ssyncadd.s32 $0xFFFFD800  }
0x39: {  	s22 =	simm.s32 @!p1 $0x1;
	[bflag:$0x0] =	sbarrier.arrive $0xFFFF  }
0x3a: {  	[spmem:s2] =	stream.indirect.scatter.add.f32 [tilespmem:s17], [sflag:$0x1], $0x10, s20, s16, $0xb8;
	[tilespmem:$0x5EE0] =	vst v63  }
0x3b: {  	_ =	swait.ge @!p1 [sflag:s22], $0x7D0  }
0x3c: {  	s21 =	simm.s32 $0x1;
	[sflag:s22] =	ssyncset.done @!p1 $0x0  }
.LBB2_6:
0x3d: {  	[sflag:s22] =	ssyncadd.s32 @!p1 $0xFFFFF830  }
0x3e: {  	s20 =	sadd.s32 $0x80, s20;
	s22 =	smov.u32 s21;
	s21 =	sadd.s32 $0x1, s21  }
0x3f: {  	p2 =	sne.s32 s21, $0x50  }
0x40: {  	[spmem:s2] =	stream.indirect.scatter.add.f32 [tilespmem:s17], [sflag:$0x1], $0x10, s20, s16, $0xb8;
	[tilespmem:$0x5EE0] =	vst v63  }
.Ltmp2:
0x41: {  	_ = 	snop;
	(pc) =	sbr.rel @p2 .LBB2_6-.Ltmp2, $4  }
0x42: {  	p1 =	slt.u32 s22, $0x8  }
0x43: {  	s22 =	simm.s32 @!p1 $0x1  }
0x44: {  	_ =	swait.ge @!p1 [sflag:s22], $0x7D0  }
0x45: {  	[sflag:s22] =	ssyncset.done @!p1 $0x0  }
0x46: {  	[sflag:s22] =	ssyncadd.s32 @!p1 $0xFFFFF830  }
0x47: {  	_ =	swait.ge [sflag:s18], $0x7D0  }
0x48: {  	[sflag:s18] =	ssyncset.done $0x0  }
0x49: {  	[sflag:s18] =	ssyncadd.s32 $0xFFFFF830  }
0x4a: {  	_ =	swait.ge [sflag:s18], $0x7D0  }
0x4b: {  	[sflag:s18] =	ssyncset.done $0x0  }
0x4c: {  	[sflag:s18] =	ssyncadd.s32 $0xFFFFF830  }
0x4d: {  	_ =	swait.ge [sflag:s18], $0x7D0  }
0x4e: {  	[sflag:s18] =	ssyncset.done $0x0  }
0x4f: {  	[sflag:s18] =	ssyncadd.s32 $0xFFFFF830  }
0x50: {  	_ =	swait.ge [sflag:s18], $0x7D0  }
0x51: {  	[sflag:s18] =	ssyncset.done $0x0  }
0x52: {  	[sflag:s18] =	ssyncadd.s32 $0xFFFFF830  }
0x53: {  	_ =	swait.ge [sflag:s18], $0x7D0  }
0x54: {  	[sflag:s18] =	ssyncset.done $0x0  }
0x55: {  	[sflag:s18] =	ssyncadd.s32 $0xFFFFF830  }
0x56: {  	_ =	swait.ge [sflag:s18], $0x7D0  }
0x57: {  	[sflag:s18] =	ssyncset.done $0x0  }
0x58: {  	[sflag:s18] =	ssyncadd.s32 $0xFFFFF830  }
0x59: {  	_ =	swait.ge [sflag:s18], $0x7D0  }
0x5a: {  	[sflag:s18] =	ssyncset.done $0x0  }
0x5b: {  	[sflag:s18] =	ssyncadd.s32 $0xFFFFF830  }
0x5c: {  	_ =	swait.ge [sflag:s18], $0x7D0  }
0x5d: {  	[sflag:s18] =	ssyncset.done $0x0  }
0x5e: {  	[sflag:s18] =	ssyncadd.s32 $0xFFFFF830  }
0x5f: {  	s20 =	simm.s32 @p0 $0x1FC2;
	[bflag:$0x0] =	sbarrier.arrive $0xFFFF  }
0x60: {  	[hbm:s12], [sflag:s20] =	dma.local @p0 [spmem:s19], $0x320  }
0x61: {  	s20 =	simm.s32 @p0 $0x2  }
0x62: {  	s3 =	sadd.s32 $0x1, s3;
	_ =	swait.ge @p0 [sflag:s20], $0x320  }
0x63: {  	s21 =	sshll.u32 @!p0 s1, $0x6;
	p1 =	sne.s32 s3, s13;
	[sflag:s20] =	ssyncset.done @p0 $0x0  }
0x64: {  	[sflag:s20] =	ssyncadd.s32 @p0 $0xFFFFFCE0;
	s20 =	sor.u32 @!p0 $0x1C02, s21;
	s21 =	sshrl.u32 @!p0 s4, $0x3  }
0x65: {  	[hbm:s11], [sflag:s20] =	dma.local @!p0 [spmem:s21], $0x500  }
.Ltmp3:
0x66: {  	_ = 	snop;
	(pc) =	sbr.rel @p1 .LBB2_1-.Ltmp3, $4  }
0x67: {  	s20 =	simm.s32 @!p0 $0x2  }
0x68: {  	_ =	swait.ge @!p0 [sflag:s20], $0x500  }
0x69: {  	[sflag:s20] =	ssyncset.done @!p0 $0x0  }
0x6a: {  	[sflag:s20] =	ssyncadd.s32 @!p0 $0xFFFFFB00  }
0x6b: {  	_ =	sfence.sel $0x180000  }
0x6c: {  	[bflag:$0x0] =	sbarrier.arrive $0xFFFF  }
0x6d: {  	p0 =	sne.s32 s1, $0x0;
	_ =	strace $0x90000047  }
0x6e: {  	s0 =	sadd.s32 @!p0 $0x100000, s0;
	[bflag:$0x2] =	sbarrier.arrive $0xFFFF  }
0x6f: {  	[sflag:s0] =	ssyncadd.tile.s32 @!p0 $0x1;
	_ =	shalt  }
.Lfunc_end2:
_tile_overlayer_lowered:
.L_overlay_start_2:
0x70: {  	(tag) =	ssettag $0x2  }
0x71: {  	s0 =	rddreg [dreg:$0x0];
	s2 =	stileid.u32  }
0x72: {  	s1 =	rddreg [dreg:$0x1];
	p0 =	sne.s32 s2, $0x0  }
0x73: {  	s3 =	rddreg [dreg:$0x2];
	[bflag:$0x3] =	sbarrier.arrive $0xFFFF;
	s2 =	simm.s32 @!p0 $0x1C02  }
0x74: {  	[timem:s3], [sflag:s2] =	dma.local @!p0 [hbm:s0], s1  }
0x75: {  	s0 =	simm.s32 @!p0 $0x2  }
0x76: {  	_ =	swait.ge @!p0 [sflag:s0], s1  }
0x77: {  	s1 =	ssub.s32 @!p0 $0x0, s1;
	[sflag:s0] =	ssyncset.done @!p0 $0x0  }
0x78: {  	[sflag:s0] =	ssyncadd.s32 @!p0 s1  }
0x79: {  	[bflag:$0x3] =	sbarrier.arrive $0xFFFF  }
0x7a: {  	_ =	shalt  }

// kernel: sc_mp_round.4.cloned.1.call-start
scs
__scs_entry_jumppad:
0x0: {  	(pc) =	sbr.rel $0x88, $3  }
0x1: {  	(tag) =	ssettag $0x0;
	lr =	simm.s32 $0x1  }
0x2: {  	[smem:$0x3F92] =	sst lr;
	_ =	strace $0xD0000000  }
0x3: {  	_ = 	snop  }
0x4: {  	_ = 	snop  }
0x5: {  	_ = 	snop  }
0x6: {  	_ = 	snop  }
0x7: {  	_ = 	snop  }
__scs_overlays_trampoline_lowered:
0x8: {  	[smem:$0x3FA1] =	sst s0  }
0x9: {  	[smem:$0x3FA2] =	sst s1  }
0xa: {  	[smem:$0x3FA3] =	sst s2  }
0xb: {  	[smem:$0x3FA4] =	sst s3  }
0xc: {  	[smem:$0x3FA5] =	sst s4  }
0xd: {  	[smem:$0x3FA6] =	sst s5  }
0xe: {  	[smem:$0x3FA7] =	sst s6  }
0xf: {  	[smem:$0x3FA8] =	sst s7  }
0x10: {  	[smem:$0x3FA9] =	sst s8  }
0x11: {  	[smem:$0x3FAA] =	sst s9;
	s0 =	simm.s32 @!p0 $0x0  }
0x12: {  	s1 =	sld [smem:$0x3F90];
	s0 =	simm.s32 @p0 $0x1  }
0x13: {  	[smem:$0x3FAB] =	sst s0;
	s0 =	simm.s32 @!p1 $0x0  }
0x14: {  	s2 =	sld [smem:$0x3F8F];
	s0 =	simm.s32 @p1 $0x1  }
0x15: {  	[smem:$0x3FAC] =	sst s0;
	s0 =	simm.s32 @!p2 $0x0  }
0x16: {  	s3 =	sld [smem:$0x3FDB];
	s0 =	simm.s32 @p2 $0x1  }
0x17: {  	s4 =	simm.s32 $0x1BF5;
	[smem:$0x3FAE] =	sst s0  }
0x18: {  	s0 =	sld [smem:$0x3F91];
	_ =	swait.ge [sflag:s4], $0x0  }
0x19: {  	s7 =	sld [smem:$0x3F92]  }
0x1a: {  	s8 =	sadd.s32 $0xFFFFE003, lr  }
0x1b: {  	s9 =	sadd.s32 $0xFFFFFEF7, lr;
	s5 =	simm.s32 $0xFFFFFFFF;
	p2 =	slt.u32 s8, $0xFFFFF086  }
0x1c: {  	p1 =	slt.u32 s9, $0xF7A;
	s5 =	simm.s32 @!p2 $0x0  }
0x1d: {  	s5 =	simm.s32 @p1 $0x1;
	p0 =	seq.s32 s7, s2  }
0x1e: {  	s7 =	smul.u32 @!p0 $0xF7A, s2;
	p2 =	seq.s32 @!p0 s5, $0x0  }
0x1f: {  	s9 =	smul.u32 $0xF7A, s1;
	s8 =	simm.s32 @!p0 $0x1BF5;
	p2 =	por !p2, p0  }
0x20: {  	[sflag:s8] =	ssyncset.s32 @!p0 $0xFFFFF086;
	s6 =	sadd.s32 @!p0 s3, s7;
	s7 =	simm.s32 @!p0 $0x108  }
0x21: {  	s3 =	sadd.s32 s3, s9;
	s6 =	sadd.s32 @!p0 $0x88, s6;
	s7 =	simm.s32 @p2 $0x1082  }
0x22: {  	[simem:s7], [sflag:s8] =	dma.local @!p0 [hbm:s6], $0xF7A  }
0x23: {  	s9 =	sor.u32 $0xD0000000, s2;
	s6 =	simm.s32 $0x108;
	_ =	swait.ge @!p0 [sflag:s8], $0x0  }
0x24: {  	s3 =	sadd.s32 $0x88, s3;
	s6 =	simm.s32 @!p1 $0x1082;
	[sflag:s4] =	ssyncset.s32 $0xFFFFF086  }
0x25: {  	[simem:s6], [sflag:s4] =	dma.local [hbm:s3], $0xF7A  }
0x26: {  	[smem:$0x3F92] =	sst s1;
	(tag) =	ssettag s2;
	_ =	strace s9  }
0x27: {  	s1 =	sld [smem:$0x3FA2]  }
0x28: {  	s2 =	sld [smem:$0x3FA3]  }
0x29: {  	s4 =	sld [smem:$0x3FA5]  }
0x2a: {  	p0 =	seq.s32 s5, $0x0;
	s5 =	sld [smem:$0x3FA6]  }
0x2b: {  	s6 =	sld [smem:$0x3FA7]  }
0x2c: {  	s7 =	sld [smem:$0x3FA8]  }
0x2d: {  	s3 =	simm.s32 $0x108;
	s8 =	sld [smem:$0x3FA9]  }
0x2e: {  	s3 =	simm.s32 @!p0 $0x1082;
	s9 =	sld [smem:$0x3FAA]  }
0x2f: {  	lr =	sadd.s32 s0, s3;
	s0 =	sld [smem:$0x3FA1]  }
0x30: {  	s3 =	sld [smem:$0x3FA4]  }
0x31: {  	[smem:$0x3FAD] =	sst s10  }
0x32: {  	s10 =	sld [smem:$0x3FAB];
	_ =	sdelay $0x3  }
0x33: {  	p0 =	seq.s32 s10, $0x1;
	s10 =	sld [smem:$0x3FAD];
	_ =	sdelay $0x3  }
0x34: {  	[smem:$0x3FAD] =	sst s10  }
0x35: {  	s10 =	sld [smem:$0x3FAC];
	_ =	sdelay $0x3  }
0x36: {  	p1 =	seq.s32 s10, $0x1;
	s10 =	sld [smem:$0x3FAD];
	_ =	sdelay $0x3  }
0x37: {  	[smem:$0x3FAD] =	sst s10  }
0x38: {  	s10 =	sld [smem:$0x3FAE]  }
0x39: {  	_ = 	snop;
	(pc) =	sbr.ind lr, $3  }
0x3a: {  	_ = 	snop  }
0x3b: {  	_ = 	snop  }
0x3c: {  	p2 =	seq.s32 s10, $0x1;
	s10 =	sld [smem:$0x3FAD]  }
0x3d: {  	_ =	shalt  }
0x3e: {  	_ =	shalt  }
0x3f: {  	_ =	shalt  }
0x40: {  	_ =	shalt  }
0x41: {  	_ =	shalt  }
0x42: {  	_ =	shalt  }
0x43: {  	_ =	shalt  }
0x44: {  	_ =	shalt  }
0x45: {  	_ =	shalt  }
0x46: {  	_ =	shalt  }
0x47: {  	_ =	shalt  }
0x48: {  	_ =	shalt  }
0x49: {  	_ =	shalt  }
0x4a: {  	_ =	shalt  }
0x4b: {  	_ =	shalt  }
0x4c: {  	_ =	shalt  }
0x4d: {  	_ =	shalt  }
0x4e: {  	_ =	shalt  }
0x4f: {  	_ =	shalt  }
0x50: {  	_ =	shalt  }
0x51: {  	_ =	shalt  }
0x52: {  	_ =	shalt  }
0x53: {  	_ =	shalt  }
0x54: {  	_ =	shalt  }
0x55: {  	_ =	shalt  }
0x56: {  	_ =	shalt  }
0x57: {  	_ =	shalt  }
0x58: {  	_ =	shalt  }
0x59: {  	_ =	shalt  }
0x5a: {  	_ =	shalt  }
0x5b: {  	_ =	shalt  }
0x5c: {  	_ =	shalt  }
0x5d: {  	_ =	shalt  }
0x5e: {  	_ =	shalt  }
0x5f: {  	_ =	shalt  }
0x60: {  	_ =	shalt  }
0x61: {  	_ =	shalt  }
0x62: {  	_ =	shalt  }
0x63: {  	_ =	shalt  }
0x64: {  	_ =	shalt  }
0x65: {  	_ =	shalt  }
0x66: {  	_ =	shalt  }
0x67: {  	_ =	shalt  }
0x68: {  	_ =	shalt  }
0x69: {  	_ =	shalt  }
0x6a: {  	_ =	shalt  }
0x6b: {  	_ =	shalt  }
0x6c: {  	_ =	shalt  }
0x6d: {  	_ =	shalt  }
0x6e: {  	_ =	shalt  }
0x6f: {  	_ =	shalt  }
0x70: {  	_ =	shalt  }
0x71: {  	_ =	shalt  }
0x72: {  	_ =	shalt  }
0x73: {  	_ =	shalt  }
0x74: {  	_ =	shalt  }
0x75: {  	_ =	shalt  }
0x76: {  	_ =	shalt  }
0x77: {  	_ =	shalt  }
0x78: {  	_ =	shalt  }
0x79: {  	_ =	shalt  }
0x7a: {  	_ =	shalt  }
0x7b: {  	_ =	shalt  }
0x7c: {  	_ =	shalt  }
0x7d: {  	_ =	shalt  }
0x7e: {  	_ =	shalt  }
0x7f: {  	_ =	shalt  }
0x80: {  	_ =	shalt  }
0x81: {  	_ =	shalt  }
0x82: {  	_ =	shalt  }
0x83: {  	_ =	shalt  }
0x84: {  	_ =	shalt  }
0x85: {  	_ =	shalt  }
0x86: {  	_ =	shalt  }
0x87: {  	_ =	shalt  }
.Lfunc_end0:
.L_simem_size_0:
called_computation.1_lowered:
.L_overlay_start_0:
0x88: {  	s2 =	sld [smem:$0x3FD9]  }
0x89: {  	s3 =	sld [smem:$0x3FFE];
	_ =	sdelay $0x1  }
0x8a: {  	s1 =	srdreg.scid  }
0x8b: {  	s0 =	sand.u32 $0x1, s1  }
0x8c: {  	s16 =	sshll.u32 s0, $0xA;
	s2 =	sadd.s32 s3, s2  }
0x8d: {  	s2 =	sadd.s32 s2, s16  }
0x8e: {  	[smem:$0x3FB9] =	sst s2  }
0x8f: {  	_ = 	snop  }
0x90: {  	(tm) =	ssettm $0x1  }
0x91: {  	s17 =	sld [smem:$0x3FFB];
	_ =	sdelay $0x3  }
0x92: {  	_ =	strace s17  }
0x93: {  	s2 =	sld [smem:$0x3FFC];
	_ =	sdelay $0x3  }
0x94: {  	_ =	strace s2  }
0x95: {  	s2 =	sld [smem:$0x3FFD];
	_ =	sdelay $0x3  }
0x96: {  	_ =	strace s2  }
0x97: {  	_ =	strace $0x8FFFFFFF  }
0x98: {  	s18 =	sld [smem:$0x3FDB];
	_ =	sdelay $0x1  }
0x99: {  	s19 =	simm.s32 $_scs_section_size  }
0x9a: {  	s4 =	simm.s32 $_size__tile_overlayer_lowered;
	s5 =	simm.s32 $_tile_overlayer_lowered  }
0x9b: {  	s22 =	simm.s32 $0x1BFF;
	s21 =	sshll.u32 s5, $0x1;
	s2 =	sadd.s32 s19, s18  }
0x9c: {  	s6 =	simm.s32 $0x0;
	s20 =	sshll.u32 s4, $0x1;
	s4 =	sadd.s32 s21, s2  }
0x9d: {  	[timem:s6], [sflag:s22] =	dma.local [hbm:s4], s20  }
0x9e: {  	_ =	swait.ge [sflag:s22], s20  }
0x9f: {  	s3 =	ssub.s32 $0x0, s20;
	[sflag:s22] =	ssyncset.done $0x0  }
0xa0: {  	[sflag:s22] =	ssyncadd.s32 s3;
	_ =	sdelay $0x1  }
0xa1: {  	s23 =	simm.s32 $0x1B8B  }
0xa2: {  	_ =	swait.ge [sflag:s23], $0x1  }
0xa3: {  	[sflag:s23] =	ssyncset.done $0x0  }
0xa4: {  	s25 =	simm.s32 $0x1B8E;
	s24 =	sld [smem:$0x3FFE];
	[sflag:s23] =	ssyncadd.s32 $0xFFFFFFFF  }
0xa5: {  	s26 =	simm.s32 $execute0_lowered;
	[smem:$0x3FD2] =	sst s25  }
0xa6: {  	s4 =	sshll.u32 s26, $0x1;
	_ =	strace $0x80000049;
	[dreg:$0x1] =	wrdreg $0xFFFFFFFF  }
0xa7: {  	s28 =	simm.s32 $_size_execute0_lowered;
	s2 =	sadd.s32 s2, s4;
	[dreg:$0x0] =	wrdreg $0x0  }
0xa8: {  	s4 =	sshll.u32 s28, $0x1;
	[dreg:$0x2] =	wrdreg s2  }
0xa9: {  	[dreg:$0x3] =	wrdreg s4  }
0xaa: {  	[dreg:$0x4] =	wrdreg $0xC0  }
0xab: {  	_ =	task [dreg:s6], $0x5FFFF  }
0xac: {  	[dreg:$0x1] =	wrdreg $0xFFFFFFFF  }
0xad: {  	[dreg:$0x0] =	wrdreg $0x60  }
0xae: {  	[dreg:$0x2] =	wrdreg s24  }
0xaf: {  	[dreg:$0x3] =	wrdreg $0xFE800  }
0xb0: {  	[dreg:$0x4] =	wrdreg $0x9  }
0xb1: {  	_ =	task.clear_ibuf [dreg:s6], $0x5FFFF;
	_ =	strace $0x90000049  }
0xb2: {  	s29 =	simm.s32 $0x9;
	_ =	strace $0x8000004B  }
0xb3: {  	_ =	swait.ge [sflag:s29], $0x1  }
0xb4: {  	[sflag:s29] =	ssyncadd.s32 $0xFFFFFFFF  }
0xb5: {  	_ =	strace $0x9000004B  }
0xb6: {  	_ =	sfence  }
0xb7: {  	s30 =	sld [smem:$0x0];
	_ =	sdelay $0x2  }
0xb8: {  	s31 =	sshll.u32 s1, $0xD;
	s1 =	sshrl.u32 s1, $0x2  }
0xb9: {  	s3 =	sand.u32 $0x4000, s31;
	s1 =	sadd.s32 s1, s30  }
0xba: {  	s0 =	sor.u32 s3, s0;
	s1 =	sshll.u32 s1, $0x11  }
0xbb: {  	s0 =	sor.u32 s1, s0  }
0xbc: {  	s0 =	sadd.s32 $0x8F2B, s0  }
0xbd: {  	[sflag:s0] =	ssyncadd.remote.s32 $0x1  }
0xbe: {  	_ =	sfence.sel $0xFFFF  }
0xbf: {  	[dreg:$0x0] =	wrdreg $0xFFFFFFFF;
	(pc) =	sbr.abs _section_cstart, $3  }
0xc0: {  	[dreg:$0x1] =	wrdreg $0xFFFFFFFF  }
0xc1: {  	_ =	task.clear_ibuf [dreg:s6], $0x2FFFF;
	_ =	strace $0x9FFFFFFF  }
0xc2: {  	(tm) =	ssettm $0x7FFFFFFF  }
0xc3: {  	_ =	shalt  }
tec
execute0_lowered:
.L_overlay_start_1:
0x0: {  	(tag) =	ssettag $0x1  }
0x1: {  	s0 =	rddreg [dreg:$0x0];
	s1 =	srdreg.scid  }
0x2: {  	s2 =	rddreg [dreg:$0x1];
	s16 =	stileid.u32;
	s3 =	simm.s32 $0x0  }
0x3: {  	s17 =	simm.s32 $0x5;
	s18 =	simm.s32 $0x5000;
	s19 =	simm.s32 $0x7D  }
0x4: {  	s20 =	simm.s32 $0xA000;
	s21 =	simm.s32 $0x1;
	s28 =	simm.s32 $0x100  }
0x5: {  	s29 =	simm.s32 $0x5080;
	s30 =	simm.s32 $0x4;
	s4 =	smul.u32 $0xA00, s16  }
0x6: {  	s31 =	simm.s32 $0x0;
	s1 =	sand.u32 $0x1, s1;
	s5 =	smul.u32 $0x28000, s16  }
0x7: {  	[smem:$0x7FF] =	sst s3;
	s15 =	smul.u32 $0xA000, s16;
	s9 =	sadd.s32 $0x9C000, s2  }
0x8: {  	p0 =	seq.s32 s16, $0xF;
	s16 =	simm.s32 $0xDE80;
	s11 =	smul.u32 $0x9C400, s1  }
0x9: {  	_ =	strace $0x8000004A;
	s1 =	ssub.s32 $0x2, s1;
	s14 =	sadd.s32 s4, s0  }
0xa: {  	s23 =	sshrl.u32 s5, $0x2;
	s24 =	sshrl.u32 s1, $0x1;
	s4 =	sadd.s32 s15, s2  }
0xb: {  	s12 =	sshrl.u32 s11, $0x3;
	s8 =	sadd.s32 s23, s2;
	s1 =	ssub.s32 s1, s24  }
0xc: {  	s10 =	sadd.s32 $0x17E00, s14;
	s15 =	sadd.s32 s15, s11;
	s11 =	sadd.s32 $0x4000, s14  }
0xd: {  	s23 =	simm.s32 $0xBF40;
	s24 =	simm.s32 $0x2;
	s13 =	sadd.s32 s12, s0  }
.Ltmp0:
0xe: {  	s0 =	sadd.s32 $0x49000, s0;
	s5 =	sadd.s32 $0x2000, s8;
	(pc) =	sbr.rel .LBB2_1-.Ltmp0, $4  }
0xf: {  	s6 =	sadd.s32 $0x4000, s8;
	s7 =	sadd.s32 $0x6000, s8;
	s8 =	sadd.s32 $0x8000, s8  }
0x10: {  	s25 =	sshrl.u32 s15, $0x3;
	s15 =	smax.u32 s1, $0x1;
	s26 =	sadd.s32 s0, s12  }
0x11: {  	s12 =	sadd.s32 $0x21E00, s13;
	s13 =	sadd.s32 s0, s25;
	s0 =	sadd.s32 $0x96000, s2  }
0x12: {  	v0 =	vimm.f32 $0.0e+00;
	s14 =	sadd.s32 $0x12C00, s26;
	s25 =	sshrl.u32 @p0 s0, $0x3;
	s26 =	simm.s32 $0x3  }
.LBB2_6:
0x13: {  	[spmem:s2] =	stream.indirect.scatter.add.f32 [tilespmem:s23], [sflag:$0x4], $0x40, s22, s19, $0xb8;
	[tilespmem:$0x19AC0] =	vst v63  }
0x14: {  	_ =	swait.ge [sflag:s30], $0x1F40  }
0x15: {  	[sflag:s30] =	ssyncset.done $0x0  }
0x16: {  	[sflag:s30] =	ssyncadd.s32 $0xFFFFE0C0  }
0x17: {  	s0 =	simm.s32 @p0 $0x1FC5;
	[bflag:$0x0] =	sbarrier.arrive $0xFFFF  }
0x18: {  	[hbm:s14], [sflag:s0] =	dma.local @p0 [spmem:s25], $0xC80  }
0x19: {  	s0 =	simm.s32 @p0 $0x5  }
0x1a: {  	s1 =	stileid.u32;
	s31 =	sadd.s32 $0x1, s31;
	_ =	swait.ge @p0 [sflag:s0], $0xC80  }
0x1b: {  	s1 =	sshll.u32 @!p0 s1, $0x6;
	p1 =	sne.s32 s31, s15;
	[sflag:s0] =	ssyncset.done @p0 $0x0  }
0x1c: {  	[sflag:s0] =	ssyncadd.s32 @p0 $0xFFFFF380;
	s0 =	sor.u32 @!p0 $0x1C05, s1;
	s1 =	sshrl.u32 @!p0 s4, $0x3  }
0x1d: {  	[hbm:s13], [sflag:s0] =	dma.local @!p0 [spmem:s1], $0x1400  }
.Ltmp1:
0x1e: {  	_ = 	snop;
	(pc) =	sbr.rel @!p1 .LBB2_7-.Ltmp1, $4  }
0x1f: {  	s0 =	simm.s32 @!p0 $0x5  }
0x20: {  	_ =	swait.ge @!p0 [sflag:s0], $0x1400  }
0x21: {  	[sflag:s0] =	ssyncset.done @!p0 $0x0  }
0x22: {  	[sflag:s0] =	ssyncadd.s32 @!p0 $0xFFFFEC00  }
.LBB2_1:
0x23: {  	s1 =	simm.s32 $0x100;
	s0 =	simm.s32 $0x0  }
.LBB2_2:
0x24: {  	p1 =	sne.s32 s1, $0x7F00;
	[tilespmem:s0+$0xDEB0] =	vst v0;
	s22 =	smov.u32 s1;
	s1 =	sadd.s32 $0x100, s1  }
.Ltmp2:
0x25: {  	[tilespmem:s0+$0xDEA0] =	vst v0;
	(pc) =	sbr.rel @p1 .LBB2_2-.Ltmp2, $3  }
0x26: {  	[tilespmem:s0+$0xDE80] =	vst v0  }
0x27: {  	[tilespmem:s0+$0xDE90] =	vst v0;
	_ =	sdelay $0x1  }
0x28: {  	s0 =	sshra.s32 s22, $0x2  }
0x29: {  	[tilespmem:s0+$0xDEB0] =	vst v0  }
0x2a: {  	[tilespmem:s0+$0xDEA0] =	vst v0  }
0x2b: {  	[tilespmem:s0+$0xDE80] =	vst v0  }
0x2c: {  	[tilespmem:s0+$0xDE90] =	vst v0  }
0x2d: {  	[spmem:s4] =	stream.linear.scatter [tilespmem:s16], [sflag:$0x5], $0x2000, $0x38;
	[tilespmem:$0x19AC0] =	vst v63  }
0x2e: {  	_ =	swait.ge [sflag:s17], $0x2000  }
0x2f: {  	[sflag:s17] =	ssyncset.done $0x0  }
0x30: {  	[sflag:s17] =	ssyncadd.s32 $0xFFFFE000  }
0x31: {  	[spmem:s5] =	stream.linear.scatter [tilespmem:s16], [sflag:$0x5], $0x2000, $0x38;
	[tilespmem:$0x19AC0] =	vst v63  }
0x32: {  	_ =	swait.ge [sflag:s17], $0x2000  }
0x33: {  	[sflag:s17] =	ssyncset.done $0x0  }
0x34: {  	[sflag:s17] =	ssyncadd.s32 $0xFFFFE000  }
0x35: {  	[spmem:s6] =	stream.linear.scatter [tilespmem:s16], [sflag:$0x5], $0x2000, $0x38;
	[tilespmem:$0x19AC0] =	vst v63  }
0x36: {  	_ =	swait.ge [sflag:s17], $0x2000  }
0x37: {  	[sflag:s17] =	ssyncset.done $0x0  }
0x38: {  	s0 =	simm.s32 @p0 $0xDE80;
	[sflag:s17] =	ssyncadd.s32 $0xFFFFE000  }
0x39: {  	[spmem:s9] =	stream.linear.scatter @p0 [tilespmem:s0], [sflag:$0x5], $0x400, $0x38;
	[tilespmem:$0x19AC0] =	vst v63  }
0x3a: {  	s0 =	simm.s32 @p0 $0x5  }
0x3b: {  	_ =	swait.ge @p0 [sflag:s0], $0x400  }
0x3c: {  	[sflag:s0] =	ssyncset.done @p0 $0x0  }
0x3d: {  	s1 =	simm.s32 @!p0 $0x5;
	[sflag:s0] =	ssyncadd.s32 @p0 $0xFFFFFC00;
	s0 =	simm.s32 @!p0 $0xDE80  }
0x3e: {  	[spmem:s7] =	stream.linear.scatter @!p0 [tilespmem:s0], [sflag:$0x5], $0x2000, $0x38;
	[tilespmem:$0x19AC0] =	vst v63  }
0x3f: {  	_ =	swait.ge @!p0 [sflag:s1], $0x2000  }
0x40: {  	[sflag:s1] =	ssyncset.done @!p0 $0x0  }
0x41: {  	[sflag:s1] =	ssyncadd.s32 @!p0 $0xFFFFE000  }
0x42: {  	[spmem:s8] =	stream.linear.scatter @!p0 [tilespmem:s0], [sflag:$0x5], $0x2000, $0x38;
	[tilespmem:$0x19AC0] =	vst v63  }
0x43: {  	_ =	swait.ge @!p0 [sflag:s1], $0x2000  }
0x44: {  	[sflag:s1] =	ssyncset.done @!p0 $0x0  }
0x45: {  	[sflag:s1] =	ssyncadd.s32 @!p0 $0xFFFFE000  }
0x46: {  	[tilespmem:s3], [sflag:$0x5] =	stream.linear.gather [hbm4b:s10+s3], $0x5000, $0x38;
	[tilespmem:$0x19AC0] =	vst v63  }
0x47: {  	_ =	swait.ge [sflag:s17], $0x5000  }
0x48: {  	[sflag:s17] =	ssyncset.done $0x0  }
0x49: {  	[sflag:s17] =	ssyncadd.s32 $0xFFFFB000  }
0x4a: {  	[tilespmem:s18], [sflag:$0x5] =	stream.linear.gather [hbm4b:s11+s3], $0x5000, $0x38;
	[tilespmem:$0x19AC0] =	vst v63  }
0x4b: {  	_ =	swait.ge [sflag:s17], $0x5000  }
0x4c: {  	[sflag:s17] =	ssyncset.done $0x0  }
0x4d: {  	[sflag:s17] =	ssyncadd.s32 $0xFFFFB000  }
0x4e: {  	[bflag:$0x0] =	sbarrier.arrive $0xFFFF  }
0x4f: {  	[tilespmem:s20], [sflag:$0x1] =	stream.indirect.gather [hbm4b:s12+s19], $0x40, s3, s19, $0xb8;
	[tilespmem:$0x19AC0] =	vst v63  }
0x50: {  	_ =	swait.ge [sflag:s21], $0x1F40  }
0x51: {  	[sflag:s21] =	ssyncset.done $0x0  }
0x52: {  	s22 =	simm.s32 $0x80;
	[sflag:s21] =	ssyncadd.s32 $0xFFFFE0C0  }
0x53: {  	[tilespmem:s23], [sflag:$0x2] =	stream.indirect.gather [hbm4b:s12+s19], $0x40, s22, s19, $0xb8;
	[tilespmem:$0x19AC0] =	vst v63  }
0x54: {  	_ = 	snop  }
0x55: {  	[spmem:s2] =	stream.indirect.scatter.add.f32 [tilespmem:s20], [sflag:$0x3], $0x40, s18, s19, $0xb8;
	[tilespmem:$0x19AC0] =	vst v63  }
0x56: {  	_ =	swait.ge [sflag:s24], $0x1F40  }
0x57: {  	[sflag:s24] =	ssyncset.done $0x0  }
0x58: {  	[sflag:s24] =	ssyncadd.s32 $0xFFFFE0C0  }
0x59: {  	_ =	swait.ge [sflag:s26], $0x1F40  }
0x5a: {  	[sflag:s26] =	ssyncset.done $0x0  }
0x5b: {  	[sflag:s26] =	ssyncadd.s32 $0xFFFFE0C0  }
0x5c: {  	[tilespmem:s20], [sflag:$0x1] =	stream.indirect.gather [hbm4b:s12+s19], $0x40, s28, s19, $0xb8;
	[tilespmem:$0x19AC0] =	vst v63  }
0x5d: {  	s0 =	simm.s32 $0xFFFEC800  }
0x5e: {  	[spmem:s2] =	stream.indirect.scatter.add.f32 [tilespmem:s23], [sflag:$0x4], $0x40, s29, s19, $0xb8;
	[tilespmem:$0x19AC0] =	vst v63  }
.LBB2_4:
0x5f: {  	_ =	swait.ge [sflag:s21], $0x1F40  }
0x60: {  	[sflag:s21] =	ssyncset.done $0x0  }
0x61: {  	[sflag:s21] =	ssyncadd.s32 $0xFFFFE0C0  }
0x62: {  	_ =	swait.ge [sflag:s30], $0x1F40  }
0x63: {  	s1 =	sshra.s32 s0, $0x2;
	[sflag:s30] =	ssyncset.done $0x0  }
0x64: {  	s22 =	sadd.s32 $0x4F80, s1;
	[sflag:s30] =	ssyncadd.s32 $0xFFFFE0C0  }
0x65: {  	[tilespmem:s23], [sflag:$0x2] =	stream.indirect.gather [hbm4b:s12+s19], $0x40, s22, s19, $0xb8;
	[tilespmem:$0x19AC0] =	vst v63  }
0x66: {  	s22 =	sadd.s32 $0x9F00, s1  }
0x67: {  	[spmem:s2] =	stream.indirect.scatter.add.f32 [tilespmem:s20], [sflag:$0x3], $0x40, s22, s19, $0xb8;
	[tilespmem:$0x19AC0] =	vst v63  }
0x68: {  	p1 =	seq.s32 s0, $0x0;
	_ =	swait.ge [sflag:s24], $0x1F40  }
.Ltmp3:
0x69: {  	[sflag:s24] =	ssyncset.done $0x0;
	(pc) =	sbr.rel @p1 .LBB2_6-.Ltmp3, $4  }
0x6a: {  	[sflag:s24] =	ssyncadd.s32 $0xFFFFE0C0  }
0x6b: {  	_ =	swait.ge [sflag:s26], $0x1F40  }
0x6c: {  	[sflag:s26] =	ssyncset.done $0x0  }
0x6d: {  	s22 =	sadd.s32 $0x9F80, s1;
	[sflag:s26] =	ssyncadd.s32 $0xFFFFE0C0  }
.Ltmp4:
0x6e: {  	(pc) =	sbr.rel .LBB2_4-.Ltmp4, $4  }
0x6f: {  	s1 =	sadd.s32 $0x5000, s1  }
0x70: {  	[tilespmem:s20], [sflag:$0x1] =	stream.indirect.gather [hbm4b:s12+s19], $0x40, s1, s19, $0xb8;
	[tilespmem:$0x19AC0] =	vst v63  }
0x71: {  	s0 =	sadd.s32 $0x400, s0  }
0x72: {  	[spmem:s2] =	stream.indirect.scatter.add.f32 [tilespmem:s23], [sflag:$0x4], $0x40, s22, s19, $0xb8;
	[tilespmem:$0x19AC0] =	vst v63  }
.LBB2_7:
0x73: {  	_ =	sfence.sel $0x180000  }
0x74: {  	[bflag:$0x0] =	sbarrier.arrive $0xFFFF  }
0x75: {  	_ =	strace $0x9000004A  }
0x76: {  	s0 =	stileid.u32;
	[bflag:$0x2] =	sbarrier.arrive $0xFFFF  }
0x77: {  	p0 =	sne.s32 s0, $0x0;
	s0 =	rddreg [dreg:$0x2]  }
0x78: {  	s0 =	sadd.s32 @!p0 $0x100000, s0  }
0x79: {  	[sflag:s0] =	ssyncadd.tile.s32 @!p0 $0x1;
	_ =	shalt  }
.Lfunc_end2:
_tile_overlayer_lowered:
.L_overlay_start_2:
0x7a: {  	(tag) =	ssettag $0x2  }
0x7b: {  	s0 =	rddreg [dreg:$0x0];
	s2 =	stileid.u32  }
0x7c: {  	s1 =	rddreg [dreg:$0x1];
	p0 =	sne.s32 s2, $0x0  }
0x7d: {  	s3 =	rddreg [dreg:$0x2];
	[bflag:$0x3] =	sbarrier.arrive $0xFFFF;
	s2 =	simm.s32 @!p0 $0x1C05  }
0x7e: {  	[timem:s3], [sflag:s2] =	dma.local @!p0 [hbm:s0], s1  }
0x7f: {  	s0 =	simm.s32 @!p0 $0x5  }
0x80: {  	_ =	swait.ge @!p0 [sflag:s0], s1  }
0x81: {  	s1 =	ssub.s32 @!p0 $0x0, s1;
	[sflag:s0] =	ssyncset.done @!p0 $0x0  }
0x82: {  	[sflag:s0] =	ssyncadd.s32 @!p0 s1  }
0x83: {  	[bflag:$0x3] =	sbarrier.arrive $0xFFFF  }
0x84: {  	_ =	shalt  }

// kernel: sc_mp_round.7.cloned.1.call-start
scs
__scs_entry_jumppad:
0x0: {  	(pc) =	sbr.rel $0x88, $3  }
0x1: {  	(tag) =	ssettag $0x0;
	lr =	simm.s32 $0x1  }
0x2: {  	[smem:$0x3F92] =	sst lr;
	_ =	strace $0xD0000000  }
0x3: {  	_ = 	snop  }
0x4: {  	_ = 	snop  }
0x5: {  	_ = 	snop  }
0x6: {  	_ = 	snop  }
0x7: {  	_ = 	snop  }
__scs_overlays_trampoline_lowered:
0x8: {  	[smem:$0x3FA1] =	sst s0  }
0x9: {  	[smem:$0x3FA2] =	sst s1  }
0xa: {  	[smem:$0x3FA3] =	sst s2  }
0xb: {  	[smem:$0x3FA4] =	sst s3  }
0xc: {  	[smem:$0x3FA5] =	sst s4  }
0xd: {  	[smem:$0x3FA6] =	sst s5  }
0xe: {  	[smem:$0x3FA7] =	sst s6  }
0xf: {  	[smem:$0x3FA8] =	sst s7  }
0x10: {  	[smem:$0x3FA9] =	sst s8  }
0x11: {  	[smem:$0x3FAA] =	sst s9;
	s0 =	simm.s32 @!p0 $0x0  }
0x12: {  	s1 =	sld [smem:$0x3F90];
	s0 =	simm.s32 @p0 $0x1  }
0x13: {  	[smem:$0x3FAB] =	sst s0;
	s0 =	simm.s32 @!p1 $0x0  }
0x14: {  	s2 =	sld [smem:$0x3F8F];
	s0 =	simm.s32 @p1 $0x1  }
0x15: {  	[smem:$0x3FAC] =	sst s0;
	s0 =	simm.s32 @!p2 $0x0  }
0x16: {  	s3 =	sld [smem:$0x3FDB];
	s0 =	simm.s32 @p2 $0x1  }
0x17: {  	s4 =	simm.s32 $0x1BF5;
	[smem:$0x3FAE] =	sst s0  }
0x18: {  	s0 =	sld [smem:$0x3F91];
	_ =	swait.ge [sflag:s4], $0x0  }
0x19: {  	s7 =	sld [smem:$0x3F92]  }
0x1a: {  	s8 =	sadd.s32 $0xFFFFE003, lr  }
0x1b: {  	s9 =	sadd.s32 $0xFFFFFEF7, lr;
	s5 =	simm.s32 $0xFFFFFFFF;
	p2 =	slt.u32 s8, $0xFFFFF086  }
0x1c: {  	p1 =	slt.u32 s9, $0xF7A;
	s5 =	simm.s32 @!p2 $0x0  }
0x1d: {  	s5 =	simm.s32 @p1 $0x1;
	p0 =	seq.s32 s7, s2  }
0x1e: {  	s7 =	smul.u32 @!p0 $0xF7A, s2;
	p2 =	seq.s32 @!p0 s5, $0x0  }
0x1f: {  	s9 =	smul.u32 $0xF7A, s1;
	s8 =	simm.s32 @!p0 $0x1BF5;
	p2 =	por !p2, p0  }
0x20: {  	[sflag:s8] =	ssyncset.s32 @!p0 $0xFFFFF086;
	s6 =	sadd.s32 @!p0 s3, s7;
	s7 =	simm.s32 @!p0 $0x108  }
0x21: {  	s3 =	sadd.s32 s3, s9;
	s6 =	sadd.s32 @!p0 $0x88, s6;
	s7 =	simm.s32 @p2 $0x1082  }
0x22: {  	[simem:s7], [sflag:s8] =	dma.local @!p0 [hbm:s6], $0xF7A  }
0x23: {  	s9 =	sor.u32 $0xD0000000, s2;
	s6 =	simm.s32 $0x108;
	_ =	swait.ge @!p0 [sflag:s8], $0x0  }
0x24: {  	s3 =	sadd.s32 $0x88, s3;
	s6 =	simm.s32 @!p1 $0x1082;
	[sflag:s4] =	ssyncset.s32 $0xFFFFF086  }
0x25: {  	[simem:s6], [sflag:s4] =	dma.local [hbm:s3], $0xF7A  }
0x26: {  	[smem:$0x3F92] =	sst s1;
	(tag) =	ssettag s2;
	_ =	strace s9  }
0x27: {  	s1 =	sld [smem:$0x3FA2]  }
0x28: {  	s2 =	sld [smem:$0x3FA3]  }
0x29: {  	s4 =	sld [smem:$0x3FA5]  }
0x2a: {  	p0 =	seq.s32 s5, $0x0;
	s5 =	sld [smem:$0x3FA6]  }
0x2b: {  	s6 =	sld [smem:$0x3FA7]  }
0x2c: {  	s7 =	sld [smem:$0x3FA8]  }
0x2d: {  	s3 =	simm.s32 $0x108;
	s8 =	sld [smem:$0x3FA9]  }
0x2e: {  	s3 =	simm.s32 @!p0 $0x1082;
	s9 =	sld [smem:$0x3FAA]  }
0x2f: {  	lr =	sadd.s32 s0, s3;
	s0 =	sld [smem:$0x3FA1]  }
0x30: {  	s3 =	sld [smem:$0x3FA4]  }
0x31: {  	[smem:$0x3FAD] =	sst s10  }
0x32: {  	s10 =	sld [smem:$0x3FAB];
	_ =	sdelay $0x3  }
0x33: {  	p0 =	seq.s32 s10, $0x1;
	s10 =	sld [smem:$0x3FAD];
	_ =	sdelay $0x3  }
0x34: {  	[smem:$0x3FAD] =	sst s10  }
0x35: {  	s10 =	sld [smem:$0x3FAC];
	_ =	sdelay $0x3  }
0x36: {  	p1 =	seq.s32 s10, $0x1;
	s10 =	sld [smem:$0x3FAD];
	_ =	sdelay $0x3  }
0x37: {  	[smem:$0x3FAD] =	sst s10  }
0x38: {  	s10 =	sld [smem:$0x3FAE]  }
0x39: {  	_ = 	snop;
	(pc) =	sbr.ind lr, $3  }
0x3a: {  	_ = 	snop  }
0x3b: {  	_ = 	snop  }
0x3c: {  	p2 =	seq.s32 s10, $0x1;
	s10 =	sld [smem:$0x3FAD]  }
0x3d: {  	_ =	shalt  }
0x3e: {  	_ =	shalt  }
0x3f: {  	_ =	shalt  }
0x40: {  	_ =	shalt  }
0x41: {  	_ =	shalt  }
0x42: {  	_ =	shalt  }
0x43: {  	_ =	shalt  }
0x44: {  	_ =	shalt  }
0x45: {  	_ =	shalt  }
0x46: {  	_ =	shalt  }
0x47: {  	_ =	shalt  }
0x48: {  	_ =	shalt  }
0x49: {  	_ =	shalt  }
0x4a: {  	_ =	shalt  }
0x4b: {  	_ =	shalt  }
0x4c: {  	_ =	shalt  }
0x4d: {  	_ =	shalt  }
0x4e: {  	_ =	shalt  }
0x4f: {  	_ =	shalt  }
0x50: {  	_ =	shalt  }
0x51: {  	_ =	shalt  }
0x52: {  	_ =	shalt  }
0x53: {  	_ =	shalt  }
0x54: {  	_ =	shalt  }
0x55: {  	_ =	shalt  }
0x56: {  	_ =	shalt  }
0x57: {  	_ =	shalt  }
0x58: {  	_ =	shalt  }
0x59: {  	_ =	shalt  }
0x5a: {  	_ =	shalt  }
0x5b: {  	_ =	shalt  }
0x5c: {  	_ =	shalt  }
0x5d: {  	_ =	shalt  }
0x5e: {  	_ =	shalt  }
0x5f: {  	_ =	shalt  }
0x60: {  	_ =	shalt  }
0x61: {  	_ =	shalt  }
0x62: {  	_ =	shalt  }
0x63: {  	_ =	shalt  }
0x64: {  	_ =	shalt  }
0x65: {  	_ =	shalt  }
0x66: {  	_ =	shalt  }
0x67: {  	_ =	shalt  }
0x68: {  	_ =	shalt  }
0x69: {  	_ =	shalt  }
0x6a: {  	_ =	shalt  }
0x6b: {  	_ =	shalt  }
0x6c: {  	_ =	shalt  }
0x6d: {  	_ =	shalt  }
0x6e: {  	_ =	shalt  }
0x6f: {  	_ =	shalt  }
0x70: {  	_ =	shalt  }
0x71: {  	_ =	shalt  }
0x72: {  	_ =	shalt  }
0x73: {  	_ =	shalt  }
0x74: {  	_ =	shalt  }
0x75: {  	_ =	shalt  }
0x76: {  	_ =	shalt  }
0x77: {  	_ =	shalt  }
0x78: {  	_ =	shalt  }
0x79: {  	_ =	shalt  }
0x7a: {  	_ =	shalt  }
0x7b: {  	_ =	shalt  }
0x7c: {  	_ =	shalt  }
0x7d: {  	_ =	shalt  }
0x7e: {  	_ =	shalt  }
0x7f: {  	_ =	shalt  }
0x80: {  	_ =	shalt  }
0x81: {  	_ =	shalt  }
0x82: {  	_ =	shalt  }
0x83: {  	_ =	shalt  }
0x84: {  	_ =	shalt  }
0x85: {  	_ =	shalt  }
0x86: {  	_ =	shalt  }
0x87: {  	_ =	shalt  }
.Lfunc_end0:
.L_simem_size_0:
called_computation.2_lowered:
.L_overlay_start_0:
0x88: {  	s2 =	sld [smem:$0x3FD9]  }
0x89: {  	s3 =	sld [smem:$0x3FFE];
	_ =	sdelay $0x1  }
0x8a: {  	s1 =	srdreg.scid  }
0x8b: {  	s0 =	sand.u32 $0x1, s1  }
0x8c: {  	s16 =	sshll.u32 s0, $0xA;
	s2 =	sadd.s32 s3, s2  }
0x8d: {  	s2 =	sadd.s32 s2, s16  }
0x8e: {  	[smem:$0x3FB9] =	sst s2  }
0x8f: {  	_ = 	snop  }
0x90: {  	(tm) =	ssettm $0x1  }
0x91: {  	s17 =	sld [smem:$0x3FFB];
	_ =	sdelay $0x3  }
0x92: {  	_ =	strace s17  }
0x93: {  	s2 =	sld [smem:$0x3FFC];
	_ =	sdelay $0x3  }
0x94: {  	_ =	strace s2  }
0x95: {  	s2 =	sld [smem:$0x3FFD];
	_ =	sdelay $0x3  }
0x96: {  	_ =	strace s2  }
0x97: {  	_ =	strace $0x8FFFFFFF  }
0x98: {  	s18 =	sld [smem:$0x3FDB];
	_ =	sdelay $0x1  }
0x99: {  	s19 =	simm.s32 $_scs_section_size  }
0x9a: {  	s4 =	simm.s32 $_size__tile_overlayer_lowered;
	s5 =	simm.s32 $_tile_overlayer_lowered  }
0x9b: {  	s22 =	simm.s32 $0x1BFF;
	s21 =	sshll.u32 s5, $0x1;
	s2 =	sadd.s32 s19, s18  }
0x9c: {  	s6 =	simm.s32 $0x0;
	s20 =	sshll.u32 s4, $0x1;
	s4 =	sadd.s32 s21, s2  }
0x9d: {  	[timem:s6], [sflag:s22] =	dma.local [hbm:s4], s20  }
0x9e: {  	_ =	swait.ge [sflag:s22], s20  }
0x9f: {  	s3 =	ssub.s32 $0x0, s20;
	[sflag:s22] =	ssyncset.done $0x0  }
0xa0: {  	[sflag:s22] =	ssyncadd.s32 s3;
	_ =	sdelay $0x1  }
0xa1: {  	s23 =	simm.s32 $0x1B8B  }
0xa2: {  	_ =	swait.ge [sflag:s23], $0x1  }
0xa3: {  	[sflag:s23] =	ssyncset.done $0x0  }
0xa4: {  	s25 =	simm.s32 $0x1B8E;
	s24 =	sld [smem:$0x3FFE];
	[sflag:s23] =	ssyncadd.s32 $0xFFFFFFFF  }
0xa5: {  	s26 =	simm.s32 $execute0_lowered;
	[smem:$0x3FD2] =	sst s25  }
0xa6: {  	s4 =	sshll.u32 s26, $0x1;
	_ =	strace $0x8000004C;
	[dreg:$0x1] =	wrdreg $0xFFFFFFFF  }
0xa7: {  	s28 =	simm.s32 $_size_execute0_lowered;
	s2 =	sadd.s32 s2, s4;
	[dreg:$0x0] =	wrdreg $0x0  }
0xa8: {  	s4 =	sshll.u32 s28, $0x1;
	[dreg:$0x2] =	wrdreg s2  }
0xa9: {  	[dreg:$0x3] =	wrdreg s4  }
0xaa: {  	[dreg:$0x4] =	wrdreg $0xC0  }
0xab: {  	_ =	task [dreg:s6], $0x5FFFF  }
0xac: {  	[dreg:$0x1] =	wrdreg $0xFFFFFFFF  }
0xad: {  	[dreg:$0x0] =	wrdreg $0x60  }
0xae: {  	[dreg:$0x2] =	wrdreg s24  }
0xaf: {  	[dreg:$0x3] =	wrdreg $0xFE800  }
0xb0: {  	[dreg:$0x4] =	wrdreg $0x9  }
0xb1: {  	_ =	task.clear_ibuf [dreg:s6], $0x5FFFF;
	_ =	strace $0x9000004C  }
0xb2: {  	s29 =	simm.s32 $0x9;
	_ =	strace $0x8000004E  }
0xb3: {  	_ =	swait.ge [sflag:s29], $0x1  }
0xb4: {  	[sflag:s29] =	ssyncadd.s32 $0xFFFFFFFF  }
0xb5: {  	_ =	strace $0x9000004E  }
0xb6: {  	_ =	sfence  }
0xb7: {  	s30 =	sld [smem:$0x0];
	_ =	sdelay $0x2  }
0xb8: {  	s31 =	sshll.u32 s1, $0xD;
	s1 =	sshrl.u32 s1, $0x2  }
0xb9: {  	s3 =	sand.u32 $0x4000, s31;
	s1 =	sadd.s32 s1, s30  }
0xba: {  	s0 =	sor.u32 s3, s0;
	s1 =	sshll.u32 s1, $0x11  }
0xbb: {  	s0 =	sor.u32 s1, s0  }
0xbc: {  	s0 =	sadd.s32 $0x8F2B, s0  }
0xbd: {  	[sflag:s0] =	ssyncadd.remote.s32 $0x1  }
0xbe: {  	_ =	sfence.sel $0xFFFF  }
0xbf: {  	[dreg:$0x0] =	wrdreg $0xFFFFFFFF;
	(pc) =	sbr.abs _section_cstart, $3  }
0xc0: {  	[dreg:$0x1] =	wrdreg $0xFFFFFFFF  }
0xc1: {  	_ =	task.clear_ibuf [dreg:s6], $0x2FFFF;
	_ =	strace $0x9FFFFFFF  }
0xc2: {  	(tm) =	ssettm $0x7FFFFFFF  }
0xc3: {  	_ =	shalt  }
tec
execute0_lowered:
.L_overlay_start_1:
0x0: {  	(tag) =	ssettag $0x1  }
0x1: {  	s0 =	rddreg [dreg:$0x0];
	s1 =	srdreg.scid  }
0x2: {  	s2 =	rddreg [dreg:$0x1];
	s16 =	stileid.u32;
	s3 =	simm.s32 $0x0  }
0x3: {  	s17 =	simm.s32 $0x5;
	s18 =	simm.s32 $0x5000;
	s19 =	simm.s32 $0x7D  }
0x4: {  	s20 =	simm.s32 $0xA000;
	s21 =	simm.s32 $0x1;
	s28 =	simm.s32 $0x100  }
0x5: {  	s29 =	simm.s32 $0x5080;
	s30 =	simm.s32 $0x4;
	s4 =	smul.u32 $0xA00, s16  }
0x6: {  	s31 =	simm.s32 $0x0;
	s1 =	sand.u32 $0x1, s1;
	s5 =	smul.u32 $0x28000, s16  }
0x7: {  	[smem:$0x7FF] =	sst s3;
	s15 =	smul.u32 $0xA000, s16;
	s9 =	sadd.s32 $0x9C000, s2  }
0x8: {  	p0 =	seq.s32 s16, $0xF;
	s16 =	simm.s32 $0xDE80;
	s11 =	smul.u32 $0x9C400, s1  }
0x9: {  	_ =	strace $0x8000004D;
	s1 =	ssub.s32 $0x2, s1;
	s14 =	sadd.s32 s4, s0  }
0xa: {  	s23 =	sshrl.u32 s5, $0x2;
	s24 =	sshrl.u32 s1, $0x1;
	s4 =	sadd.s32 s15, s2  }
0xb: {  	s12 =	sshrl.u32 s11, $0x3;
	s8 =	sadd.s32 s23, s2;
	s1 =	ssub.s32 s1, s24  }
0xc: {  	s10 =	sadd.s32 $0x17E00, s14;
	s15 =	sadd.s32 s15, s11;
	s11 =	sadd.s32 $0x4000, s14  }
0xd: {  	s23 =	simm.s32 $0xBF40;
	s24 =	simm.s32 $0x2;
	s13 =	sadd.s32 s12, s0  }
.Ltmp0:
0xe: {  	s0 =	sadd.s32 $0x49000, s0;
	s5 =	sadd.s32 $0x2000, s8;
	(pc) =	sbr.rel .LBB2_1-.Ltmp0, $4  }
0xf: {  	s6 =	sadd.s32 $0x4000, s8;
	s7 =	sadd.s32 $0x6000, s8;
	s8 =	sadd.s32 $0x8000, s8  }
0x10: {  	s25 =	sshrl.u32 s15, $0x3;
	s15 =	smax.u32 s1, $0x1;
	s26 =	sadd.s32 s0, s12  }
0x11: {  	s12 =	sadd.s32 $0x21E00, s13;
	s13 =	sadd.s32 s0, s25;
	s0 =	sadd.s32 $0x96000, s2  }
0x12: {  	v0 =	vimm.f32 $0.0e+00;
	s14 =	sadd.s32 $0x12C00, s26;
	s25 =	sshrl.u32 @p0 s0, $0x3;
	s26 =	simm.s32 $0x3  }
.LBB2_6:
0x13: {  	[spmem:s2] =	stream.indirect.scatter.add.f32 [tilespmem:s23], [sflag:$0x4], $0x40, s22, s19, $0xb8;
	[tilespmem:$0x19AC0] =	vst v63  }
0x14: {  	_ =	swait.ge [sflag:s30], $0x1F40  }
0x15: {  	[sflag:s30] =	ssyncset.done $0x0  }
0x16: {  	[sflag:s30] =	ssyncadd.s32 $0xFFFFE0C0  }
0x17: {  	s0 =	simm.s32 @p0 $0x1FC5;
	[bflag:$0x0] =	sbarrier.arrive $0xFFFF  }
0x18: {  	[hbm:s14], [sflag:s0] =	dma.local @p0 [spmem:s25], $0xC80  }
0x19: {  	s0 =	simm.s32 @p0 $0x5  }
0x1a: {  	s1 =	stileid.u32;
	s31 =	sadd.s32 $0x1, s31;
	_ =	swait.ge @p0 [sflag:s0], $0xC80  }
0x1b: {  	s1 =	sshll.u32 @!p0 s1, $0x6;
	p1 =	sne.s32 s31, s15;
	[sflag:s0] =	ssyncset.done @p0 $0x0  }
0x1c: {  	[sflag:s0] =	ssyncadd.s32 @p0 $0xFFFFF380;
	s0 =	sor.u32 @!p0 $0x1C05, s1;
	s1 =	sshrl.u32 @!p0 s4, $0x3  }
0x1d: {  	[hbm:s13], [sflag:s0] =	dma.local @!p0 [spmem:s1], $0x1400  }
.Ltmp1:
0x1e: {  	_ = 	snop;
	(pc) =	sbr.rel @!p1 .LBB2_7-.Ltmp1, $4  }
0x1f: {  	s0 =	simm.s32 @!p0 $0x5  }
0x20: {  	_ =	swait.ge @!p0 [sflag:s0], $0x1400  }
0x21: {  	[sflag:s0] =	ssyncset.done @!p0 $0x0  }
0x22: {  	[sflag:s0] =	ssyncadd.s32 @!p0 $0xFFFFEC00  }
.LBB2_1:
0x23: {  	s1 =	simm.s32 $0x100;
	s0 =	simm.s32 $0x0  }
.LBB2_2:
0x24: {  	p1 =	sne.s32 s1, $0x7F00;
	[tilespmem:s0+$0xDEB0] =	vst v0;
	s22 =	smov.u32 s1;
	s1 =	sadd.s32 $0x100, s1  }
.Ltmp2:
0x25: {  	[tilespmem:s0+$0xDEA0] =	vst v0;
	(pc) =	sbr.rel @p1 .LBB2_2-.Ltmp2, $3  }
0x26: {  	[tilespmem:s0+$0xDE80] =	vst v0  }
0x27: {  	[tilespmem:s0+$0xDE90] =	vst v0;
	_ =	sdelay $0x1  }
0x28: {  	s0 =	sshra.s32 s22, $0x2  }
0x29: {  	[tilespmem:s0+$0xDEB0] =	vst v0  }
0x2a: {  	[tilespmem:s0+$0xDEA0] =	vst v0  }
0x2b: {  	[tilespmem:s0+$0xDE80] =	vst v0  }
0x2c: {  	[tilespmem:s0+$0xDE90] =	vst v0  }
0x2d: {  	[spmem:s4] =	stream.linear.scatter [tilespmem:s16], [sflag:$0x5], $0x2000, $0x38;
	[tilespmem:$0x19AC0] =	vst v63  }
0x2e: {  	_ =	swait.ge [sflag:s17], $0x2000  }
0x2f: {  	[sflag:s17] =	ssyncset.done $0x0  }
0x30: {  	[sflag:s17] =	ssyncadd.s32 $0xFFFFE000  }
0x31: {  	[spmem:s5] =	stream.linear.scatter [tilespmem:s16], [sflag:$0x5], $0x2000, $0x38;
	[tilespmem:$0x19AC0] =	vst v63  }
0x32: {  	_ =	swait.ge [sflag:s17], $0x2000  }
0x33: {  	[sflag:s17] =	ssyncset.done $0x0  }
0x34: {  	[sflag:s17] =	ssyncadd.s32 $0xFFFFE000  }
0x35: {  	[spmem:s6] =	stream.linear.scatter [tilespmem:s16], [sflag:$0x5], $0x2000, $0x38;
	[tilespmem:$0x19AC0] =	vst v63  }
0x36: {  	_ =	swait.ge [sflag:s17], $0x2000  }
0x37: {  	[sflag:s17] =	ssyncset.done $0x0  }
0x38: {  	s0 =	simm.s32 @p0 $0xDE80;
	[sflag:s17] =	ssyncadd.s32 $0xFFFFE000  }
0x39: {  	[spmem:s9] =	stream.linear.scatter @p0 [tilespmem:s0], [sflag:$0x5], $0x400, $0x38;
	[tilespmem:$0x19AC0] =	vst v63  }
0x3a: {  	s0 =	simm.s32 @p0 $0x5  }
0x3b: {  	_ =	swait.ge @p0 [sflag:s0], $0x400  }
0x3c: {  	[sflag:s0] =	ssyncset.done @p0 $0x0  }
0x3d: {  	s1 =	simm.s32 @!p0 $0x5;
	[sflag:s0] =	ssyncadd.s32 @p0 $0xFFFFFC00;
	s0 =	simm.s32 @!p0 $0xDE80  }
0x3e: {  	[spmem:s7] =	stream.linear.scatter @!p0 [tilespmem:s0], [sflag:$0x5], $0x2000, $0x38;
	[tilespmem:$0x19AC0] =	vst v63  }
0x3f: {  	_ =	swait.ge @!p0 [sflag:s1], $0x2000  }
0x40: {  	[sflag:s1] =	ssyncset.done @!p0 $0x0  }
0x41: {  	[sflag:s1] =	ssyncadd.s32 @!p0 $0xFFFFE000  }
0x42: {  	[spmem:s8] =	stream.linear.scatter @!p0 [tilespmem:s0], [sflag:$0x5], $0x2000, $0x38;
	[tilespmem:$0x19AC0] =	vst v63  }
0x43: {  	_ =	swait.ge @!p0 [sflag:s1], $0x2000  }
0x44: {  	[sflag:s1] =	ssyncset.done @!p0 $0x0  }
0x45: {  	[sflag:s1] =	ssyncadd.s32 @!p0 $0xFFFFE000  }
0x46: {  	[tilespmem:s3], [sflag:$0x5] =	stream.linear.gather [hbm4b:s10+s3], $0x5000, $0x38;
	[tilespmem:$0x19AC0] =	vst v63  }
0x47: {  	_ =	swait.ge [sflag:s17], $0x5000  }
0x48: {  	[sflag:s17] =	ssyncset.done $0x0  }
0x49: {  	[sflag:s17] =	ssyncadd.s32 $0xFFFFB000  }
0x4a: {  	[tilespmem:s18], [sflag:$0x5] =	stream.linear.gather [hbm4b:s11+s3], $0x5000, $0x38;
	[tilespmem:$0x19AC0] =	vst v63  }
0x4b: {  	_ =	swait.ge [sflag:s17], $0x5000  }
0x4c: {  	[sflag:s17] =	ssyncset.done $0x0  }
0x4d: {  	[sflag:s17] =	ssyncadd.s32 $0xFFFFB000  }
0x4e: {  	[bflag:$0x0] =	sbarrier.arrive $0xFFFF  }
0x4f: {  	[tilespmem:s20], [sflag:$0x1] =	stream.indirect.gather [hbm4b:s12+s19], $0x40, s3, s19, $0xb8;
	[tilespmem:$0x19AC0] =	vst v63  }
0x50: {  	_ =	swait.ge [sflag:s21], $0x1F40  }
0x51: {  	[sflag:s21] =	ssyncset.done $0x0  }
0x52: {  	s22 =	simm.s32 $0x80;
	[sflag:s21] =	ssyncadd.s32 $0xFFFFE0C0  }
0x53: {  	[tilespmem:s23], [sflag:$0x2] =	stream.indirect.gather [hbm4b:s12+s19], $0x40, s22, s19, $0xb8;
	[tilespmem:$0x19AC0] =	vst v63  }
0x54: {  	_ = 	snop  }
0x55: {  	[spmem:s2] =	stream.indirect.scatter.add.f32 [tilespmem:s20], [sflag:$0x3], $0x40, s18, s19, $0xb8;
	[tilespmem:$0x19AC0] =	vst v63  }
0x56: {  	_ =	swait.ge [sflag:s24], $0x1F40  }
0x57: {  	[sflag:s24] =	ssyncset.done $0x0  }
0x58: {  	[sflag:s24] =	ssyncadd.s32 $0xFFFFE0C0  }
0x59: {  	_ =	swait.ge [sflag:s26], $0x1F40  }
0x5a: {  	[sflag:s26] =	ssyncset.done $0x0  }
0x5b: {  	[sflag:s26] =	ssyncadd.s32 $0xFFFFE0C0  }
0x5c: {  	[tilespmem:s20], [sflag:$0x1] =	stream.indirect.gather [hbm4b:s12+s19], $0x40, s28, s19, $0xb8;
	[tilespmem:$0x19AC0] =	vst v63  }
0x5d: {  	s0 =	simm.s32 $0xFFFEC800  }
0x5e: {  	[spmem:s2] =	stream.indirect.scatter.add.f32 [tilespmem:s23], [sflag:$0x4], $0x40, s29, s19, $0xb8;
	[tilespmem:$0x19AC0] =	vst v63  }
.LBB2_4:
0x5f: {  	_ =	swait.ge [sflag:s21], $0x1F40  }
0x60: {  	[sflag:s21] =	ssyncset.done $0x0  }
0x61: {  	[sflag:s21] =	ssyncadd.s32 $0xFFFFE0C0  }
0x62: {  	_ =	swait.ge [sflag:s30], $0x1F40  }
0x63: {  	s1 =	sshra.s32 s0, $0x2;
	[sflag:s30] =	ssyncset.done $0x0  }
0x64: {  	s22 =	sadd.s32 $0x4F80, s1;
	[sflag:s30] =	ssyncadd.s32 $0xFFFFE0C0  }
0x65: {  	[tilespmem:s23], [sflag:$0x2] =	stream.indirect.gather [hbm4b:s12+s19], $0x40, s22, s19, $0xb8;
	[tilespmem:$0x19AC0] =	vst v63  }
0x66: {  	s22 =	sadd.s32 $0x9F00, s1  }
0x67: {  	[spmem:s2] =	stream.indirect.scatter.add.f32 [tilespmem:s20], [sflag:$0x3], $0x40, s22, s19, $0xb8;
	[tilespmem:$0x19AC0] =	vst v63  }
0x68: {  	p1 =	seq.s32 s0, $0x0;
	_ =	swait.ge [sflag:s24], $0x1F40  }
.Ltmp3:
0x69: {  	[sflag:s24] =	ssyncset.done $0x0;
	(pc) =	sbr.rel @p1 .LBB2_6-.Ltmp3, $4  }
0x6a: {  	[sflag:s24] =	ssyncadd.s32 $0xFFFFE0C0  }
0x6b: {  	_ =	swait.ge [sflag:s26], $0x1F40  }
0x6c: {  	[sflag:s26] =	ssyncset.done $0x0  }
0x6d: {  	s22 =	sadd.s32 $0x9F80, s1;
	[sflag:s26] =	ssyncadd.s32 $0xFFFFE0C0  }
.Ltmp4:
0x6e: {  	(pc) =	sbr.rel .LBB2_4-.Ltmp4, $4  }
0x6f: {  	s1 =	sadd.s32 $0x5000, s1  }
0x70: {  	[tilespmem:s20], [sflag:$0x1] =	stream.indirect.gather [hbm4b:s12+s19], $0x40, s1, s19, $0xb8;
	[tilespmem:$0x19AC0] =	vst v63  }
0x71: {  	s0 =	sadd.s32 $0x400, s0  }
0x72: {  	[spmem:s2] =	stream.indirect.scatter.add.f32 [tilespmem:s23], [sflag:$0x4], $0x40, s22, s19, $0xb8;
	[tilespmem:$0x19AC0] =	vst v63  }
.LBB2_7:
0x73: {  	_ =	sfence.sel $0x180000  }
0x74: {  	[bflag:$0x0] =	sbarrier.arrive $0xFFFF  }
0x75: {  	_ =	strace $0x9000004D  }
0x76: {  	s0 =	stileid.u32;
	[bflag:$0x2] =	sbarrier.arrive $0xFFFF  }
0x77: {  	p0 =	sne.s32 s0, $0x0;
	s0 =	rddreg [dreg:$0x2]  }
0x78: {  	s0 =	sadd.s32 @!p0 $0x100000, s0  }
0x79: {  	[sflag:s0] =	ssyncadd.tile.s32 @!p0 $0x1;
	_ =	shalt  }
.Lfunc_end2:
_tile_overlayer_lowered:
.L_overlay_start_2:
0x7a: {  	(tag) =	ssettag $0x2  }
0x7b: {  	s0 =	rddreg [dreg:$0x0];
	s2 =	stileid.u32  }
0x7c: {  	s1 =	rddreg [dreg:$0x1];
	p0 =	sne.s32 s2, $0x0  }
0x7d: {  	s3 =	rddreg [dreg:$0x2];
	[bflag:$0x3] =	sbarrier.arrive $0xFFFF;
	s2 =	simm.s32 @!p0 $0x1C05  }
0x7e: {  	[timem:s3], [sflag:s2] =	dma.local @!p0 [hbm:s0], s1  }
0x7f: {  	s0 =	simm.s32 @!p0 $0x5  }
0x80: {  	_ =	swait.ge @!p0 [sflag:s0], s1  }
0x81: {  	s1 =	ssub.s32 @!p0 $0x0, s1;
	[sflag:s0] =	ssyncset.done @!p0 $0x0  }
0x82: {  	[sflag:s0] =	ssyncadd.s32 @!p0 s1  }
0x83: {  	[bflag:$0x3] =	sbarrier.arrive $0xFFFF  }
0x84: {  	_ =	shalt  }

</sc_bundles>
